<compile_context>
chip_gen: v7x
topology: tpu7x:2x2x1
jax: 0.10.2.dev20260603
libtpu: 0.0.44.dev20260713+nightly
codegen_flags: <defaults>
</compile_context>

<pallas_src>
import jax
import jax.numpy as jnp
from jax import lax
from jax.experimental import pallas as pl
from jax.experimental.pallas import tpu as pltpu
from jax.experimental.pallas import tpu_sc as plsc

EDIM = 64
HD = EDIM // 2
NC, NS = 2, 16
NW = NC * NS
SEG = 64
VB = 8192
QV = VB // 4
MML = 5


def _rne16(u):
    return u + jnp.uint32(0x7FFF) + ((u >> 16) & jnp.uint32(1))


def _transpose_body(x_ref, o_ref):
    x = x_ref[...]
    ulo = lax.bitcast_convert_type(x[:HD, :], jnp.uint32)
    uhi = lax.bitcast_convert_type(x[HD:, :], jnp.uint32)
    packed_u = (_rne16(ulo) >> 16) | (_rne16(uhi) & jnp.uint32(0xFFFF0000))
    packed = lax.bitcast_convert_type(packed_u, jnp.float32)
    for t in range(4):
        o_ref[:, 32 * t:32 * (t + 1)] = packed[:, t * QV:(t + 1) * QV].T


def _tc_table_pack(table_t):
    v = table_t.shape[1]
    nb = pl.cdiv(v, VB)
    return pl.pallas_call(
        _transpose_body,
        grid=(nb,),
        in_specs=[pl.BlockSpec((EDIM, VB), lambda i: (0, i))],
        out_specs=pl.BlockSpec((QV, 128), lambda i: (i, 0)),
        out_shape=jax.ShapeDtypeStruct((nb * QV, 128), jnp.float32),
    )(table_t)


def _gather_body(idx_hbm, table_hbm, out_hbm,
                 ichunk_a, ichunk_b, rows0, rows1, sidx_a, sidx_b,
                 sg, sow0, sow1):
    n4 = out_hbm.shape[0]
    ch_tot = n4 // SEG
    ch_w = ch_tot // NW
    chunks_per_l = idx_hbm.shape[1] // SEG
    wid = lax.axis_index("s") * NC + lax.axis_index("c")
    cbase = wid * ch_w

    def idx_src(c):
        g = cbase + c
        l = g // chunks_per_l
        j = g % chunks_per_l
        return idx_hbm.at[pl.ds(4 * l, 4), pl.ds(SEG * j, SEG)]

    def fire_idx(c, ibuf, sem):
        @pl.when(c < ch_w)
        def _():
            pltpu.async_copy(idx_src(c), ibuf, sem)

    fire_idx(0, ichunk_a, sidx_a)

    def step(p, carry):
        for k, (ibuf, sidx, rows, sow) in enumerate((
                (ichunk_a, sidx_a, rows0, sow0),
                (ichunk_b, sidx_b, rows1, sow1))):
            c = 2 * p + k

            @pl.when(c < ch_w)
            def _():
                g = cbase + c
                fire_idx(c + 1, ichunk_b if k == 0 else ichunk_a,
                         sidx_b if k == 0 else sidx_a)
                pltpu.make_async_copy(idx_src(c), ibuf, sidx).wait()

                @pl.when(c >= 2)
                def _():
                    for h in range(4):
                        pltpu.make_async_copy(
                            rows[h], out_hbm.at[pl.ds(g * SEG, SEG), h],
                            sow).wait()

                for h in range(4):
                    pltpu.async_copy(table_hbm.at[ibuf.at[h]], rows[h], sg)
                for h in range(4):
                    pltpu.make_async_copy(
                        table_hbm.at[ibuf.at[h]], rows[h], sg).wait()
                for h in range(4):
                    pltpu.async_copy(
                        rows[h], out_hbm.at[pl.ds(g * SEG, SEG), h], sow)
        return carry

    lax.fori_loop(0, (ch_w + 1) // 2, step, 0)
    for rows, sow in ((rows0, sow0), (rows1, sow1)):
        for h in range(4):
            pltpu.make_async_copy(
                rows[h], out_hbm.at[pl.ds(0, SEG), h], sow).wait()


def _sc_gather(idx_4d, table_flat):
    n = idx_4d.shape[0] * idx_4d.shape[1]
    mesh = plsc.VectorSubcoreMesh(core_axis_name="c", subcore_axis_name="s")
    return pl.kernel(
        _gather_body,
        out_type=jax.ShapeDtypeStruct((n // 4, 4, HD), jnp.float32),
        mesh=mesh,
        scratch_types=[
            pltpu.VMEM((4, SEG), jnp.int32),
            pltpu.VMEM((4, SEG), jnp.int32),
            [pltpu.VMEM((SEG, HD), jnp.float32)] * 4,
            [pltpu.VMEM((SEG, HD), jnp.float32)] * 4,
            pltpu.SemaphoreType.DMA,
            pltpu.SemaphoreType.DMA,
            pltpu.SemaphoreType.DMA,
            pltpu.SemaphoreType.DMA,
            pltpu.SemaphoreType.DMA,
        ],
        compiler_params=pltpu.CompilerParams(use_tc_tiling_on_sc=False),
    )(idx_4d, table_flat)


def _mm_body(x_ref, w_ref, o_ref):
    qb = x_ref.shape[1]
    w = w_ref[...]
    we = w[:, :HD]
    wo = w[:, HD:]
    dn = (((1,), (1,)), ((), ()))
    for s in range(MML):
        u = lax.bitcast_convert_type(x_ref[s], jnp.uint32)
        xe = lax.bitcast_convert_type(u << 16, jnp.float32)
        xo = lax.bitcast_convert_type(u & jnp.uint32(0xFFFF0000), jnp.float32)
        for t in range(4):
            cs = slice(32 * t, 32 * (t + 1))
            o_ref[s, :, t * qb:(t + 1) * qb] = (
                jax.lax.dot_general(we, xe[:, cs], dn,
                                    preferred_element_type=jnp.float32)
                + jax.lax.dot_general(wo, xo[:, cs], dn,
                                      preferred_element_type=jnp.float32))


def _tc_project_t(emb, w, l, b):
    x128 = emb.reshape(l, b // 4, 4 * HD)
    return pl.pallas_call(
        _mm_body,
        grid=(l // MML,),
        in_specs=[
            pl.BlockSpec((MML, b // 4, 4 * HD), lambda i: (i, 0, 0)),
            pl.BlockSpec((EDIM, EDIM), lambda i: (0, 0)),
        ],
        out_specs=pl.BlockSpec((MML, EDIM, b), lambda i: (i, 0, 0)),
        out_shape=jax.ShapeDtypeStruct((l, EDIM, b), jnp.float32),
    )(x128, w)


def kernel(prem, hypo, table, W):
    B, L = prem.shape
    pairs = _tc_table_pack(table.T)
    table_flat = pairs.reshape(pairs.shape[0] * 4, HD)
    outs = []
    for ind in (prem, hypo):
        idx = ind.T.reshape(4 * L, B // 4)
        ridx = (idx // VB) * VB + 4 * (idx % QV) + (idx % VB) // QV
        emb = _sc_gather(ridx, table_flat)
        out_t = _tc_project_t(emb, W, L, B)
        outs.append(out_t.transpose(2, 0, 1))
    return (outs[0], outs[1])

# --- scband reference (transcript-rebuilt; emitter-appended) ---
"""Pipeline reference for scband-embed-encoder-62955630625471 (READ-ONLY COPY).

The authoritative reference and input builder live on the scoring server;
editing this copy changes nothing except your own understanding.
"""

import jax, jax.numpy as jnp
import numpy as np

VOCAB = 1000000
EDIM = 64
HDIM = 64
B = 4096
L = 50


def setup_inputs(seed: int = 0) -> dict:
    key = jax.random.key(seed)
    k1, k2, k3, k4 = jax.random.split(key, 4)
    prem = jax.random.randint(k1, (B, L), 0, VOCAB, dtype=jnp.int64 if jax.config.jax_enable_x64 else jnp.int32).astype(jnp.int32)
    hypo = jax.random.randint(k2, (B, L), 0, VOCAB, dtype=jnp.int64 if jax.config.jax_enable_x64 else jnp.int32).astype(jnp.int32)
    table = jax.random.normal(k3, (VOCAB, EDIM), dtype=jnp.float32) * 0.02
    # padding_idx=0 -> row 0 initialized to zeros
    table = table.at[0].set(0.0)
    W = jax.random.normal(k4, (HDIM, EDIM), dtype=jnp.float32) * (1.0 / np.sqrt(EDIM))
    return {"prem": prem, "hypo": hypo, "table": table, "W": W}


def reference(prem, hypo, table, W):
    # prem_emb = self.embed(prem); hypo_emb = self.embed(hypo)
    prem_emb = jnp.take(table, prem, axis=0)
    hypo_emb = jnp.take(table, hypo, axis=0)
    # input_linear (no bias): y = x @ W.T
    prem_out = prem_emb @ W.T
    hypo_out = hypo_emb @ W.T
    return (prem_out, hypo_out)

if __name__ == "__main__":
    import jax
    _d = setup_inputs()
    print(jax.jit(kernel)(*tuple(_d.values())))

</pallas_src>

<mosaic_0001>
#map = affine_map<(d0, d1) -> (0, 0)>
#map1 = affine_map<(d0, d1) -> (0, 0, 0)>
module attributes {stable_mosaic.version = 14 : i64} {
  func.func @_gather_body(%arg0: i32, %arg1: i32, %arg2: memref<200x1024xi32, #tpu.memory_space<hbm>>, %arg3: memref<1007616x32xf32, #tpu.memory_space<hbm>>, %arg4: memref<51200x4x32xf32, #tpu.memory_space<hbm>>, %arg5: memref<4x64xi32, #tpu.memory_space<vmem>>, %arg6: memref<4x64xi32, #tpu.memory_space<vmem>>, %arg7: memref<64x32xf32, #tpu.memory_space<vmem>>, %arg8: memref<64x32xf32, #tpu.memory_space<vmem>>, %arg9: memref<64x32xf32, #tpu.memory_space<vmem>>, %arg10: memref<64x32xf32, #tpu.memory_space<vmem>>, %arg11: memref<64x32xf32, #tpu.memory_space<vmem>>, %arg12: memref<64x32xf32, #tpu.memory_space<vmem>>, %arg13: memref<64x32xf32, #tpu.memory_space<vmem>>, %arg14: memref<64x32xf32, #tpu.memory_space<vmem>>, %arg15: memref<!tpu.dma_semaphore, #tpu.memory_space<semaphore_mem>>, %arg16: memref<!tpu.dma_semaphore, #tpu.memory_space<semaphore_mem>>, %arg17: memref<!tpu.dma_semaphore, #tpu.memory_space<semaphore_mem>>, %arg18: memref<!tpu.dma_semaphore, #tpu.memory_space<semaphore_mem>>, %arg19: memref<!tpu.dma_semaphore, #tpu.memory_space<semaphore_mem>>) attributes {dimension_semantics = [#tpu.dimension_semantics<core_parallel>, #tpu.dimension_semantics<subcore_parallel>], iteration_bounds = array<i64: 2, 16>, scalar_prefetch = 0 : i64, scratch_operands = 15 : i64, tpu.core_type = #tpu.core_type<sc_vector_subcore>, window_params = [{transform_indices = #map}, {transform_indices = #map}, {transform_indices = #map1}]} {
    %mul3A = arith.constant 2 : i32
    %mul3A_0 = arith.muli %arg1, %mul3A : i32
    %add3A = arith.addi %mul3A_0, %arg0 : i32
    %mul3A_1 = arith.constant 25 : i32
    %mul3A_2 = arith.muli %add3A, %mul3A_1 : i32
    %add3A_3 = arith.constant 0 : i32
    %add3A_4 = arith.addi %mul3A_2, %add3A_3 : i32
    %jit3A = arith.constant 16 : i32
    %div3A = arith.divsi %add3A_4, %jit3A : i32
    %sign3A = arith.constant 0 : i32
    %sign3A_5 = arith.cmpi sgt, %add3A_4, %sign3A : i32
    %sign3A_6 = arith.extui %sign3A_5 : i1 to i32
    %sign3A_7 = arith.constant 0 : i32
    %sign3A_8 = arith.cmpi slt, %add3A_4, %sign3A_7 : i32
    %sign3A_9 = arith.extui %sign3A_8 : i1 to i32
    %sign3A_10 = arith.subi %sign3A_6, %sign3A_9 : i32
    %sign3A_11 = arith.constant 0 : i32
    %sign3A_12 = arith.cmpi sgt, %jit3A, %sign3A_11 : i32
    %sign3A_13 = arith.extui %sign3A_12 : i1 to i32
    %sign3A_14 = arith.constant 0 : i32
    %sign3A_15 = arith.cmpi slt, %jit3A, %sign3A_14 : i32
    %sign3A_16 = arith.extui %sign3A_15 : i1 to i32
    %sign3A_17 = arith.subi %sign3A_13, %sign3A_16 : i32
    %ne3A = arith.cmpi ne, %sign3A_10, %sign3A_17 : i32
    %rem3A = arith.remsi %add3A_4, %jit3A : i32
    %ne3A_18 = arith.constant 0 : i32
    %ne3A_19 = arith.cmpi ne, %rem3A, %ne3A_18 : i32
    %and3A = arith.andi %ne3A, %ne3A_19 : i1
    %sub3A = arith.constant 1 : i32
    %sub3A_20 = arith.subi %div3A, %sub3A : i32
    %select_n3A = arith.select %and3A, %sub3A_20, %div3A : i32
    %jit3A_21 = arith.constant 16 : i32
    %eq3A = arith.constant 0 : i32
    %eq3A_22 = arith.cmpi eq, %jit3A_21, %eq3A : i32
    %jit3A_23 = arith.constant 1 : i32
    %select_n3A_24 = arith.select %eq3A_22, %jit3A_23, %jit3A_21 : i32
    %rem3A_25 = arith.remsi %add3A_4, %select_n3A_24 : i32
    %ne3A_26 = arith.constant 0 : i32
    %ne3A_27 = arith.cmpi ne, %rem3A_25, %ne3A_26 : i32
    %lt3A = arith.constant 0 : i32
    %lt3A_28 = arith.cmpi slt, %rem3A_25, %lt3A : i32
    %lt3A_29 = arith.constant 0 : i32
    %lt3A_30 = arith.cmpi slt, %select_n3A_24, %lt3A_29 : i32
    %ne3A_31 = arith.xori %lt3A_28, %lt3A_30 : i1
    %and3A_32 = arith.andi %ne3A_31, %ne3A_27 : i1
    %add3A_33 = arith.addi %rem3A_25, %select_n3A_24 : i32
    %select_n3A_34 = arith.select %and3A_32, %add3A_33, %rem3A_25 : i32
    %mul3A_35 = arith.constant 4 : i32
    %mul3A_36 = arith.muli %mul3A_35, %select_n3A : i32
    %mul3A_37 = arith.constant 64 : i32
    %mul3A_38 = arith.muli %mul3A_37, %select_n3A_34 : i32
    %dma_start3A = tpu.memref_slice %arg2[%mul3A_36, %mul3A_38] : memref<200x1024xi32, #tpu.memory_space<hbm>> -> memref<4x64xi32, #tpu.memory_space<hbm>>
    %dma_start3A_39 = tpu.memref_slice %arg2[%mul3A_36, %mul3A_38] : memref<200x1024xi32, #tpu.memory_space<hbm>> -> memref<4x64xi32, #tpu.memory_space<hbm>>
    tpu.enqueue_dma source(%dma_start3A_39 : memref<4x64xi32, #tpu.memory_space<hbm>>) target(%arg5 : memref<4x64xi32, #tpu.memory_space<vmem>>) target_semaphore(%arg15 : memref<!tpu.dma_semaphore, #tpu.memory_space<semaphore_mem>>)
    %scan3A = arith.constant 0 : i32
    %scan3A_40 = arith.constant 0 : i32
    %scan3A_41 = arith.constant 13 : i32
    %scan3A_42 = arith.addi %scan3A_40, %scan3A_41 : i32
    %scan3A_43 = arith.constant 1 : i32
    scf.for %scan3A_116 = %scan3A_40 to %scan3A_42 step %scan3A_43  : i32 {
      %mul3A_117 = arith.constant 2 : i32
      %mul3A_118 = arith.muli %mul3A_117, %scan3A_116 : i32
      %add3A_119 = arith.constant 0 : i32
      %add3A_120 = arith.addi %mul3A_118, %add3A_119 : i32
      %lt3A_121 = arith.constant 25 : i32
      %lt3A_122 = arith.cmpi slt, %add3A_120, %lt3A_121 : i32
      %convert_element_type3A = arith.extui %lt3A_122 : i1 to i32
      %cond3A = arith.constant 0 : i32
      %cond3A_123 = arith.cmpi ne, %convert_element_type3A, %cond3A : i32
      scf.if %cond3A_123 {
        %add3A_133 = arith.addi %mul3A_2, %add3A_120 : i32
        %add3A_134 = arith.constant 1 : i32
        %add3A_135 = arith.addi %add3A_120, %add3A_134 : i32
        %lt3A_136 = arith.constant 25 : i32
        %lt3A_137 = arith.cmpi slt, %add3A_135, %lt3A_136 : i32
        %convert_element_type3A_138 = arith.extui %lt3A_137 : i1 to i32
        %cond3A_139 = arith.constant 0 : i32
        %cond3A_140 = arith.cmpi ne, %convert_element_type3A_138, %cond3A_139 : i32
        scf.if %cond3A_140 {
          %add3A_284 = arith.addi %mul3A_2, %add3A_135 : i32
          %jit3A_285 = arith.constant 16 : i32
          %div3A_286 = arith.divsi %add3A_284, %jit3A_285 : i32
          %sign3A_287 = arith.constant 0 : i32
          %sign3A_288 = arith.cmpi sgt, %add3A_284, %sign3A_287 : i32
          %sign3A_289 = arith.extui %sign3A_288 : i1 to i32
          %sign3A_290 = arith.constant 0 : i32
          %sign3A_291 = arith.cmpi slt, %add3A_284, %sign3A_290 : i32
          %sign3A_292 = arith.extui %sign3A_291 : i1 to i32
          %sign3A_293 = arith.subi %sign3A_289, %sign3A_292 : i32
          %sign3A_294 = arith.constant 0 : i32
          %sign3A_295 = arith.cmpi sgt, %jit3A_285, %sign3A_294 : i32
          %sign3A_296 = arith.extui %sign3A_295 : i1 to i32
          %sign3A_297 = arith.constant 0 : i32
          %sign3A_298 = arith.cmpi slt, %jit3A_285, %sign3A_297 : i32
          %sign3A_299 = arith.extui %sign3A_298 : i1 to i32
          %sign3A_300 = arith.subi %sign3A_296, %sign3A_299 : i32
          %ne3A_301 = arith.cmpi ne, %sign3A_293, %sign3A_300 : i32
          %rem3A_302 = arith.remsi %add3A_284, %jit3A_285 : i32
          %ne3A_303 = arith.constant 0 : i32
          %ne3A_304 = arith.cmpi ne, %rem3A_302, %ne3A_303 : i32
          %and3A_305 = arith.andi %ne3A_301, %ne3A_304 : i1
          %sub3A_306 = arith.constant 1 : i32
          %sub3A_307 = arith.subi %div3A_286, %sub3A_306 : i32
          %select_n3A_308 = arith.select %and3A_305, %sub3A_307, %div3A_286 : i32
          %jit3A_309 = arith.constant 16 : i32
          %eq3A_310 = arith.constant 0 : i32
          %eq3A_311 = arith.cmpi eq, %jit3A_309, %eq3A_310 : i32
          %jit3A_312 = arith.constant 1 : i32
          %select_n3A_313 = arith.select %eq3A_311, %jit3A_312, %jit3A_309 : i32
          %rem3A_314 = arith.remsi %add3A_284, %select_n3A_313 : i32
          %ne3A_315 = arith.constant 0 : i32
          %ne3A_316 = arith.cmpi ne, %rem3A_314, %ne3A_315 : i32
          %lt3A_317 = arith.constant 0 : i32
          %lt3A_318 = arith.cmpi slt, %rem3A_314, %lt3A_317 : i32
          %lt3A_319 = arith.constant 0 : i32
          %lt3A_320 = arith.cmpi slt, %select_n3A_313, %lt3A_319 : i32
          %ne3A_321 = arith.xori %lt3A_318, %lt3A_320 : i1
          %and3A_322 = arith.andi %ne3A_321, %ne3A_316 : i1
          %add3A_323 = arith.addi %rem3A_314, %select_n3A_313 : i32
          %select_n3A_324 = arith.select %and3A_322, %add3A_323, %rem3A_314 : i32
          %mul3A_325 = arith.constant 4 : i32
          %mul3A_326 = arith.muli %mul3A_325, %select_n3A_308 : i32
          %mul3A_327 = arith.constant 64 : i32
          %mul3A_328 = arith.muli %mul3A_327, %select_n3A_324 : i32
          %dma_start3A_329 = tpu.memref_slice %arg2[%mul3A_326, %mul3A_328] : memref<200x1024xi32, #tpu.memory_space<hbm>> -> memref<4x64xi32, #tpu.memory_space<hbm>>
          %dma_start3A_330 = tpu.memref_slice %arg2[%mul3A_326, %mul3A_328] : memref<200x1024xi32, #tpu.memory_space<hbm>> -> memref<4x64xi32, #tpu.memory_space<hbm>>
          tpu.enqueue_dma source(%dma_start3A_330 : memref<4x64xi32, #tpu.memory_space<hbm>>) target(%arg6 : memref<4x64xi32, #tpu.memory_space<vmem>>) target_semaphore(%arg16 : memref<!tpu.dma_semaphore, #tpu.memory_space<semaphore_mem>>)
        } else {
        }
        %add3A_141 = arith.addi %mul3A_2, %add3A_120 : i32
        %jit3A_142 = arith.constant 16 : i32
        %div3A_143 = arith.divsi %add3A_141, %jit3A_142 : i32
        %sign3A_144 = arith.constant 0 : i32
        %sign3A_145 = arith.cmpi sgt, %add3A_141, %sign3A_144 : i32
        %sign3A_146 = arith.extui %sign3A_145 : i1 to i32
        %sign3A_147 = arith.constant 0 : i32
        %sign3A_148 = arith.cmpi slt, %add3A_141, %sign3A_147 : i32
        %sign3A_149 = arith.extui %sign3A_148 : i1 to i32
        %sign3A_150 = arith.subi %sign3A_146, %sign3A_149 : i32
        %sign3A_151 = arith.constant 0 : i32
        %sign3A_152 = arith.cmpi sgt, %jit3A_142, %sign3A_151 : i32
        %sign3A_153 = arith.extui %sign3A_152 : i1 to i32
        %sign3A_154 = arith.constant 0 : i32
        %sign3A_155 = arith.cmpi slt, %jit3A_142, %sign3A_154 : i32
        %sign3A_156 = arith.extui %sign3A_155 : i1 to i32
        %sign3A_157 = arith.subi %sign3A_153, %sign3A_156 : i32
        %ne3A_158 = arith.cmpi ne, %sign3A_150, %sign3A_157 : i32
        %rem3A_159 = arith.remsi %add3A_141, %jit3A_142 : i32
        %ne3A_160 = arith.constant 0 : i32
        %ne3A_161 = arith.cmpi ne, %rem3A_159, %ne3A_160 : i32
        %and3A_162 = arith.andi %ne3A_158, %ne3A_161 : i1
        %sub3A_163 = arith.constant 1 : i32
        %sub3A_164 = arith.subi %div3A_143, %sub3A_163 : i32
        %select_n3A_165 = arith.select %and3A_162, %sub3A_164, %div3A_143 : i32
        %jit3A_166 = arith.constant 16 : i32
        %eq3A_167 = arith.constant 0 : i32
        %eq3A_168 = arith.cmpi eq, %jit3A_166, %eq3A_167 : i32
        %jit3A_169 = arith.constant 1 : i32
        %select_n3A_170 = arith.select %eq3A_168, %jit3A_169, %jit3A_166 : i32
        %rem3A_171 = arith.remsi %add3A_141, %select_n3A_170 : i32
        %ne3A_172 = arith.constant 0 : i32
        %ne3A_173 = arith.cmpi ne, %rem3A_171, %ne3A_172 : i32
        %lt3A_174 = arith.constant 0 : i32
        %lt3A_175 = arith.cmpi slt, %rem3A_171, %lt3A_174 : i32
        %lt3A_176 = arith.constant 0 : i32
        %lt3A_177 = arith.cmpi slt, %select_n3A_170, %lt3A_176 : i32
        %ne3A_178 = arith.xori %lt3A_175, %lt3A_177 : i1
        %and3A_179 = arith.andi %ne3A_178, %ne3A_173 : i1
        %add3A_180 = arith.addi %rem3A_171, %select_n3A_170 : i32
        %select_n3A_181 = arith.select %and3A_179, %add3A_180, %rem3A_171 : i32
        %mul3A_182 = arith.constant 4 : i32
        %mul3A_183 = arith.muli %mul3A_182, %select_n3A_165 : i32
        %mul3A_184 = arith.constant 64 : i32
        %mul3A_185 = arith.muli %mul3A_184, %select_n3A_181 : i32
        %dma_wait3A_186 = tpu.memref_slice %arg2[%mul3A_183, %mul3A_185] : memref<200x1024xi32, #tpu.memory_space<hbm>> -> memref<4x64xi32, #tpu.memory_space<hbm>>
        %dma_wait3A_187 = tpu.memref_slice %arg2[%mul3A_183, %mul3A_185] : memref<200x1024xi32, #tpu.memory_space<hbm>> -> memref<4x64xi32, #tpu.memory_space<hbm>>
        tpu.wait_dma2 semaphore(%arg15 : memref<!tpu.dma_semaphore, #tpu.memory_space<semaphore_mem>>) src(%dma_wait3A_187 : memref<4x64xi32, #tpu.memory_space<hbm>>) dst(%arg5 : memref<4x64xi32, #tpu.memory_space<vmem>>)
        %ge3A = arith.constant 2 : i32
        %ge3A_188 = arith.cmpi sge, %add3A_120, %ge3A : i32
        %convert_element_type3A_189 = arith.extui %ge3A_188 : i1 to i32
        %cond3A_190 = arith.constant 0 : i32
        %cond3A_191 = arith.cmpi ne, %convert_element_type3A_189, %cond3A_190 : i32
        scf.if %cond3A_191 {
          %mul3A_284 = arith.constant 64 : i32
          %mul3A_285 = arith.muli %add3A_133, %mul3A_284 : i32
          %dma_wait3A_286 = arith.constant 0 : i32
          %dma_wait3A_287 = arith.constant 0 : i32
          %dma_wait3A_288 = tpu.memref_slice %arg4[%mul3A_285, %dma_wait3A_286, %dma_wait3A_287] : memref<51200x4x32xf32, #tpu.memory_space<hbm>> -> memref<64x1x32xf32, #tpu.memory_space<hbm>>
          %dma_wait3A_289 = tpu.memref_squeeze %dma_wait3A_288 : memref<64x1x32xf32, #tpu.memory_space<hbm>> -> memref<64x32xf32, #tpu.memory_space<hbm>>
          %dma_wait3A_290 = arith.constant 0 : i32
          %dma_wait3A_291 = tpu.memref_slice %arg4[%mul3A_285, %dma_wait3A_286, %dma_wait3A_290] : memref<51200x4x32xf32, #tpu.memory_space<hbm>> -> memref<64x1x32xf32, #tpu.memory_space<hbm>>
          %dma_wait3A_292 = tpu.memref_squeeze %dma_wait3A_291 : memref<64x1x32xf32, #tpu.memory_space<hbm>> -> memref<64x32xf32, #tpu.memory_space<hbm>>
          tpu.wait_dma2 semaphore(%arg18 : memref<!tpu.dma_semaphore, #tpu.memory_space<semaphore_mem>>) src(%arg7 : memref<64x32xf32, #tpu.memory_space<vmem>>) dst(%dma_wait3A_292 : memref<64x32xf32, #tpu.memory_space<hbm>>)
          %mul3A_293 = arith.constant 64 : i32
          %mul3A_294 = arith.muli %add3A_133, %mul3A_293 : i32
          %dma_wait3A_295 = arith.constant 1 : i32
          %dma_wait3A_296 = arith.constant 0 : i32
          %dma_wait3A_297 = tpu.memref_slice %arg4[%mul3A_294, %dma_wait3A_295, %dma_wait3A_296] : memref<51200x4x32xf32, #tpu.memory_space<hbm>> -> memref<64x1x32xf32, #tpu.memory_space<hbm>>
          %dma_wait3A_298 = tpu.memref_squeeze %dma_wait3A_297 : memref<64x1x32xf32, #tpu.memory_space<hbm>> -> memref<64x32xf32, #tpu.memory_space<hbm>>
          %dma_wait3A_299 = arith.constant 0 : i32
          %dma_wait3A_300 = tpu.memref_slice %arg4[%mul3A_294, %dma_wait3A_295, %dma_wait3A_299] : memref<51200x4x32xf32, #tpu.memory_space<hbm>> -> memref<64x1x32xf32, #tpu.memory_space<hbm>>
          %dma_wait3A_301 = tpu.memref_squeeze %dma_wait3A_300 : memref<64x1x32xf32, #tpu.memory_space<hbm>> -> memref<64x32xf32, #tpu.memory_space<hbm>>
          tpu.wait_dma2 semaphore(%arg18 : memref<!tpu.dma_semaphore, #tpu.memory_space<semaphore_mem>>) src(%arg8 : memref<64x32xf32, #tpu.memory_space<vmem>>) dst(%dma_wait3A_301 : memref<64x32xf32, #tpu.memory_space<hbm>>)
          %mul3A_302 = arith.constant 64 : i32
          %mul3A_303 = arith.muli %add3A_133, %mul3A_302 : i32
          %dma_wait3A_304 = arith.constant 2 : i32
          %dma_wait3A_305 = arith.constant 0 : i32
          %dma_wait3A_306 = tpu.memref_slice %arg4[%mul3A_303, %dma_wait3A_304, %dma_wait3A_305] : memref<51200x4x32xf32, #tpu.memory_space<hbm>> -> memref<64x1x32xf32, #tpu.memory_space<hbm>>
          %dma_wait3A_307 = tpu.memref_squeeze %dma_wait3A_306 : memref<64x1x32xf32, #tpu.memory_space<hbm>> -> memref<64x32xf32, #tpu.memory_space<hbm>>
          %dma_wait3A_308 = arith.constant 0 : i32
          %dma_wait3A_309 = tpu.memref_slice %arg4[%mul3A_303, %dma_wait3A_304, %dma_wait3A_308] : memref<51200x4x32xf32, #tpu.memory_space<hbm>> -> memref<64x1x32xf32, #tpu.memory_space<hbm>>
          %dma_wait3A_310 = tpu.memref_squeeze %dma_wait3A_309 : memref<64x1x32xf32, #tpu.memory_space<hbm>> -> memref<64x32xf32, #tpu.memory_space<hbm>>
          tpu.wait_dma2 semaphore(%arg18 : memref<!tpu.dma_semaphore, #tpu.memory_space<semaphore_mem>>) src(%arg9 : memref<64x32xf32, #tpu.memory_space<vmem>>) dst(%dma_wait3A_310 : memref<64x32xf32, #tpu.memory_space<hbm>>)
          %mul3A_311 = arith.constant 64 : i32
          %mul3A_312 = arith.muli %add3A_133, %mul3A_311 : i32
          %dma_wait3A_313 = arith.constant 3 : i32
          %dma_wait3A_314 = arith.constant 0 : i32
          %dma_wait3A_315 = tpu.memref_slice %arg4[%mul3A_312, %dma_wait3A_313, %dma_wait3A_314] : memref<51200x4x32xf32, #tpu.memory_space<hbm>> -> memref<64x1x32xf32, #tpu.memory_space<hbm>>
          %dma_wait3A_316 = tpu.memref_squeeze %dma_wait3A_315 : memref<64x1x32xf32, #tpu.memory_space<hbm>> -> memref<64x32xf32, #tpu.memory_space<hbm>>
          %dma_wait3A_317 = arith.constant 0 : i32
          %dma_wait3A_318 = tpu.memref_slice %arg4[%mul3A_312, %dma_wait3A_313, %dma_wait3A_317] : memref<51200x4x32xf32, #tpu.memory_space<hbm>> -> memref<64x1x32xf32, #tpu.memory_space<hbm>>
          %dma_wait3A_319 = tpu.memref_squeeze %dma_wait3A_318 : memref<64x1x32xf32, #tpu.memory_space<hbm>> -> memref<64x32xf32, #tpu.memory_space<hbm>>
          tpu.wait_dma2 semaphore(%arg18 : memref<!tpu.dma_semaphore, #tpu.memory_space<semaphore_mem>>) src(%arg10 : memref<64x32xf32, #tpu.memory_space<vmem>>) dst(%dma_wait3A_319 : memref<64x32xf32, #tpu.memory_space<hbm>>)
        } else {
        }
        %dma_start3A_192 = arith.constant 0 : i32
        %dma_start3A_193 = arith.constant 0 : i32
        %dma_start3A_194 = tpu.memref_slice %arg5[%dma_start3A_192, %dma_start3A_193] : memref<4x64xi32, #tpu.memory_space<vmem>> -> memref<1x64xi32, #tpu.memory_space<vmem>>
        %dma_start3A_195 = tpu.memref_squeeze %dma_start3A_194 : memref<1x64xi32, #tpu.memory_space<vmem>> -> memref<64xi32, #tpu.memory_space<vmem>>
        %dma_start3A_196 = arith.constant 0 : i32
        %dma_start3A_197 = arith.constant 0 : i32
        %dma_start3A_198 = tpu.memref_slice %arg3[%dma_start3A_196, %dma_start3A_197] : memref<1007616x32xf32, #tpu.memory_space<hbm>> -> memref<1007616x32xf32, #tpu.memory_space<hbm>>
        tpu.enqueue_indirect_dma source(%dma_start3A_198 : memref<1007616x32xf32, #tpu.memory_space<hbm>>) target(%arg7 : memref<64x32xf32, #tpu.memory_space<vmem>>) offsets(%dma_start3A_195 : memref<64xi32, #tpu.memory_space<vmem>>) semaphore(%arg17 : memref<!tpu.dma_semaphore, #tpu.memory_space<semaphore_mem>>)
        %dma_start3A_199 = arith.constant 1 : i32
        %dma_start3A_200 = arith.constant 0 : i32
        %dma_start3A_201 = tpu.memref_slice %arg5[%dma_start3A_199, %dma_start3A_200] : memref<4x64xi32, #tpu.memory_space<vmem>> -> memref<1x64xi32, #tpu.memory_space<vmem>>
        %dma_start3A_202 = tpu.memref_squeeze %dma_start3A_201 : memref<1x64xi32, #tpu.memory_space<vmem>> -> memref<64xi32, #tpu.memory_space<vmem>>
        %dma_start3A_203 = arith.constant 0 : i32
        %dma_start3A_204 = arith.constant 0 : i32
        %dma_start3A_205 = tpu.memref_slice %arg3[%dma_start3A_203, %dma_start3A_204] : memref<1007616x32xf32, #tpu.memory_space<hbm>> -> memref<1007616x32xf32, #tpu.memory_space<hbm>>
        tpu.enqueue_indirect_dma source(%dma_start3A_205 : memref<1007616x32xf32, #tpu.memory_space<hbm>>) target(%arg8 : memref<64x32xf32, #tpu.memory_space<vmem>>) offsets(%dma_start3A_202 : memref<64xi32, #tpu.memory_space<vmem>>) semaphore(%arg17 : memref<!tpu.dma_semaphore, #tpu.memory_space<semaphore_mem>>)
        %dma_start3A_206 = arith.constant 2 : i32
        %dma_start3A_207 = arith.constant 0 : i32
        %dma_start3A_208 = tpu.memref_slice %arg5[%dma_start3A_206, %dma_start3A_207] : memref<4x64xi32, #tpu.memory_space<vmem>> -> memref<1x64xi32, #tpu.memory_space<vmem>>
        %dma_start3A_209 = tpu.memref_squeeze %dma_start3A_208 : memref<1x64xi32, #tpu.memory_space<vmem>> -> memref<64xi32, #tpu.memory_space<vmem>>
        %dma_start3A_210 = arith.constant 0 : i32
        %dma_start3A_211 = arith.constant 0 : i32
        %dma_start3A_212 = tpu.memref_slice %arg3[%dma_start3A_210, %dma_start3A_211] : memref<1007616x32xf32, #tpu.memory_space<hbm>> -> memref<1007616x32xf32, #tpu.memory_space<hbm>>
        tpu.enqueue_indirect_dma source(%dma_start3A_212 : memref<1007616x32xf32, #tpu.memory_space<hbm>>) target(%arg9 : memref<64x32xf32, #tpu.memory_space<vmem>>) offsets(%dma_start3A_209 : memref<64xi32, #tpu.memory_space<vmem>>) semaphore(%arg17 : memref<!tpu.dma_semaphore, #tpu.memory_space<semaphore_mem>>)
        %dma_start3A_213 = arith.constant 3 : i32
        %dma_start3A_214 = arith.constant 0 : i32
        %dma_start3A_215 = tpu.memref_slice %arg5[%dma_start3A_213, %dma_start3A_214] : memref<4x64xi32, #tpu.memory_space<vmem>> -> memref<1x64xi32, #tpu.memory_space<vmem>>
        %dma_start3A_216 = tpu.memref_squeeze %dma_start3A_215 : memref<1x64xi32, #tpu.memory_space<vmem>> -> memref<64xi32, #tpu.memory_space<vmem>>
        %dma_start3A_217 = arith.constant 0 : i32
        %dma_start3A_218 = arith.constant 0 : i32
        %dma_start3A_219 = tpu.memref_slice %arg3[%dma_start3A_217, %dma_start3A_218] : memref<1007616x32xf32, #tpu.memory_space<hbm>> -> memref<1007616x32xf32, #tpu.memory_space<hbm>>
        tpu.enqueue_indirect_dma source(%dma_start3A_219 : memref<1007616x32xf32, #tpu.memory_space<hbm>>) target(%arg10 : memref<64x32xf32, #tpu.memory_space<vmem>>) offsets(%dma_start3A_216 : memref<64xi32, #tpu.memory_space<vmem>>) semaphore(%arg17 : memref<!tpu.dma_semaphore, #tpu.memory_space<semaphore_mem>>)
        %dma_wait3A_220 = arith.constant 0 : i32
        %dma_wait3A_221 = arith.constant 0 : i32
        %dma_wait3A_222 = tpu.memref_slice %arg5[%dma_wait3A_220, %dma_wait3A_221] : memref<4x64xi32, #tpu.memory_space<vmem>> -> memref<1x64xi32, #tpu.memory_space<vmem>>
        %dma_wait3A_223 = tpu.memref_squeeze %dma_wait3A_222 : memref<1x64xi32, #tpu.memory_space<vmem>> -> memref<64xi32, #tpu.memory_space<vmem>>
        %dma_wait3A_224 = arith.constant 0 : i32
        %dma_wait3A_225 = arith.constant 0 : i32
        %dma_wait3A_226 = tpu.memref_slice %arg3[%dma_wait3A_224, %dma_wait3A_225] : memref<1007616x32xf32, #tpu.memory_space<hbm>> -> memref<1007616x32xf32, #tpu.memory_space<hbm>>
        tpu.wait_indirect_dma semaphore(%arg17 : memref<!tpu.dma_semaphore, #tpu.memory_space<semaphore_mem>>) src(%dma_wait3A_226 : memref<1007616x32xf32, #tpu.memory_space<hbm>>) dst(%arg7 : memref<64x32xf32, #tpu.memory_space<vmem>>)
        %dma_wait3A_227 = arith.constant 1 : i32
        %dma_wait3A_228 = arith.constant 0 : i32
        %dma_wait3A_229 = tpu.memref_slice %arg5[%dma_wait3A_227, %dma_wait3A_228] : memref<4x64xi32, #tpu.memory_space<vmem>> -> memref<1x64xi32, #tpu.memory_space<vmem>>
        %dma_wait3A_230 = tpu.memref_squeeze %dma_wait3A_229 : memref<1x64xi32, #tpu.memory_space<vmem>> -> memref<64xi32, #tpu.memory_space<vmem>>
        %dma_wait3A_231 = arith.constant 0 : i32
        %dma_wait3A_232 = arith.constant 0 : i32
        %dma_wait3A_233 = tpu.memref_slice %arg3[%dma_wait3A_231, %dma_wait3A_232] : memref<1007616x32xf32, #tpu.memory_space<hbm>> -> memref<1007616x32xf32, #tpu.memory_space<hbm>>
        tpu.wait_indirect_dma semaphore(%arg17 : memref<!tpu.dma_semaphore, #tpu.memory_space<semaphore_mem>>) src(%dma_wait3A_233 : memref<1007616x32xf32, #tpu.memory_space<hbm>>) dst(%arg8 : memref<64x32xf32, #tpu.memory_space<vmem>>)
        %dma_wait3A_234 = arith.constant 2 : i32
        %dma_wait3A_235 = arith.constant 0 : i32
        %dma_wait3A_236 = tpu.memref_slice %arg5[%dma_wait3A_234, %dma_wait3A_235] : memref<4x64xi32, #tpu.memory_space<vmem>> -> memref<1x64xi32, #tpu.memory_space<vmem>>
        %dma_wait3A_237 = tpu.memref_squeeze %dma_wait3A_236 : memref<1x64xi32, #tpu.memory_space<vmem>> -> memref<64xi32, #tpu.memory_space<vmem>>
        %dma_wait3A_238 = arith.constant 0 : i32
        %dma_wait3A_239 = arith.constant 0 : i32
        %dma_wait3A_240 = tpu.memref_slice %arg3[%dma_wait3A_238, %dma_wait3A_239] : memref<1007616x32xf32, #tpu.memory_space<hbm>> -> memref<1007616x32xf32, #tpu.memory_space<hbm>>
        tpu.wait_indirect_dma semaphore(%arg17 : memref<!tpu.dma_semaphore, #tpu.memory_space<semaphore_mem>>) src(%dma_wait3A_240 : memref<1007616x32xf32, #tpu.memory_space<hbm>>) dst(%arg9 : memref<64x32xf32, #tpu.memory_space<vmem>>)
        %dma_wait3A_241 = arith.constant 3 : i32
        %dma_wait3A_242 = arith.constant 0 : i32
        %dma_wait3A_243 = tpu.memref_slice %arg5[%dma_wait3A_241, %dma_wait3A_242] : memref<4x64xi32, #tpu.memory_space<vmem>> -> memref<1x64xi32, #tpu.memory_space<vmem>>
        %dma_wait3A_244 = tpu.memref_squeeze %dma_wait3A_243 : memref<1x64xi32, #tpu.memory_space<vmem>> -> memref<64xi32, #tpu.memory_space<vmem>>
        %dma_wait3A_245 = arith.constant 0 : i32
        %dma_wait3A_246 = arith.constant 0 : i32
        %dma_wait3A_247 = tpu.memref_slice %arg3[%dma_wait3A_245, %dma_wait3A_246] : memref<1007616x32xf32, #tpu.memory_space<hbm>> -> memref<1007616x32xf32, #tpu.memory_space<hbm>>
        tpu.wait_indirect_dma semaphore(%arg17 : memref<!tpu.dma_semaphore, #tpu.memory_space<semaphore_mem>>) src(%dma_wait3A_247 : memref<1007616x32xf32, #tpu.memory_space<hbm>>) dst(%arg10 : memref<64x32xf32, #tpu.memory_space<vmem>>)
        %mul3A_248 = arith.constant 64 : i32
        %mul3A_249 = arith.muli %add3A_133, %mul3A_248 : i32
        %dma_start3A_250 = arith.constant 0 : i32
        %dma_start3A_251 = arith.constant 0 : i32
        %dma_start3A_252 = tpu.memref_slice %arg4[%mul3A_249, %dma_start3A_250, %dma_start3A_251] : memref<51200x4x32xf32, #tpu.memory_space<hbm>> -> memref<64x1x32xf32, #tpu.memory_space<hbm>>
        %dma_start3A_253 = tpu.memref_squeeze %dma_start3A_252 : memref<64x1x32xf32, #tpu.memory_space<hbm>> -> memref<64x32xf32, #tpu.memory_space<hbm>>
        %dma_start3A_254 = arith.constant 0 : i32
        %dma_start3A_255 = tpu.memref_slice %arg4[%mul3A_249, %dma_start3A_250, %dma_start3A_254] : memref<51200x4x32xf32, #tpu.memory_space<hbm>> -> memref<64x1x32xf32, #tpu.memory_space<hbm>>
        %dma_start3A_256 = tpu.memref_squeeze %dma_start3A_255 : memref<64x1x32xf32, #tpu.memory_space<hbm>> -> memref<64x32xf32, #tpu.memory_space<hbm>>
        tpu.enqueue_dma source(%arg7 : memref<64x32xf32, #tpu.memory_space<vmem>>) target(%dma_start3A_256 : memref<64x32xf32, #tpu.memory_space<hbm>>) target_semaphore(%arg18 : memref<!tpu.dma_semaphore, #tpu.memory_space<semaphore_mem>>)
        %mul3A_257 = arith.constant 64 : i32
        %mul3A_258 = arith.muli %add3A_133, %mul3A_257 : i32
        %dma_start3A_259 = arith.constant 1 : i32
        %dma_start3A_260 = arith.constant 0 : i32
        %dma_start3A_261 = tpu.memref_slice %arg4[%mul3A_258, %dma_start3A_259, %dma_start3A_260] : memref<51200x4x32xf32, #tpu.memory_space<hbm>> -> memref<64x1x32xf32, #tpu.memory_space<hbm>>
        %dma_start3A_262 = tpu.memref_squeeze %dma_start3A_261 : memref<64x1x32xf32, #tpu.memory_space<hbm>> -> memref<64x32xf32, #tpu.memory_space<hbm>>
        %dma_start3A_263 = arith.constant 0 : i32
        %dma_start3A_264 = tpu.memref_slice %arg4[%mul3A_258, %dma_start3A_259, %dma_start3A_263] : memref<51200x4x32xf32, #tpu.memory_space<hbm>> -> memref<64x1x32xf32, #tpu.memory_space<hbm>>
        %dma_start3A_265 = tpu.memref_squeeze %dma_start3A_264 : memref<64x1x32xf32, #tpu.memory_space<hbm>> -> memref<64x32xf32, #tpu.memory_space<hbm>>
        tpu.enqueue_dma source(%arg8 : memref<64x32xf32, #tpu.memory_space<vmem>>) target(%dma_start3A_265 : memref<64x32xf32, #tpu.memory_space<hbm>>) target_semaphore(%arg18 : memref<!tpu.dma_semaphore, #tpu.memory_space<semaphore_mem>>)
        %mul3A_266 = arith.constant 64 : i32
        %mul3A_267 = arith.muli %add3A_133, %mul3A_266 : i32
        %dma_start3A_268 = arith.constant 2 : i32
        %dma_start3A_269 = arith.constant 0 : i32
        %dma_start3A_270 = tpu.memref_slice %arg4[%mul3A_267, %dma_start3A_268, %dma_start3A_269] : memref<51200x4x32xf32, #tpu.memory_space<hbm>> -> memref<64x1x32xf32, #tpu.memory_space<hbm>>
        %dma_start3A_271 = tpu.memref_squeeze %dma_start3A_270 : memref<64x1x32xf32, #tpu.memory_space<hbm>> -> memref<64x32xf32, #tpu.memory_space<hbm>>
        %dma_start3A_272 = arith.constant 0 : i32
        %dma_start3A_273 = tpu.memref_slice %arg4[%mul3A_267, %dma_start3A_268, %dma_start3A_272] : memref<51200x4x32xf32, #tpu.memory_space<hbm>> -> memref<64x1x32xf32, #tpu.memory_space<hbm>>
        %dma_start3A_274 = tpu.memref_squeeze %dma_start3A_273 : memref<64x1x32xf32, #tpu.memory_space<hbm>> -> memref<64x32xf32, #tpu.memory_space<hbm>>
        tpu.enqueue_dma source(%arg9 : memref<64x32xf32, #tpu.memory_space<vmem>>) target(%dma_start3A_274 : memref<64x32xf32, #tpu.memory_space<hbm>>) target_semaphore(%arg18 : memref<!tpu.dma_semaphore, #tpu.memory_space<semaphore_mem>>)
        %mul3A_275 = arith.constant 64 : i32
        %mul3A_276 = arith.muli %add3A_133, %mul3A_275 : i32
        %dma_start3A_277 = arith.constant 3 : i32
        %dma_start3A_278 = arith.constant 0 : i32
        %dma_start3A_279 = tpu.memref_slice %arg4[%mul3A_276, %dma_start3A_277, %dma_start3A_278] : memref<51200x4x32xf32, #tpu.memory_space<hbm>> -> memref<64x1x32xf32, #tpu.memory_space<hbm>>
        %dma_start3A_280 = tpu.memref_squeeze %dma_start3A_279 : memref<64x1x32xf32, #tpu.memory_space<hbm>> -> memref<64x32xf32, #tpu.memory_space<hbm>>
        %dma_start3A_281 = arith.constant 0 : i32
        %dma_start3A_282 = tpu.memref_slice %arg4[%mul3A_276, %dma_start3A_277, %dma_start3A_281] : memref<51200x4x32xf32, #tpu.memory_space<hbm>> -> memref<64x1x32xf32, #tpu.memory_space<hbm>>
        %dma_start3A_283 = tpu.memref_squeeze %dma_start3A_282 : memref<64x1x32xf32, #tpu.memory_space<hbm>> -> memref<64x32xf32, #tpu.memory_space<hbm>>
        tpu.enqueue_dma source(%arg10 : memref<64x32xf32, #tpu.memory_space<vmem>>) target(%dma_start3A_283 : memref<64x32xf32, #tpu.memory_space<hbm>>) target_semaphore(%arg18 : memref<!tpu.dma_semaphore, #tpu.memory_space<semaphore_mem>>)
      } else {
      }
      %mul3A_124 = arith.constant 2 : i32
      %mul3A_125 = arith.muli %mul3A_124, %scan3A_116 : i32
      %add3A_126 = arith.constant 1 : i32
      %add3A_127 = arith.addi %mul3A_125, %add3A_126 : i32
      %lt3A_128 = arith.constant 25 : i32
      %lt3A_129 = arith.cmpi slt, %add3A_127, %lt3A_128 : i32
      %convert_element_type3A_130 = arith.extui %lt3A_129 : i1 to i32
      %cond3A_131 = arith.constant 0 : i32
      %cond3A_132 = arith.cmpi ne, %convert_element_type3A_130, %cond3A_131 : i32
      scf.if %cond3A_132 {
        %add3A_133 = arith.addi %mul3A_2, %add3A_127 : i32
        %add3A_134 = arith.constant 1 : i32
        %add3A_135 = arith.addi %add3A_127, %add3A_134 : i32
        %lt3A_136 = arith.constant 25 : i32
        %lt3A_137 = arith.cmpi slt, %add3A_135, %lt3A_136 : i32
        %convert_element_type3A_138 = arith.extui %lt3A_137 : i1 to i32
        %cond3A_139 = arith.constant 0 : i32
        %cond3A_140 = arith.cmpi ne, %convert_element_type3A_138, %cond3A_139 : i32
        scf.if %cond3A_140 {
          %add3A_284 = arith.addi %mul3A_2, %add3A_135 : i32
          %jit3A_285 = arith.constant 16 : i32
          %div3A_286 = arith.divsi %add3A_284, %jit3A_285 : i32
          %sign3A_287 = arith.constant 0 : i32
          %sign3A_288 = arith.cmpi sgt, %add3A_284, %sign3A_287 : i32
          %sign3A_289 = arith.extui %sign3A_288 : i1 to i32
          %sign3A_290 = arith.constant 0 : i32
          %sign3A_291 = arith.cmpi slt, %add3A_284, %sign3A_290 : i32
          %sign3A_292 = arith.extui %sign3A_291 : i1 to i32
          %sign3A_293 = arith.subi %sign3A_289, %sign3A_292 : i32
          %sign3A_294 = arith.constant 0 : i32
          %sign3A_295 = arith.cmpi sgt, %jit3A_285, %sign3A_294 : i32
          %sign3A_296 = arith.extui %sign3A_295 : i1 to i32
          %sign3A_297 = arith.constant 0 : i32
          %sign3A_298 = arith.cmpi slt, %jit3A_285, %sign3A_297 : i32
          %sign3A_299 = arith.extui %sign3A_298 : i1 to i32
          %sign3A_300 = arith.subi %sign3A_296, %sign3A_299 : i32
          %ne3A_301 = arith.cmpi ne, %sign3A_293, %sign3A_300 : i32
          %rem3A_302 = arith.remsi %add3A_284, %jit3A_285 : i32
          %ne3A_303 = arith.constant 0 : i32
          %ne3A_304 = arith.cmpi ne, %rem3A_302, %ne3A_303 : i32
          %and3A_305 = arith.andi %ne3A_301, %ne3A_304 : i1
          %sub3A_306 = arith.constant 1 : i32
          %sub3A_307 = arith.subi %div3A_286, %sub3A_306 : i32
          %select_n3A_308 = arith.select %and3A_305, %sub3A_307, %div3A_286 : i32
          %jit3A_309 = arith.constant 16 : i32
          %eq3A_310 = arith.constant 0 : i32
          %eq3A_311 = arith.cmpi eq, %jit3A_309, %eq3A_310 : i32
          %jit3A_312 = arith.constant 1 : i32
          %select_n3A_313 = arith.select %eq3A_311, %jit3A_312, %jit3A_309 : i32
          %rem3A_314 = arith.remsi %add3A_284, %select_n3A_313 : i32
          %ne3A_315 = arith.constant 0 : i32
          %ne3A_316 = arith.cmpi ne, %rem3A_314, %ne3A_315 : i32
          %lt3A_317 = arith.constant 0 : i32
          %lt3A_318 = arith.cmpi slt, %rem3A_314, %lt3A_317 : i32
          %lt3A_319 = arith.constant 0 : i32
          %lt3A_320 = arith.cmpi slt, %select_n3A_313, %lt3A_319 : i32
          %ne3A_321 = arith.xori %lt3A_318, %lt3A_320 : i1
          %and3A_322 = arith.andi %ne3A_321, %ne3A_316 : i1
          %add3A_323 = arith.addi %rem3A_314, %select_n3A_313 : i32
          %select_n3A_324 = arith.select %and3A_322, %add3A_323, %rem3A_314 : i32
          %mul3A_325 = arith.constant 4 : i32
          %mul3A_326 = arith.muli %mul3A_325, %select_n3A_308 : i32
          %mul3A_327 = arith.constant 64 : i32
          %mul3A_328 = arith.muli %mul3A_327, %select_n3A_324 : i32
          %dma_start3A_329 = tpu.memref_slice %arg2[%mul3A_326, %mul3A_328] : memref<200x1024xi32, #tpu.memory_space<hbm>> -> memref<4x64xi32, #tpu.memory_space<hbm>>
          %dma_start3A_330 = tpu.memref_slice %arg2[%mul3A_326, %mul3A_328] : memref<200x1024xi32, #tpu.memory_space<hbm>> -> memref<4x64xi32, #tpu.memory_space<hbm>>
          tpu.enqueue_dma source(%dma_start3A_330 : memref<4x64xi32, #tpu.memory_space<hbm>>) target(%arg5 : memref<4x64xi32, #tpu.memory_space<vmem>>) target_semaphore(%arg15 : memref<!tpu.dma_semaphore, #tpu.memory_space<semaphore_mem>>)
        } else {
        }
        %add3A_141 = arith.addi %mul3A_2, %add3A_127 : i32
        %jit3A_142 = arith.constant 16 : i32
        %div3A_143 = arith.divsi %add3A_141, %jit3A_142 : i32
        %sign3A_144 = arith.constant 0 : i32
        %sign3A_145 = arith.cmpi sgt, %add3A_141, %sign3A_144 : i32
        %sign3A_146 = arith.extui %sign3A_145 : i1 to i32
        %sign3A_147 = arith.constant 0 : i32
        %sign3A_148 = arith.cmpi slt, %add3A_141, %sign3A_147 : i32
        %sign3A_149 = arith.extui %sign3A_148 : i1 to i32
        %sign3A_150 = arith.subi %sign3A_146, %sign3A_149 : i32
        %sign3A_151 = arith.constant 0 : i32
        %sign3A_152 = arith.cmpi sgt, %jit3A_142, %sign3A_151 : i32
        %sign3A_153 = arith.extui %sign3A_152 : i1 to i32
        %sign3A_154 = arith.constant 0 : i32
        %sign3A_155 = arith.cmpi slt, %jit3A_142, %sign3A_154 : i32
        %sign3A_156 = arith.extui %sign3A_155 : i1 to i32
        %sign3A_157 = arith.subi %sign3A_153, %sign3A_156 : i32
        %ne3A_158 = arith.cmpi ne, %sign3A_150, %sign3A_157 : i32
        %rem3A_159 = arith.remsi %add3A_141, %jit3A_142 : i32
        %ne3A_160 = arith.constant 0 : i32
        %ne3A_161 = arith.cmpi ne, %rem3A_159, %ne3A_160 : i32
        %and3A_162 = arith.andi %ne3A_158, %ne3A_161 : i1
        %sub3A_163 = arith.constant 1 : i32
        %sub3A_164 = arith.subi %div3A_143, %sub3A_163 : i32
        %select_n3A_165 = arith.select %and3A_162, %sub3A_164, %div3A_143 : i32
        %jit3A_166 = arith.constant 16 : i32
        %eq3A_167 = arith.constant 0 : i32
        %eq3A_168 = arith.cmpi eq, %jit3A_166, %eq3A_167 : i32
        %jit3A_169 = arith.constant 1 : i32
        %select_n3A_170 = arith.select %eq3A_168, %jit3A_169, %jit3A_166 : i32
        %rem3A_171 = arith.remsi %add3A_141, %select_n3A_170 : i32
        %ne3A_172 = arith.constant 0 : i32
        %ne3A_173 = arith.cmpi ne, %rem3A_171, %ne3A_172 : i32
        %lt3A_174 = arith.constant 0 : i32
        %lt3A_175 = arith.cmpi slt, %rem3A_171, %lt3A_174 : i32
        %lt3A_176 = arith.constant 0 : i32
        %lt3A_177 = arith.cmpi slt, %select_n3A_170, %lt3A_176 : i32
        %ne3A_178 = arith.xori %lt3A_175, %lt3A_177 : i1
        %and3A_179 = arith.andi %ne3A_178, %ne3A_173 : i1
        %add3A_180 = arith.addi %rem3A_171, %select_n3A_170 : i32
        %select_n3A_181 = arith.select %and3A_179, %add3A_180, %rem3A_171 : i32
        %mul3A_182 = arith.constant 4 : i32
        %mul3A_183 = arith.muli %mul3A_182, %select_n3A_165 : i32
        %mul3A_184 = arith.constant 64 : i32
        %mul3A_185 = arith.muli %mul3A_184, %select_n3A_181 : i32
        %dma_wait3A_186 = tpu.memref_slice %arg2[%mul3A_183, %mul3A_185] : memref<200x1024xi32, #tpu.memory_space<hbm>> -> memref<4x64xi32, #tpu.memory_space<hbm>>
        %dma_wait3A_187 = tpu.memref_slice %arg2[%mul3A_183, %mul3A_185] : memref<200x1024xi32, #tpu.memory_space<hbm>> -> memref<4x64xi32, #tpu.memory_space<hbm>>
        tpu.wait_dma2 semaphore(%arg16 : memref<!tpu.dma_semaphore, #tpu.memory_space<semaphore_mem>>) src(%dma_wait3A_187 : memref<4x64xi32, #tpu.memory_space<hbm>>) dst(%arg6 : memref<4x64xi32, #tpu.memory_space<vmem>>)
        %ge3A = arith.constant 2 : i32
        %ge3A_188 = arith.cmpi sge, %add3A_127, %ge3A : i32
        %convert_element_type3A_189 = arith.extui %ge3A_188 : i1 to i32
        %cond3A_190 = arith.constant 0 : i32
        %cond3A_191 = arith.cmpi ne, %convert_element_type3A_189, %cond3A_190 : i32
        scf.if %cond3A_191 {
          %mul3A_284 = arith.constant 64 : i32
          %mul3A_285 = arith.muli %add3A_133, %mul3A_284 : i32
          %dma_wait3A_286 = arith.constant 0 : i32
          %dma_wait3A_287 = arith.constant 0 : i32
          %dma_wait3A_288 = tpu.memref_slice %arg4[%mul3A_285, %dma_wait3A_286, %dma_wait3A_287] : memref<51200x4x32xf32, #tpu.memory_space<hbm>> -> memref<64x1x32xf32, #tpu.memory_space<hbm>>
          %dma_wait3A_289 = tpu.memref_squeeze %dma_wait3A_288 : memref<64x1x32xf32, #tpu.memory_space<hbm>> -> memref<64x32xf32, #tpu.memory_space<hbm>>
          %dma_wait3A_290 = arith.constant 0 : i32
          %dma_wait3A_291 = tpu.memref_slice %arg4[%mul3A_285, %dma_wait3A_286, %dma_wait3A_290] : memref<51200x4x32xf32, #tpu.memory_space<hbm>> -> memref<64x1x32xf32, #tpu.memory_space<hbm>>
          %dma_wait3A_292 = tpu.memref_squeeze %dma_wait3A_291 : memref<64x1x32xf32, #tpu.memory_space<hbm>> -> memref<64x32xf32, #tpu.memory_space<hbm>>
          tpu.wait_dma2 semaphore(%arg19 : memref<!tpu.dma_semaphore, #tpu.memory_space<semaphore_mem>>) src(%arg11 : memref<64x32xf32, #tpu.memory_space<vmem>>) dst(%dma_wait3A_292 : memref<64x32xf32, #tpu.memory_space<hbm>>)
          %mul3A_293 = arith.constant 64 : i32
          %mul3A_294 = arith.muli %add3A_133, %mul3A_293 : i32
          %dma_wait3A_295 = arith.constant 1 : i32
          %dma_wait3A_296 = arith.constant 0 : i32
          %dma_wait3A_297 = tpu.memref_slice %arg4[%mul3A_294, %dma_wait3A_295, %dma_wait3A_296] : memref<51200x4x32xf32, #tpu.memory_space<hbm>> -> memref<64x1x32xf32, #tpu.memory_space<hbm>>
          %dma_wait3A_298 = tpu.memref_squeeze %dma_wait3A_297 : memref<64x1x32xf32, #tpu.memory_space<hbm>> -> memref<64x32xf32, #tpu.memory_space<hbm>>
          %dma_wait3A_299 = arith.constant 0 : i32
          %dma_wait3A_300 = tpu.memref_slice %arg4[%mul3A_294, %dma_wait3A_295, %dma_wait3A_299] : memref<51200x4x32xf32, #tpu.memory_space<hbm>> -> memref<64x1x32xf32, #tpu.memory_space<hbm>>
          %dma_wait3A_301 = tpu.memref_squeeze %dma_wait3A_300 : memref<64x1x32xf32, #tpu.memory_space<hbm>> -> memref<64x32xf32, #tpu.memory_space<hbm>>
          tpu.wait_dma2 semaphore(%arg19 : memref<!tpu.dma_semaphore, #tpu.memory_space<semaphore_mem>>) src(%arg12 : memref<64x32xf32, #tpu.memory_space<vmem>>) dst(%dma_wait3A_301 : memref<64x32xf32, #tpu.memory_space<hbm>>)
          %mul3A_302 = arith.constant 64 : i32
          %mul3A_303 = arith.muli %add3A_133, %mul3A_302 : i32
          %dma_wait3A_304 = arith.constant 2 : i32
          %dma_wait3A_305 = arith.constant 0 : i32
          %dma_wait3A_306 = tpu.memref_slice %arg4[%mul3A_303, %dma_wait3A_304, %dma_wait3A_305] : memref<51200x4x32xf32, #tpu.memory_space<hbm>> -> memref<64x1x32xf32, #tpu.memory_space<hbm>>
          %dma_wait3A_307 = tpu.memref_squeeze %dma_wait3A_306 : memref<64x1x32xf32, #tpu.memory_space<hbm>> -> memref<64x32xf32, #tpu.memory_space<hbm>>
          %dma_wait3A_308 = arith.constant 0 : i32
          %dma_wait3A_309 = tpu.memref_slice %arg4[%mul3A_303, %dma_wait3A_304, %dma_wait3A_308] : memref<51200x4x32xf32, #tpu.memory_space<hbm>> -> memref<64x1x32xf32, #tpu.memory_space<hbm>>
          %dma_wait3A_310 = tpu.memref_squeeze %dma_wait3A_309 : memref<64x1x32xf32, #tpu.memory_space<hbm>> -> memref<64x32xf32, #tpu.memory_space<hbm>>
          tpu.wait_dma2 semaphore(%arg19 : memref<!tpu.dma_semaphore, #tpu.memory_space<semaphore_mem>>) src(%arg13 : memref<64x32xf32, #tpu.memory_space<vmem>>) dst(%dma_wait3A_310 : memref<64x32xf32, #tpu.memory_space<hbm>>)
          %mul3A_311 = arith.constant 64 : i32
          %mul3A_312 = arith.muli %add3A_133, %mul3A_311 : i32
          %dma_wait3A_313 = arith.constant 3 : i32
          %dma_wait3A_314 = arith.constant 0 : i32
          %dma_wait3A_315 = tpu.memref_slice %arg4[%mul3A_312, %dma_wait3A_313, %dma_wait3A_314] : memref<51200x4x32xf32, #tpu.memory_space<hbm>> -> memref<64x1x32xf32, #tpu.memory_space<hbm>>
          %dma_wait3A_316 = tpu.memref_squeeze %dma_wait3A_315 : memref<64x1x32xf32, #tpu.memory_space<hbm>> -> memref<64x32xf32, #tpu.memory_space<hbm>>
          %dma_wait3A_317 = arith.constant 0 : i32
          %dma_wait3A_318 = tpu.memref_slice %arg4[%mul3A_312, %dma_wait3A_313, %dma_wait3A_317] : memref<51200x4x32xf32, #tpu.memory_space<hbm>> -> memref<64x1x32xf32, #tpu.memory_space<hbm>>
          %dma_wait3A_319 = tpu.memref_squeeze %dma_wait3A_318 : memref<64x1x32xf32, #tpu.memory_space<hbm>> -> memref<64x32xf32, #tpu.memory_space<hbm>>
          tpu.wait_dma2 semaphore(%arg19 : memref<!tpu.dma_semaphore, #tpu.memory_space<semaphore_mem>>) src(%arg14 : memref<64x32xf32, #tpu.memory_space<vmem>>) dst(%dma_wait3A_319 : memref<64x32xf32, #tpu.memory_space<hbm>>)
        } else {
        }
        %dma_start3A_192 = arith.constant 0 : i32
        %dma_start3A_193 = arith.constant 0 : i32
        %dma_start3A_194 = tpu.memref_slice %arg6[%dma_start3A_192, %dma_start3A_193] : memref<4x64xi32, #tpu.memory_space<vmem>> -> memref<1x64xi32, #tpu.memory_space<vmem>>
        %dma_start3A_195 = tpu.memref_squeeze %dma_start3A_194 : memref<1x64xi32, #tpu.memory_space<vmem>> -> memref<64xi32, #tpu.memory_space<vmem>>
        %dma_start3A_196 = arith.constant 0 : i32
        %dma_start3A_197 = arith.constant 0 : i32
        %dma_start3A_198 = tpu.memref_slice %arg3[%dma_start3A_196, %dma_start3A_197] : memref<1007616x32xf32, #tpu.memory_space<hbm>> -> memref<1007616x32xf32, #tpu.memory_space<hbm>>
        tpu.enqueue_indirect_dma source(%dma_start3A_198 : memref<1007616x32xf32, #tpu.memory_space<hbm>>) target(%arg11 : memref<64x32xf32, #tpu.memory_space<vmem>>) offsets(%dma_start3A_195 : memref<64xi32, #tpu.memory_space<vmem>>) semaphore(%arg17 : memref<!tpu.dma_semaphore, #tpu.memory_space<semaphore_mem>>)
        %dma_start3A_199 = arith.constant 1 : i32
        %dma_start3A_200 = arith.constant 0 : i32
        %dma_start3A_201 = tpu.memref_slice %arg6[%dma_start3A_199, %dma_start3A_200] : memref<4x64xi32, #tpu.memory_space<vmem>> -> memref<1x64xi32, #tpu.memory_space<vmem>>
        %dma_start3A_202 = tpu.memref_squeeze %dma_start3A_201 : memref<1x64xi32, #tpu.memory_space<vmem>> -> memref<64xi32, #tpu.memory_space<vmem>>
        %dma_start3A_203 = arith.constant 0 : i32
        %dma_start3A_204 = arith.constant 0 : i32
        %dma_start3A_205 = tpu.memref_slice %arg3[%dma_start3A_203, %dma_start3A_204] : memref<1007616x32xf32, #tpu.memory_space<hbm>> -> memref<1007616x32xf32, #tpu.memory_space<hbm>>
        tpu.enqueue_indirect_dma source(%dma_start3A_205 : memref<1007616x32xf32, #tpu.memory_space<hbm>>) target(%arg12 : memref<64x32xf32, #tpu.memory_space<vmem>>) offsets(%dma_start3A_202 : memref<64xi32, #tpu.memory_space<vmem>>) semaphore(%arg17 : memref<!tpu.dma_semaphore, #tpu.memory_space<semaphore_mem>>)
        %dma_start3A_206 = arith.constant 2 : i32
        %dma_start3A_207 = arith.constant 0 : i32
        %dma_start3A_208 = tpu.memref_slice %arg6[%dma_start3A_206, %dma_start3A_207] : memref<4x64xi32, #tpu.memory_space<vmem>> -> memref<1x64xi32, #tpu.memory_space<vmem>>
        %dma_start3A_209 = tpu.memref_squeeze %dma_start3A_208 : memref<1x64xi32, #tpu.memory_space<vmem>> -> memref<64xi32, #tpu.memory_space<vmem>>
        %dma_start3A_210 = arith.constant 0 : i32
        %dma_start3A_211 = arith.constant 0 : i32
        %dma_start3A_212 = tpu.memref_slice %arg3[%dma_start3A_210, %dma_start3A_211] : memref<1007616x32xf32, #tpu.memory_space<hbm>> -> memref<1007616x32xf32, #tpu.memory_space<hbm>>
        tpu.enqueue_indirect_dma source(%dma_start3A_212 : memref<1007616x32xf32, #tpu.memory_space<hbm>>) target(%arg13 : memref<64x32xf32, #tpu.memory_space<vmem>>) offsets(%dma_start3A_209 : memref<64xi32, #tpu.memory_space<vmem>>) semaphore(%arg17 : memref<!tpu.dma_semaphore, #tpu.memory_space<semaphore_mem>>)
        %dma_start3A_213 = arith.constant 3 : i32
        %dma_start3A_214 = arith.constant 0 : i32
        %dma_start3A_215 = tpu.memref_slice %arg6[%dma_start3A_213, %dma_start3A_214] : memref<4x64xi32, #tpu.memory_space<vmem>> -> memref<1x64xi32, #tpu.memory_space<vmem>>
        %dma_start3A_216 = tpu.memref_squeeze %dma_start3A_215 : memref<1x64xi32, #tpu.memory_space<vmem>> -> memref<64xi32, #tpu.memory_space<vmem>>
        %dma_start3A_217 = arith.constant 0 : i32
        %dma_start3A_218 = arith.constant 0 : i32
        %dma_start3A_219 = tpu.memref_slice %arg3[%dma_start3A_217, %dma_start3A_218] : memref<1007616x32xf32, #tpu.memory_space<hbm>> -> memref<1007616x32xf32, #tpu.memory_space<hbm>>
        tpu.enqueue_indirect_dma source(%dma_start3A_219 : memref<1007616x32xf32, #tpu.memory_space<hbm>>) target(%arg14 : memref<64x32xf32, #tpu.memory_space<vmem>>) offsets(%dma_start3A_216 : memref<64xi32, #tpu.memory_space<vmem>>) semaphore(%arg17 : memref<!tpu.dma_semaphore, #tpu.memory_space<semaphore_mem>>)
        %dma_wait3A_220 = arith.constant 0 : i32
        %dma_wait3A_221 = arith.constant 0 : i32
        %dma_wait3A_222 = tpu.memref_slice %arg6[%dma_wait3A_220, %dma_wait3A_221] : memref<4x64xi32, #tpu.memory_space<vmem>> -> memref<1x64xi32, #tpu.memory_space<vmem>>
        %dma_wait3A_223 = tpu.memref_squeeze %dma_wait3A_222 : memref<1x64xi32, #tpu.memory_space<vmem>> -> memref<64xi32, #tpu.memory_space<vmem>>
        %dma_wait3A_224 = arith.constant 0 : i32
        %dma_wait3A_225 = arith.constant 0 : i32
        %dma_wait3A_226 = tpu.memref_slice %arg3[%dma_wait3A_224, %dma_wait3A_225] : memref<1007616x32xf32, #tpu.memory_space<hbm>> -> memref<1007616x32xf32, #tpu.memory_space<hbm>>
        tpu.wait_indirect_dma semaphore(%arg17 : memref<!tpu.dma_semaphore, #tpu.memory_space<semaphore_mem>>) src(%dma_wait3A_226 : memref<1007616x32xf32, #tpu.memory_space<hbm>>) dst(%arg11 : memref<64x32xf32, #tpu.memory_space<vmem>>)
        %dma_wait3A_227 = arith.constant 1 : i32
        %dma_wait3A_228 = arith.constant 0 : i32
        %dma_wait3A_229 = tpu.memref_slice %arg6[%dma_wait3A_227, %dma_wait3A_228] : memref<4x64xi32, #tpu.memory_space<vmem>> -> memref<1x64xi32, #tpu.memory_space<vmem>>
        %dma_wait3A_230 = tpu.memref_squeeze %dma_wait3A_229 : memref<1x64xi32, #tpu.memory_space<vmem>> -> memref<64xi32, #tpu.memory_space<vmem>>
        %dma_wait3A_231 = arith.constant 0 : i32
        %dma_wait3A_232 = arith.constant 0 : i32
        %dma_wait3A_233 = tpu.memref_slice %arg3[%dma_wait3A_231, %dma_wait3A_232] : memref<1007616x32xf32, #tpu.memory_space<hbm>> -> memref<1007616x32xf32, #tpu.memory_space<hbm>>
        tpu.wait_indirect_dma semaphore(%arg17 : memref<!tpu.dma_semaphore, #tpu.memory_space<semaphore_mem>>) src(%dma_wait3A_233 : memref<1007616x32xf32, #tpu.memory_space<hbm>>) dst(%arg12 : memref<64x32xf32, #tpu.memory_space<vmem>>)
        %dma_wait3A_234 = arith.constant 2 : i32
        %dma_wait3A_235 = arith.constant 0 : i32
        %dma_wait3A_236 = tpu.memref_slice %arg6[%dma_wait3A_234, %dma_wait3A_235] : memref<4x64xi32, #tpu.memory_space<vmem>> -> memref<1x64xi32, #tpu.memory_space<vmem>>
        %dma_wait3A_237 = tpu.memref_squeeze %dma_wait3A_236 : memref<1x64xi32, #tpu.memory_space<vmem>> -> memref<64xi32, #tpu.memory_space<vmem>>
        %dma_wait3A_238 = arith.constant 0 : i32
        %dma_wait3A_239 = arith.constant 0 : i32
        %dma_wait3A_240 = tpu.memref_slice %arg3[%dma_wait3A_238, %dma_wait3A_239] : memref<1007616x32xf32, #tpu.memory_space<hbm>> -> memref<1007616x32xf32, #tpu.memory_space<hbm>>
        tpu.wait_indirect_dma semaphore(%arg17 : memref<!tpu.dma_semaphore, #tpu.memory_space<semaphore_mem>>) src(%dma_wait3A_240 : memref<1007616x32xf32, #tpu.memory_space<hbm>>) dst(%arg13 : memref<64x32xf32, #tpu.memory_space<vmem>>)
        %dma_wait3A_241 = arith.constant 3 : i32
        %dma_wait3A_242 = arith.constant 0 : i32
        %dma_wait3A_243 = tpu.memref_slice %arg6[%dma_wait3A_241, %dma_wait3A_242] : memref<4x64xi32, #tpu.memory_space<vmem>> -> memref<1x64xi32, #tpu.memory_space<vmem>>
        %dma_wait3A_244 = tpu.memref_squeeze %dma_wait3A_243 : memref<1x64xi32, #tpu.memory_space<vmem>> -> memref<64xi32, #tpu.memory_space<vmem>>
        %dma_wait3A_245 = arith.constant 0 : i32
        %dma_wait3A_246 = arith.constant 0 : i32
        %dma_wait3A_247 = tpu.memref_slice %arg3[%dma_wait3A_245, %dma_wait3A_246] : memref<1007616x32xf32, #tpu.memory_space<hbm>> -> memref<1007616x32xf32, #tpu.memory_space<hbm>>
        tpu.wait_indirect_dma semaphore(%arg17 : memref<!tpu.dma_semaphore, #tpu.memory_space<semaphore_mem>>) src(%dma_wait3A_247 : memref<1007616x32xf32, #tpu.memory_space<hbm>>) dst(%arg14 : memref<64x32xf32, #tpu.memory_space<vmem>>)
        %mul3A_248 = arith.constant 64 : i32
        %mul3A_249 = arith.muli %add3A_133, %mul3A_248 : i32
        %dma_start3A_250 = arith.constant 0 : i32
        %dma_start3A_251 = arith.constant 0 : i32
        %dma_start3A_252 = tpu.memref_slice %arg4[%mul3A_249, %dma_start3A_250, %dma_start3A_251] : memref<51200x4x32xf32, #tpu.memory_space<hbm>> -> memref<64x1x32xf32, #tpu.memory_space<hbm>>
        %dma_start3A_253 = tpu.memref_squeeze %dma_start3A_252 : memref<64x1x32xf32, #tpu.memory_space<hbm>> -> memref<64x32xf32, #tpu.memory_space<hbm>>
        %dma_start3A_254 = arith.constant 0 : i32
        %dma_start3A_255 = tpu.memref_slice %arg4[%mul3A_249, %dma_start3A_250, %dma_start3A_254] : memref<51200x4x32xf32, #tpu.memory_space<hbm>> -> memref<64x1x32xf32, #tpu.memory_space<hbm>>
        %dma_start3A_256 = tpu.memref_squeeze %dma_start3A_255 : memref<64x1x32xf32, #tpu.memory_space<hbm>> -> memref<64x32xf32, #tpu.memory_space<hbm>>
        tpu.enqueue_dma source(%arg11 : memref<64x32xf32, #tpu.memory_space<vmem>>) target(%dma_start3A_256 : memref<64x32xf32, #tpu.memory_space<hbm>>) target_semaphore(%arg19 : memref<!tpu.dma_semaphore, #tpu.memory_space<semaphore_mem>>)
        %mul3A_257 = arith.constant 64 : i32
        %mul3A_258 = arith.muli %add3A_133, %mul3A_257 : i32
        %dma_start3A_259 = arith.constant 1 : i32
        %dma_start3A_260 = arith.constant 0 : i32
        %dma_start3A_261 = tpu.memref_slice %arg4[%mul3A_258, %dma_start3A_259, %dma_start3A_260] : memref<51200x4x32xf32, #tpu.memory_space<hbm>> -> memref<64x1x32xf32, #tpu.memory_space<hbm>>
        %dma_start3A_262 = tpu.memref_squeeze %dma_start3A_261 : memref<64x1x32xf32, #tpu.memory_space<hbm>> -> memref<64x32xf32, #tpu.memory_space<hbm>>
        %dma_start3A_263 = arith.constant 0 : i32
        %dma_start3A_264 = tpu.memref_slice %arg4[%mul3A_258, %dma_start3A_259, %dma_start3A_263] : memref<51200x4x32xf32, #tpu.memory_space<hbm>> -> memref<64x1x32xf32, #tpu.memory_space<hbm>>
        %dma_start3A_265 = tpu.memref_squeeze %dma_start3A_264 : memref<64x1x32xf32, #tpu.memory_space<hbm>> -> memref<64x32xf32, #tpu.memory_space<hbm>>
        tpu.enqueue_dma source(%arg12 : memref<64x32xf32, #tpu.memory_space<vmem>>) target(%dma_start3A_265 : memref<64x32xf32, #tpu.memory_space<hbm>>) target_semaphore(%arg19 : memref<!tpu.dma_semaphore, #tpu.memory_space<semaphore_mem>>)
        %mul3A_266 = arith.constant 64 : i32
        %mul3A_267 = arith.muli %add3A_133, %mul3A_266 : i32
        %dma_start3A_268 = arith.constant 2 : i32
        %dma_start3A_269 = arith.constant 0 : i32
        %dma_start3A_270 = tpu.memref_slice %arg4[%mul3A_267, %dma_start3A_268, %dma_start3A_269] : memref<51200x4x32xf32, #tpu.memory_space<hbm>> -> memref<64x1x32xf32, #tpu.memory_space<hbm>>
        %dma_start3A_271 = tpu.memref_squeeze %dma_start3A_270 : memref<64x1x32xf32, #tpu.memory_space<hbm>> -> memref<64x32xf32, #tpu.memory_space<hbm>>
        %dma_start3A_272 = arith.constant 0 : i32
        %dma_start3A_273 = tpu.memref_slice %arg4[%mul3A_267, %dma_start3A_268, %dma_start3A_272] : memref<51200x4x32xf32, #tpu.memory_space<hbm>> -> memref<64x1x32xf32, #tpu.memory_space<hbm>>
        %dma_start3A_274 = tpu.memref_squeeze %dma_start3A_273 : memref<64x1x32xf32, #tpu.memory_space<hbm>> -> memref<64x32xf32, #tpu.memory_space<hbm>>
        tpu.enqueue_dma source(%arg13 : memref<64x32xf32, #tpu.memory_space<vmem>>) target(%dma_start3A_274 : memref<64x32xf32, #tpu.memory_space<hbm>>) target_semaphore(%arg19 : memref<!tpu.dma_semaphore, #tpu.memory_space<semaphore_mem>>)
        %mul3A_275 = arith.constant 64 : i32
        %mul3A_276 = arith.muli %add3A_133, %mul3A_275 : i32
        %dma_start3A_277 = arith.constant 3 : i32
        %dma_start3A_278 = arith.constant 0 : i32
        %dma_start3A_279 = tpu.memref_slice %arg4[%mul3A_276, %dma_start3A_277, %dma_start3A_278] : memref<51200x4x32xf32, #tpu.memory_space<hbm>> -> memref<64x1x32xf32, #tpu.memory_space<hbm>>
        %dma_start3A_280 = tpu.memref_squeeze %dma_start3A_279 : memref<64x1x32xf32, #tpu.memory_space<hbm>> -> memref<64x32xf32, #tpu.memory_space<hbm>>
        %dma_start3A_281 = arith.constant 0 : i32
        %dma_start3A_282 = tpu.memref_slice %arg4[%mul3A_276, %dma_start3A_277, %dma_start3A_281] : memref<51200x4x32xf32, #tpu.memory_space<hbm>> -> memref<64x1x32xf32, #tpu.memory_space<hbm>>
        %dma_start3A_283 = tpu.memref_squeeze %dma_start3A_282 : memref<64x1x32xf32, #tpu.memory_space<hbm>> -> memref<64x32xf32, #tpu.memory_space<hbm>>
        tpu.enqueue_dma source(%arg14 : memref<64x32xf32, #tpu.memory_space<vmem>>) target(%dma_start3A_283 : memref<64x32xf32, #tpu.memory_space<hbm>>) target_semaphore(%arg19 : memref<!tpu.dma_semaphore, #tpu.memory_space<semaphore_mem>>)
      } else {
      }
    }
    %scan3A_44 = arith.constant 13 : i32
    %dma_wait3A = arith.constant 0 : i32
    %dma_wait3A_45 = arith.constant 0 : i32
    %dma_wait3A_46 = arith.constant 0 : i32
    %dma_wait3A_47 = tpu.memref_slice %arg4[%dma_wait3A_45, %dma_wait3A, %dma_wait3A_46] : memref<51200x4x32xf32, #tpu.memory_space<hbm>> -> memref<64x1x32xf32, #tpu.memory_space<hbm>>
    %dma_wait3A_48 = tpu.memref_squeeze %dma_wait3A_47 : memref<64x1x32xf32, #tpu.memory_space<hbm>> -> memref<64x32xf32, #tpu.memory_space<hbm>>
    %dma_wait3A_49 = arith.constant 0 : i32
    %dma_wait3A_50 = arith.constant 0 : i32
    %dma_wait3A_51 = tpu.memref_slice %arg4[%dma_wait3A_49, %dma_wait3A, %dma_wait3A_50] : memref<51200x4x32xf32, #tpu.memory_space<hbm>> -> memref<64x1x32xf32, #tpu.memory_space<hbm>>
    %dma_wait3A_52 = tpu.memref_squeeze %dma_wait3A_51 : memref<64x1x32xf32, #tpu.memory_space<hbm>> -> memref<64x32xf32, #tpu.memory_space<hbm>>
    tpu.wait_dma2 semaphore(%arg18 : memref<!tpu.dma_semaphore, #tpu.memory_space<semaphore_mem>>) src(%arg7 : memref<64x32xf32, #tpu.memory_space<vmem>>) dst(%dma_wait3A_52 : memref<64x32xf32, #tpu.memory_space<hbm>>)
    %dma_wait3A_53 = arith.constant 1 : i32
    %dma_wait3A_54 = arith.constant 0 : i32
    %dma_wait3A_55 = arith.constant 0 : i32
    %dma_wait3A_56 = tpu.memref_slice %arg4[%dma_wait3A_54, %dma_wait3A_53, %dma_wait3A_55] : memref<51200x4x32xf32, #tpu.memory_space<hbm>> -> memref<64x1x32xf32, #tpu.memory_space<hbm>>
    %dma_wait3A_57 = tpu.memref_squeeze %dma_wait3A_56 : memref<64x1x32xf32, #tpu.memory_space<hbm>> -> memref<64x32xf32, #tpu.memory_space<hbm>>
    %dma_wait3A_58 = arith.constant 0 : i32
    %dma_wait3A_59 = arith.constant 0 : i32
    %dma_wait3A_60 = tpu.memref_slice %arg4[%dma_wait3A_58, %dma_wait3A_53, %dma_wait3A_59] : memref<51200x4x32xf32, #tpu.memory_space<hbm>> -> memref<64x1x32xf32, #tpu.memory_space<hbm>>
    %dma_wait3A_61 = tpu.memref_squeeze %dma_wait3A_60 : memref<64x1x32xf32, #tpu.memory_space<hbm>> -> memref<64x32xf32, #tpu.memory_space<hbm>>
    tpu.wait_dma2 semaphore(%arg18 : memref<!tpu.dma_semaphore, #tpu.memory_space<semaphore_mem>>) src(%arg8 : memref<64x32xf32, #tpu.memory_space<vmem>>) dst(%dma_wait3A_61 : memref<64x32xf32, #tpu.memory_space<hbm>>)
    %dma_wait3A_62 = arith.constant 2 : i32
    %dma_wait3A_63 = arith.constant 0 : i32
    %dma_wait3A_64 = arith.constant 0 : i32
    %dma_wait3A_65 = tpu.memref_slice %arg4[%dma_wait3A_63, %dma_wait3A_62, %dma_wait3A_64] : memref<51200x4x32xf32, #tpu.memory_space<hbm>> -> memref<64x1x32xf32, #tpu.memory_space<hbm>>
    %dma_wait3A_66 = tpu.memref_squeeze %dma_wait3A_65 : memref<64x1x32xf32, #tpu.memory_space<hbm>> -> memref<64x32xf32, #tpu.memory_space<hbm>>
    %dma_wait3A_67 = arith.constant 0 : i32
    %dma_wait3A_68 = arith.constant 0 : i32
    %dma_wait3A_69 = tpu.memref_slice %arg4[%dma_wait3A_67, %dma_wait3A_62, %dma_wait3A_68] : memref<51200x4x32xf32, #tpu.memory_space<hbm>> -> memref<64x1x32xf32, #tpu.memory_space<hbm>>
    %dma_wait3A_70 = tpu.memref_squeeze %dma_wait3A_69 : memref<64x1x32xf32, #tpu.memory_space<hbm>> -> memref<64x32xf32, #tpu.memory_space<hbm>>
    tpu.wait_dma2 semaphore(%arg18 : memref<!tpu.dma_semaphore, #tpu.memory_space<semaphore_mem>>) src(%arg9 : memref<64x32xf32, #tpu.memory_space<vmem>>) dst(%dma_wait3A_70 : memref<64x32xf32, #tpu.memory_space<hbm>>)
    %dma_wait3A_71 = arith.constant 3 : i32
    %dma_wait3A_72 = arith.constant 0 : i32
    %dma_wait3A_73 = arith.constant 0 : i32
    %dma_wait3A_74 = tpu.memref_slice %arg4[%dma_wait3A_72, %dma_wait3A_71, %dma_wait3A_73] : memref<51200x4x32xf32, #tpu.memory_space<hbm>> -> memref<64x1x32xf32, #tpu.memory_space<hbm>>
    %dma_wait3A_75 = tpu.memref_squeeze %dma_wait3A_74 : memref<64x1x32xf32, #tpu.memory_space<hbm>> -> memref<64x32xf32, #tpu.memory_space<hbm>>
    %dma_wait3A_76 = arith.constant 0 : i32
    %dma_wait3A_77 = arith.constant 0 : i32
    %dma_wait3A_78 = tpu.memref_slice %arg4[%dma_wait3A_76, %dma_wait3A_71, %dma_wait3A_77] : memref<51200x4x32xf32, #tpu.memory_space<hbm>> -> memref<64x1x32xf32, #tpu.memory_space<hbm>>
    %dma_wait3A_79 = tpu.memref_squeeze %dma_wait3A_78 : memref<64x1x32xf32, #tpu.memory_space<hbm>> -> memref<64x32xf32, #tpu.memory_space<hbm>>
    tpu.wait_dma2 semaphore(%arg18 : memref<!tpu.dma_semaphore, #tpu.memory_space<semaphore_mem>>) src(%arg10 : memref<64x32xf32, #tpu.memory_space<vmem>>) dst(%dma_wait3A_79 : memref<64x32xf32, #tpu.memory_space<hbm>>)
    %dma_wait3A_80 = arith.constant 0 : i32
    %dma_wait3A_81 = arith.constant 0 : i32
    %dma_wait3A_82 = arith.constant 0 : i32
    %dma_wait3A_83 = tpu.memref_slice %arg4[%dma_wait3A_81, %dma_wait3A_80, %dma_wait3A_82] : memref<51200x4x32xf32, #tpu.memory_space<hbm>> -> memref<64x1x32xf32, #tpu.memory_space<hbm>>
    %dma_wait3A_84 = tpu.memref_squeeze %dma_wait3A_83 : memref<64x1x32xf32, #tpu.memory_space<hbm>> -> memref<64x32xf32, #tpu.memory_space<hbm>>
    %dma_wait3A_85 = arith.constant 0 : i32
    %dma_wait3A_86 = arith.constant 0 : i32
    %dma_wait3A_87 = tpu.memref_slice %arg4[%dma_wait3A_85, %dma_wait3A_80, %dma_wait3A_86] : memref<51200x4x32xf32, #tpu.memory_space<hbm>> -> memref<64x1x32xf32, #tpu.memory_space<hbm>>
    %dma_wait3A_88 = tpu.memref_squeeze %dma_wait3A_87 : memref<64x1x32xf32, #tpu.memory_space<hbm>> -> memref<64x32xf32, #tpu.memory_space<hbm>>
    tpu.wait_dma2 semaphore(%arg19 : memref<!tpu.dma_semaphore, #tpu.memory_space<semaphore_mem>>) src(%arg11 : memref<64x32xf32, #tpu.memory_space<vmem>>) dst(%dma_wait3A_88 : memref<64x32xf32, #tpu.memory_space<hbm>>)
    %dma_wait3A_89 = arith.constant 1 : i32
    %dma_wait3A_90 = arith.constant 0 : i32
    %dma_wait3A_91 = arith.constant 0 : i32
    %dma_wait3A_92 = tpu.memref_slice %arg4[%dma_wait3A_90, %dma_wait3A_89, %dma_wait3A_91] : memref<51200x4x32xf32, #tpu.memory_space<hbm>> -> memref<64x1x32xf32, #tpu.memory_space<hbm>>
    %dma_wait3A_93 = tpu.memref_squeeze %dma_wait3A_92 : memref<64x1x32xf32, #tpu.memory_space<hbm>> -> memref<64x32xf32, #tpu.memory_space<hbm>>
    %dma_wait3A_94 = arith.constant 0 : i32
    %dma_wait3A_95 = arith.constant 0 : i32
    %dma_wait3A_96 = tpu.memref_slice %arg4[%dma_wait3A_94, %dma_wait3A_89, %dma_wait3A_95] : memref<51200x4x32xf32, #tpu.memory_space<hbm>> -> memref<64x1x32xf32, #tpu.memory_space<hbm>>
    %dma_wait3A_97 = tpu.memref_squeeze %dma_wait3A_96 : memref<64x1x32xf32, #tpu.memory_space<hbm>> -> memref<64x32xf32, #tpu.memory_space<hbm>>
    tpu.wait_dma2 semaphore(%arg19 : memref<!tpu.dma_semaphore, #tpu.memory_space<semaphore_mem>>) src(%arg12 : memref<64x32xf32, #tpu.memory_space<vmem>>) dst(%dma_wait3A_97 : memref<64x32xf32, #tpu.memory_space<hbm>>)
    %dma_wait3A_98 = arith.constant 2 : i32
    %dma_wait3A_99 = arith.constant 0 : i32
    %dma_wait3A_100 = arith.constant 0 : i32
    %dma_wait3A_101 = tpu.memref_slice %arg4[%dma_wait3A_99, %dma_wait3A_98, %dma_wait3A_100] : memref<51200x4x32xf32, #tpu.memory_space<hbm>> -> memref<64x1x32xf32, #tpu.memory_space<hbm>>
    %dma_wait3A_102 = tpu.memref_squeeze %dma_wait3A_101 : memref<64x1x32xf32, #tpu.memory_space<hbm>> -> memref<64x32xf32, #tpu.memory_space<hbm>>
    %dma_wait3A_103 = arith.constant 0 : i32
    %dma_wait3A_104 = arith.constant 0 : i32
    %dma_wait3A_105 = tpu.memref_slice %arg4[%dma_wait3A_103, %dma_wait3A_98, %dma_wait3A_104] : memref<51200x4x32xf32, #tpu.memory_space<hbm>> -> memref<64x1x32xf32, #tpu.memory_space<hbm>>
    %dma_wait3A_106 = tpu.memref_squeeze %dma_wait3A_105 : memref<64x1x32xf32, #tpu.memory_space<hbm>> -> memref<64x32xf32, #tpu.memory_space<hbm>>
    tpu.wait_dma2 semaphore(%arg19 : memref<!tpu.dma_semaphore, #tpu.memory_space<semaphore_mem>>) src(%arg13 : memref<64x32xf32, #tpu.memory_space<vmem>>) dst(%dma_wait3A_106 : memref<64x32xf32, #tpu.memory_space<hbm>>)
    %dma_wait3A_107 = arith.constant 3 : i32
    %dma_wait3A_108 = arith.constant 0 : i32
    %dma_wait3A_109 = arith.constant 0 : i32
    %dma_wait3A_110 = tpu.memref_slice %arg4[%dma_wait3A_108, %dma_wait3A_107, %dma_wait3A_109] : memref<51200x4x32xf32, #tpu.memory_space<hbm>> -> memref<64x1x32xf32, #tpu.memory_space<hbm>>
    %dma_wait3A_111 = tpu.memref_squeeze %dma_wait3A_110 : memref<64x1x32xf32, #tpu.memory_space<hbm>> -> memref<64x32xf32, #tpu.memory_space<hbm>>
    %dma_wait3A_112 = arith.constant 0 : i32
    %dma_wait3A_113 = arith.constant 0 : i32
    %dma_wait3A_114 = tpu.memref_slice %arg4[%dma_wait3A_112, %dma_wait3A_107, %dma_wait3A_113] : memref<51200x4x32xf32, #tpu.memory_space<hbm>> -> memref<64x1x32xf32, #tpu.memory_space<hbm>>
    %dma_wait3A_115 = tpu.memref_squeeze %dma_wait3A_114 : memref<64x1x32xf32, #tpu.memory_space<hbm>> -> memref<64x32xf32, #tpu.memory_space<hbm>>
    tpu.wait_dma2 semaphore(%arg19 : memref<!tpu.dma_semaphore, #tpu.memory_space<semaphore_mem>>) src(%arg14 : memref<64x32xf32, #tpu.memory_space<vmem>>) dst(%dma_wait3A_115 : memref<64x32xf32, #tpu.memory_space<hbm>>)
    return
  }
}

#map = affine_map<(d0, d1) -> (0, 0)>
#map1 = affine_map<(d0, d1) -> (0, 0, 0)>
module attributes {stable_mosaic.version = 14 : i64} {
  func.func @_gather_body(%arg0: i32, %arg1: i32, %arg2: memref<200x1024xi32, #tpu.memory_space<hbm>>, %arg3: memref<1007616x32xf32, #tpu.memory_space<hbm>>, %arg4: memref<51200x4x32xf32, #tpu.memory_space<hbm>>, %arg5: memref<4x64xi32, #tpu.memory_space<vmem>>, %arg6: memref<4x64xi32, #tpu.memory_space<vmem>>, %arg7: memref<64x32xf32, #tpu.memory_space<vmem>>, %arg8: memref<64x32xf32, #tpu.memory_space<vmem>>, %arg9: memref<64x32xf32, #tpu.memory_space<vmem>>, %arg10: memref<64x32xf32, #tpu.memory_space<vmem>>, %arg11: memref<64x32xf32, #tpu.memory_space<vmem>>, %arg12: memref<64x32xf32, #tpu.memory_space<vmem>>, %arg13: memref<64x32xf32, #tpu.memory_space<vmem>>, %arg14: memref<64x32xf32, #tpu.memory_space<vmem>>, %arg15: memref<!tpu.dma_semaphore, #tpu.memory_space<semaphore_mem>>, %arg16: memref<!tpu.dma_semaphore, #tpu.memory_space<semaphore_mem>>, %arg17: memref<!tpu.dma_semaphore, #tpu.memory_space<semaphore_mem>>, %arg18: memref<!tpu.dma_semaphore, #tpu.memory_space<semaphore_mem>>, %arg19: memref<!tpu.dma_semaphore, #tpu.memory_space<semaphore_mem>>) attributes {dimension_semantics = [#tpu.dimension_semantics<core_parallel>, #tpu.dimension_semantics<subcore_parallel>], iteration_bounds = array<i64: 2, 16>, scalar_prefetch = 0 : i64, scratch_operands = 15 : i64, tpu.core_type = #tpu.core_type<sc_vector_subcore>, window_params = [{transform_indices = #map}, {transform_indices = #map}, {transform_indices = #map1}]} {
    %mul3A = arith.constant 2 : i32
    %mul3A_0 = arith.muli %arg1, %mul3A : i32
    %add3A = arith.addi %mul3A_0, %arg0 : i32
    %mul3A_1 = arith.constant 25 : i32
    %mul3A_2 = arith.muli %add3A, %mul3A_1 : i32
    %add3A_3 = arith.constant 0 : i32
    %add3A_4 = arith.addi %mul3A_2, %add3A_3 : i32
    %jit3A = arith.constant 16 : i32
    %div3A = arith.divsi %add3A_4, %jit3A : i32
    %sign3A = arith.constant 0 : i32
    %sign3A_5 = arith.cmpi sgt, %add3A_4, %sign3A : i32
    %sign3A_6 = arith.extui %sign3A_5 : i1 to i32
    %sign3A_7 = arith.constant 0 : i32
    %sign3A_8 = arith.cmpi slt, %add3A_4, %sign3A_7 : i32
    %sign3A_9 = arith.extui %sign3A_8 : i1 to i32
    %sign3A_10 = arith.subi %sign3A_6, %sign3A_9 : i32
    %sign3A_11 = arith.constant 0 : i32
    %sign3A_12 = arith.cmpi sgt, %jit3A, %sign3A_11 : i32
    %sign3A_13 = arith.extui %sign3A_12 : i1 to i32
    %sign3A_14 = arith.constant 0 : i32
    %sign3A_15 = arith.cmpi slt, %jit3A, %sign3A_14 : i32
    %sign3A_16 = arith.extui %sign3A_15 : i1 to i32
    %sign3A_17 = arith.subi %sign3A_13, %sign3A_16 : i32
    %ne3A = arith.cmpi ne, %sign3A_10, %sign3A_17 : i32
    %rem3A = arith.remsi %add3A_4, %jit3A : i32
    %ne3A_18 = arith.constant 0 : i32
    %ne3A_19 = arith.cmpi ne, %rem3A, %ne3A_18 : i32
    %and3A = arith.andi %ne3A, %ne3A_19 : i1
    %sub3A = arith.constant 1 : i32
    %sub3A_20 = arith.subi %div3A, %sub3A : i32
    %select_n3A = arith.select %and3A, %sub3A_20, %div3A : i32
    %jit3A_21 = arith.constant 16 : i32
    %eq3A = arith.constant 0 : i32
    %eq3A_22 = arith.cmpi eq, %jit3A_21, %eq3A : i32
    %jit3A_23 = arith.constant 1 : i32
    %select_n3A_24 = arith.select %eq3A_22, %jit3A_23, %jit3A_21 : i32
    %rem3A_25 = arith.remsi %add3A_4, %select_n3A_24 : i32
    %ne3A_26 = arith.constant 0 : i32
    %ne3A_27 = arith.cmpi ne, %rem3A_25, %ne3A_26 : i32
    %lt3A = arith.constant 0 : i32
    %lt3A_28 = arith.cmpi slt, %rem3A_25, %lt3A : i32
    %lt3A_29 = arith.constant 0 : i32
    %lt3A_30 = arith.cmpi slt, %select_n3A_24, %lt3A_29 : i32
    %ne3A_31 = arith.xori %lt3A_28, %lt3A_30 : i1
    %and3A_32 = arith.andi %ne3A_31, %ne3A_27 : i1
    %add3A_33 = arith.addi %rem3A_25, %select_n3A_24 : i32
    %select_n3A_34 = arith.select %and3A_32, %add3A_33, %rem3A_25 : i32
    %mul3A_35 = arith.constant 4 : i32
    %mul3A_36 = arith.muli %mul3A_35, %select_n3A : i32
    %mul3A_37 = arith.constant 64 : i32
    %mul3A_38 = arith.muli %mul3A_37, %select_n3A_34 : i32
    %dma_start3A = tpu.memref_slice %arg2[%mul3A_36, %mul3A_38] : memref<200x1024xi32, #tpu.memory_space<hbm>> -> memref<4x64xi32, #tpu.memory_space<hbm>>
    %dma_start3A_39 = tpu.memref_slice %arg2[%mul3A_36, %mul3A_38] : memref<200x1024xi32, #tpu.memory_space<hbm>> -> memref<4x64xi32, #tpu.memory_space<hbm>>
    tpu.enqueue_dma source(%dma_start3A_39 : memref<4x64xi32, #tpu.memory_space<hbm>>) target(%arg5 : memref<4x64xi32, #tpu.memory_space<vmem>>) target_semaphore(%arg15 : memref<!tpu.dma_semaphore, #tpu.memory_space<semaphore_mem>>)
    %scan3A = arith.constant 0 : i32
    %scan3A_40 = arith.constant 0 : i32
    %scan3A_41 = arith.constant 13 : i32
    %scan3A_42 = arith.addi %scan3A_40, %scan3A_41 : i32
    %scan3A_43 = arith.constant 1 : i32
    scf.for %scan3A_116 = %scan3A_40 to %scan3A_42 step %scan3A_43  : i32 {
      %mul3A_117 = arith.constant 2 : i32
      %mul3A_118 = arith.muli %mul3A_117, %scan3A_116 : i32
      %add3A_119 = arith.constant 0 : i32
      %add3A_120 = arith.addi %mul3A_118, %add3A_119 : i32
      %lt3A_121 = arith.constant 25 : i32
      %lt3A_122 = arith.cmpi slt, %add3A_120, %lt3A_121 : i32
      %convert_element_type3A = arith.extui %lt3A_122 : i1 to i32
      %cond3A = arith.constant 0 : i32
      %cond3A_123 = arith.cmpi ne, %convert_element_type3A, %cond3A : i32
      scf.if %cond3A_123 {
        %add3A_133 = arith.addi %mul3A_2, %add3A_120 : i32
        %add3A_134 = arith.constant 1 : i32
        %add3A_135 = arith.addi %add3A_120, %add3A_134 : i32
        %lt3A_136 = arith.constant 25 : i32
        %lt3A_137 = arith.cmpi slt, %add3A_135, %lt3A_136 : i32
        %convert_element_type3A_138 = arith.extui %lt3A_137 : i1 to i32
        %cond3A_139 = arith.constant 0 : i32
        %cond3A_140 = arith.cmpi ne, %convert_element_type3A_138, %cond3A_139 : i32
        scf.if %cond3A_140 {
          %add3A_284 = arith.addi %mul3A_2, %add3A_135 : i32
          %jit3A_285 = arith.constant 16 : i32
          %div3A_286 = arith.divsi %add3A_284, %jit3A_285 : i32
          %sign3A_287 = arith.constant 0 : i32
          %sign3A_288 = arith.cmpi sgt, %add3A_284, %sign3A_287 : i32
          %sign3A_289 = arith.extui %sign3A_288 : i1 to i32
          %sign3A_290 = arith.constant 0 : i32
          %sign3A_291 = arith.cmpi slt, %add3A_284, %sign3A_290 : i32
          %sign3A_292 = arith.extui %sign3A_291 : i1 to i32
          %sign3A_293 = arith.subi %sign3A_289, %sign3A_292 : i32
          %sign3A_294 = arith.constant 0 : i32
          %sign3A_295 = arith.cmpi sgt, %jit3A_285, %sign3A_294 : i32
          %sign3A_296 = arith.extui %sign3A_295 : i1 to i32
          %sign3A_297 = arith.constant 0 : i32
          %sign3A_298 = arith.cmpi slt, %jit3A_285, %sign3A_297 : i32
          %sign3A_299 = arith.extui %sign3A_298 : i1 to i32
          %sign3A_300 = arith.subi %sign3A_296, %sign3A_299 : i32
          %ne3A_301 = arith.cmpi ne, %sign3A_293, %sign3A_300 : i32
          %rem3A_302 = arith.remsi %add3A_284, %jit3A_285 : i32
          %ne3A_303 = arith.constant 0 : i32
          %ne3A_304 = arith.cmpi ne, %rem3A_302, %ne3A_303 : i32
          %and3A_305 = arith.andi %ne3A_301, %ne3A_304 : i1
          %sub3A_306 = arith.constant 1 : i32
          %sub3A_307 = arith.subi %div3A_286, %sub3A_306 : i32
          %select_n3A_308 = arith.select %and3A_305, %sub3A_307, %div3A_286 : i32
          %jit3A_309 = arith.constant 16 : i32
          %eq3A_310 = arith.constant 0 : i32
          %eq3A_311 = arith.cmpi eq, %jit3A_309, %eq3A_310 : i32
          %jit3A_312 = arith.constant 1 : i32
          %select_n3A_313 = arith.select %eq3A_311, %jit3A_312, %jit3A_309 : i32
          %rem3A_314 = arith.remsi %add3A_284, %select_n3A_313 : i32
          %ne3A_315 = arith.constant 0 : i32
          %ne3A_316 = arith.cmpi ne, %rem3A_314, %ne3A_315 : i32
          %lt3A_317 = arith.constant 0 : i32
          %lt3A_318 = arith.cmpi slt, %rem3A_314, %lt3A_317 : i32
          %lt3A_319 = arith.constant 0 : i32
          %lt3A_320 = arith.cmpi slt, %select_n3A_313, %lt3A_319 : i32
          %ne3A_321 = arith.xori %lt3A_318, %lt3A_320 : i1
          %and3A_322 = arith.andi %ne3A_321, %ne3A_316 : i1
          %add3A_323 = arith.addi %rem3A_314, %select_n3A_313 : i32
          %select_n3A_324 = arith.select %and3A_322, %add3A_323, %rem3A_314 : i32
          %mul3A_325 = arith.constant 4 : i32
          %mul3A_326 = arith.muli %mul3A_325, %select_n3A_308 : i32
          %mul3A_327 = arith.constant 64 : i32
          %mul3A_328 = arith.muli %mul3A_327, %select_n3A_324 : i32
          %dma_start3A_329 = tpu.memref_slice %arg2[%mul3A_326, %mul3A_328] : memref<200x1024xi32, #tpu.memory_space<hbm>> -> memref<4x64xi32, #tpu.memory_space<hbm>>
          %dma_start3A_330 = tpu.memref_slice %arg2[%mul3A_326, %mul3A_328] : memref<200x1024xi32, #tpu.memory_space<hbm>> -> memref<4x64xi32, #tpu.memory_space<hbm>>
          tpu.enqueue_dma source(%dma_start3A_330 : memref<4x64xi32, #tpu.memory_space<hbm>>) target(%arg6 : memref<4x64xi32, #tpu.memory_space<vmem>>) target_semaphore(%arg16 : memref<!tpu.dma_semaphore, #tpu.memory_space<semaphore_mem>>)
        } else {
        }
        %add3A_141 = arith.addi %mul3A_2, %add3A_120 : i32
        %jit3A_142 = arith.constant 16 : i32
        %div3A_143 = arith.divsi %add3A_141, %jit3A_142 : i32
        %sign3A_144 = arith.constant 0 : i32
        %sign3A_145 = arith.cmpi sgt, %add3A_141, %sign3A_144 : i32
        %sign3A_146 = arith.extui %sign3A_145 : i1 to i32
        %sign3A_147 = arith.constant 0 : i32
        %sign3A_148 = arith.cmpi slt, %add3A_141, %sign3A_147 : i32
        %sign3A_149 = arith.extui %sign3A_148 : i1 to i32
        %sign3A_150 = arith.subi %sign3A_146, %sign3A_149 : i32
        %sign3A_151 = arith.constant 0 : i32
        %sign3A_152 = arith.cmpi sgt, %jit3A_142, %sign3A_151 : i32
        %sign3A_153 = arith.extui %sign3A_152 : i1 to i32
        %sign3A_154 = arith.constant 0 : i32
        %sign3A_155 = arith.cmpi slt, %jit3A_142, %sign3A_154 : i32
        %sign3A_156 = arith.extui %sign3A_155 : i1 to i32
        %sign3A_157 = arith.subi %sign3A_153, %sign3A_156 : i32
        %ne3A_158 = arith.cmpi ne, %sign3A_150, %sign3A_157 : i32
        %rem3A_159 = arith.remsi %add3A_141, %jit3A_142 : i32
        %ne3A_160 = arith.constant 0 : i32
        %ne3A_161 = arith.cmpi ne, %rem3A_159, %ne3A_160 : i32
        %and3A_162 = arith.andi %ne3A_158, %ne3A_161 : i1
        %sub3A_163 = arith.constant 1 : i32
        %sub3A_164 = arith.subi %div3A_143, %sub3A_163 : i32
        %select_n3A_165 = arith.select %and3A_162, %sub3A_164, %div3A_143 : i32
        %jit3A_166 = arith.constant 16 : i32
        %eq3A_167 = arith.constant 0 : i32
        %eq3A_168 = arith.cmpi eq, %jit3A_166, %eq3A_167 : i32
        %jit3A_169 = arith.constant 1 : i32
        %select_n3A_170 = arith.select %eq3A_168, %jit3A_169, %jit3A_166 : i32
        %rem3A_171 = arith.remsi %add3A_141, %select_n3A_170 : i32
        %ne3A_172 = arith.constant 0 : i32
        %ne3A_173 = arith.cmpi ne, %rem3A_171, %ne3A_172 : i32
        %lt3A_174 = arith.constant 0 : i32
        %lt3A_175 = arith.cmpi slt, %rem3A_171, %lt3A_174 : i32
        %lt3A_176 = arith.constant 0 : i32
        %lt3A_177 = arith.cmpi slt, %select_n3A_170, %lt3A_176 : i32
        %ne3A_178 = arith.xori %lt3A_175, %lt3A_177 : i1
        %and3A_179 = arith.andi %ne3A_178, %ne3A_173 : i1
        %add3A_180 = arith.addi %rem3A_171, %select_n3A_170 : i32
        %select_n3A_181 = arith.select %and3A_179, %add3A_180, %rem3A_171 : i32
        %mul3A_182 = arith.constant 4 : i32
        %mul3A_183 = arith.muli %mul3A_182, %select_n3A_165 : i32
        %mul3A_184 = arith.constant 64 : i32
        %mul3A_185 = arith.muli %mul3A_184, %select_n3A_181 : i32
        %dma_wait3A_186 = tpu.memref_slice %arg2[%mul3A_183, %mul3A_185] : memref<200x1024xi32, #tpu.memory_space<hbm>> -> memref<4x64xi32, #tpu.memory_space<hbm>>
        %dma_wait3A_187 = tpu.memref_slice %arg2[%mul3A_183, %mul3A_185] : memref<200x1024xi32, #tpu.memory_space<hbm>> -> memref<4x64xi32, #tpu.memory_space<hbm>>
        tpu.wait_dma2 semaphore(%arg15 : memref<!tpu.dma_semaphore, #tpu.memory_space<semaphore_mem>>) src(%dma_wait3A_187 : memref<4x64xi32, #tpu.memory_space<hbm>>) dst(%arg5 : memref<4x64xi32, #tpu.memory_space<vmem>>)
        %ge3A = arith.constant 2 : i32
        %ge3A_188 = arith.cmpi sge, %add3A_120, %ge3A : i32
        %convert_element_type3A_189 = arith.extui %ge3A_188 : i1 to i32
        %cond3A_190 = arith.constant 0 : i32
        %cond3A_191 = arith.cmpi ne, %convert_element_type3A_189, %cond3A_190 : i32
        scf.if %cond3A_191 {
          %mul3A_284 = arith.constant 64 : i32
          %mul3A_285 = arith.muli %add3A_133, %mul3A_284 : i32
          %dma_wait3A_286 = arith.constant 0 : i32
          %dma_wait3A_287 = arith.constant 0 : i32
          %dma_wait3A_288 = tpu.memref_slice %arg4[%mul3A_285, %dma_wait3A_286, %dma_wait3A_287] : memref<51200x4x32xf32, #tpu.memory_space<hbm>> -> memref<64x1x32xf32, #tpu.memory_space<hbm>>
          %dma_wait3A_289 = tpu.memref_squeeze %dma_wait3A_288 : memref<64x1x32xf32, #tpu.memory_space<hbm>> -> memref<64x32xf32, #tpu.memory_space<hbm>>
          %dma_wait3A_290 = arith.constant 0 : i32
          %dma_wait3A_291 = tpu.memref_slice %arg4[%mul3A_285, %dma_wait3A_286, %dma_wait3A_290] : memref<51200x4x32xf32, #tpu.memory_space<hbm>> -> memref<64x1x32xf32, #tpu.memory_space<hbm>>
          %dma_wait3A_292 = tpu.memref_squeeze %dma_wait3A_291 : memref<64x1x32xf32, #tpu.memory_space<hbm>> -> memref<64x32xf32, #tpu.memory_space<hbm>>
          tpu.wait_dma2 semaphore(%arg18 : memref<!tpu.dma_semaphore, #tpu.memory_space<semaphore_mem>>) src(%arg7 : memref<64x32xf32, #tpu.memory_space<vmem>>) dst(%dma_wait3A_292 : memref<64x32xf32, #tpu.memory_space<hbm>>)
          %mul3A_293 = arith.constant 64 : i32
          %mul3A_294 = arith.muli %add3A_133, %mul3A_293 : i32
          %dma_wait3A_295 = arith.constant 1 : i32
          %dma_wait3A_296 = arith.constant 0 : i32
          %dma_wait3A_297 = tpu.memref_slice %arg4[%mul3A_294, %dma_wait3A_295, %dma_wait3A_296] : memref<51200x4x32xf32, #tpu.memory_space<hbm>> -> memref<64x1x32xf32, #tpu.memory_space<hbm>>
          %dma_wait3A_298 = tpu.memref_squeeze %dma_wait3A_297 : memref<64x1x32xf32, #tpu.memory_space<hbm>> -> memref<64x32xf32, #tpu.memory_space<hbm>>
          %dma_wait3A_299 = arith.constant 0 : i32
          %dma_wait3A_300 = tpu.memref_slice %arg4[%mul3A_294, %dma_wait3A_295, %dma_wait3A_299] : memref<51200x4x32xf32, #tpu.memory_space<hbm>> -> memref<64x1x32xf32, #tpu.memory_space<hbm>>
          %dma_wait3A_301 = tpu.memref_squeeze %dma_wait3A_300 : memref<64x1x32xf32, #tpu.memory_space<hbm>> -> memref<64x32xf32, #tpu.memory_space<hbm>>
          tpu.wait_dma2 semaphore(%arg18 : memref<!tpu.dma_semaphore, #tpu.memory_space<semaphore_mem>>) src(%arg8 : memref<64x32xf32, #tpu.memory_space<vmem>>) dst(%dma_wait3A_301 : memref<64x32xf32, #tpu.memory_space<hbm>>)
          %mul3A_302 = arith.constant 64 : i32
          %mul3A_303 = arith.muli %add3A_133, %mul3A_302 : i32
          %dma_wait3A_304 = arith.constant 2 : i32
          %dma_wait3A_305 = arith.constant 0 : i32
          %dma_wait3A_306 = tpu.memref_slice %arg4[%mul3A_303, %dma_wait3A_304, %dma_wait3A_305] : memref<51200x4x32xf32, #tpu.memory_space<hbm>> -> memref<64x1x32xf32, #tpu.memory_space<hbm>>
          %dma_wait3A_307 = tpu.memref_squeeze %dma_wait3A_306 : memref<64x1x32xf32, #tpu.memory_space<hbm>> -> memref<64x32xf32, #tpu.memory_space<hbm>>
          %dma_wait3A_308 = arith.constant 0 : i32
          %dma_wait3A_309 = tpu.memref_slice %arg4[%mul3A_303, %dma_wait3A_304, %dma_wait3A_308] : memref<51200x4x32xf32, #tpu.memory_space<hbm>> -> memref<64x1x32xf32, #tpu.memory_space<hbm>>
          %dma_wait3A_310 = tpu.memref_squeeze %dma_wait3A_309 : memref<64x1x32xf32, #tpu.memory_space<hbm>> -> memref<64x32xf32, #tpu.memory_space<hbm>>
          tpu.wait_dma2 semaphore(%arg18 : memref<!tpu.dma_semaphore, #tpu.memory_space<semaphore_mem>>) src(%arg9 : memref<64x32xf32, #tpu.memory_space<vmem>>) dst(%dma_wait3A_310 : memref<64x32xf32, #tpu.memory_space<hbm>>)
          %mul3A_311 = arith.constant 64 : i32
          %mul3A_312 = arith.muli %add3A_133, %mul3A_311 : i32
          %dma_wait3A_313 = arith.constant 3 : i32
          %dma_wait3A_314 = arith.constant 0 : i32
          %dma_wait3A_315 = tpu.memref_slice %arg4[%mul3A_312, %dma_wait3A_313, %dma_wait3A_314] : memref<51200x4x32xf32, #tpu.memory_space<hbm>> -> memref<64x1x32xf32, #tpu.memory_space<hbm>>
          %dma_wait3A_316 = tpu.memref_squeeze %dma_wait3A_315 : memref<64x1x32xf32, #tpu.memory_space<hbm>> -> memref<64x32xf32, #tpu.memory_space<hbm>>
          %dma_wait3A_317 = arith.constant 0 : i32
          %dma_wait3A_318 = tpu.memref_slice %arg4[%mul3A_312, %dma_wait3A_313, %dma_wait3A_317] : memref<51200x4x32xf32, #tpu.memory_space<hbm>> -> memref<64x1x32xf32, #tpu.memory_space<hbm>>
          %dma_wait3A_319 = tpu.memref_squeeze %dma_wait3A_318 : memref<64x1x32xf32, #tpu.memory_space<hbm>> -> memref<64x32xf32, #tpu.memory_space<hbm>>
          tpu.wait_dma2 semaphore(%arg18 : memref<!tpu.dma_semaphore, #tpu.memory_space<semaphore_mem>>) src(%arg10 : memref<64x32xf32, #tpu.memory_space<vmem>>) dst(%dma_wait3A_319 : memref<64x32xf32, #tpu.memory_space<hbm>>)
        } else {
        }
        %dma_start3A_192 = arith.constant 0 : i32
        %dma_start3A_193 = arith.constant 0 : i32
        %dma_start3A_194 = tpu.memref_slice %arg5[%dma_start3A_192, %dma_start3A_193] : memref<4x64xi32, #tpu.memory_space<vmem>> -> memref<1x64xi32, #tpu.memory_space<vmem>>
        %dma_start3A_195 = tpu.memref_squeeze %dma_start3A_194 : memref<1x64xi32, #tpu.memory_space<vmem>> -> memref<64xi32, #tpu.memory_space<vmem>>
        %dma_start3A_196 = arith.constant 0 : i32
        %dma_start3A_197 = arith.constant 0 : i32
        %dma_start3A_198 = tpu.memref_slice %arg3[%dma_start3A_196, %dma_start3A_197] : memref<1007616x32xf32, #tpu.memory_space<hbm>> -> memref<1007616x32xf32, #tpu.memory_space<hbm>>
        tpu.enqueue_indirect_dma source(%dma_start3A_198 : memref<1007616x32xf32, #tpu.memory_space<hbm>>) target(%arg7 : memref<64x32xf32, #tpu.memory_space<vmem>>) offsets(%dma_start3A_195 : memref<64xi32, #tpu.memory_space<vmem>>) semaphore(%arg17 : memref<!tpu.dma_semaphore, #tpu.memory_space<semaphore_mem>>)
        %dma_start3A_199 = arith.constant 1 : i32
        %dma_start3A_200 = arith.constant 0 : i32
        %dma_start3A_201 = tpu.memref_slice %arg5[%dma_start3A_199, %dma_start3A_200] : memref<4x64xi32, #tpu.memory_space<vmem>> -> memref<1x64xi32, #tpu.memory_space<vmem>>
        %dma_start3A_202 = tpu.memref_squeeze %dma_start3A_201 : memref<1x64xi32, #tpu.memory_space<vmem>> -> memref<64xi32, #tpu.memory_space<vmem>>
        %dma_start3A_203 = arith.constant 0 : i32
        %dma_start3A_204 = arith.constant 0 : i32
        %dma_start3A_205 = tpu.memref_slice %arg3[%dma_start3A_203, %dma_start3A_204] : memref<1007616x32xf32, #tpu.memory_space<hbm>> -> memref<1007616x32xf32, #tpu.memory_space<hbm>>
        tpu.enqueue_indirect_dma source(%dma_start3A_205 : memref<1007616x32xf32, #tpu.memory_space<hbm>>) target(%arg8 : memref<64x32xf32, #tpu.memory_space<vmem>>) offsets(%dma_start3A_202 : memref<64xi32, #tpu.memory_space<vmem>>) semaphore(%arg17 : memref<!tpu.dma_semaphore, #tpu.memory_space<semaphore_mem>>)
        %dma_start3A_206 = arith.constant 2 : i32
        %dma_start3A_207 = arith.constant 0 : i32
        %dma_start3A_208 = tpu.memref_slice %arg5[%dma_start3A_206, %dma_start3A_207] : memref<4x64xi32, #tpu.memory_space<vmem>> -> memref<1x64xi32, #tpu.memory_space<vmem>>
        %dma_start3A_209 = tpu.memref_squeeze %dma_start3A_208 : memref<1x64xi32, #tpu.memory_space<vmem>> -> memref<64xi32, #tpu.memory_space<vmem>>
        %dma_start3A_210 = arith.constant 0 : i32
        %dma_start3A_211 = arith.constant 0 : i32
        %dma_start3A_212 = tpu.memref_slice %arg3[%dma_start3A_210, %dma_start3A_211] : memref<1007616x32xf32, #tpu.memory_space<hbm>> -> memref<1007616x32xf32, #tpu.memory_space<hbm>>
        tpu.enqueue_indirect_dma source(%dma_start3A_212 : memref<1007616x32xf32, #tpu.memory_space<hbm>>) target(%arg9 : memref<64x32xf32, #tpu.memory_space<vmem>>) offsets(%dma_start3A_209 : memref<64xi32, #tpu.memory_space<vmem>>) semaphore(%arg17 : memref<!tpu.dma_semaphore, #tpu.memory_space<semaphore_mem>>)
        %dma_start3A_213 = arith.constant 3 : i32
        %dma_start3A_214 = arith.constant 0 : i32
        %dma_start3A_215 = tpu.memref_slice %arg5[%dma_start3A_213, %dma_start3A_214] : memref<4x64xi32, #tpu.memory_space<vmem>> -> memref<1x64xi32, #tpu.memory_space<vmem>>
        %dma_start3A_216 = tpu.memref_squeeze %dma_start3A_215 : memref<1x64xi32, #tpu.memory_space<vmem>> -> memref<64xi32, #tpu.memory_space<vmem>>
        %dma_start3A_217 = arith.constant 0 : i32
        %dma_start3A_218 = arith.constant 0 : i32
        %dma_start3A_219 = tpu.memref_slice %arg3[%dma_start3A_217, %dma_start3A_218] : memref<1007616x32xf32, #tpu.memory_space<hbm>> -> memref<1007616x32xf32, #tpu.memory_space<hbm>>
        tpu.enqueue_indirect_dma source(%dma_start3A_219 : memref<1007616x32xf32, #tpu.memory_space<hbm>>) target(%arg10 : memref<64x32xf32, #tpu.memory_space<vmem>>) offsets(%dma_start3A_216 : memref<64xi32, #tpu.memory_space<vmem>>) semaphore(%arg17 : memref<!tpu.dma_semaphore, #tpu.memory_space<semaphore_mem>>)
        %dma_wait3A_220 = arith.constant 0 : i32
        %dma_wait3A_221 = arith.constant 0 : i32
        %dma_wait3A_222 = tpu.memref_slice %arg5[%dma_wait3A_220, %dma_wait3A_221] : memref<4x64xi32, #tpu.memory_space<vmem>> -> memref<1x64xi32, #tpu.memory_space<vmem>>
        %dma_wait3A_223 = tpu.memref_squeeze %dma_wait3A_222 : memref<1x64xi32, #tpu.memory_space<vmem>> -> memref<64xi32, #tpu.memory_space<vmem>>
        %dma_wait3A_224 = arith.constant 0 : i32
        %dma_wait3A_225 = arith.constant 0 : i32
        %dma_wait3A_226 = tpu.memref_slice %arg3[%dma_wait3A_224, %dma_wait3A_225] : memref<1007616x32xf32, #tpu.memory_space<hbm>> -> memref<1007616x32xf32, #tpu.memory_space<hbm>>
        tpu.wait_indirect_dma semaphore(%arg17 : memref<!tpu.dma_semaphore, #tpu.memory_space<semaphore_mem>>) src(%dma_wait3A_226 : memref<1007616x32xf32, #tpu.memory_space<hbm>>) dst(%arg7 : memref<64x32xf32, #tpu.memory_space<vmem>>)
        %dma_wait3A_227 = arith.constant 1 : i32
        %dma_wait3A_228 = arith.constant 0 : i32
        %dma_wait3A_229 = tpu.memref_slice %arg5[%dma_wait3A_227, %dma_wait3A_228] : memref<4x64xi32, #tpu.memory_space<vmem>> -> memref<1x64xi32, #tpu.memory_space<vmem>>
        %dma_wait3A_230 = tpu.memref_squeeze %dma_wait3A_229 : memref<1x64xi32, #tpu.memory_space<vmem>> -> memref<64xi32, #tpu.memory_space<vmem>>
        %dma_wait3A_231 = arith.constant 0 : i32
        %dma_wait3A_232 = arith.constant 0 : i32
        %dma_wait3A_233 = tpu.memref_slice %arg3[%dma_wait3A_231, %dma_wait3A_232] : memref<1007616x32xf32, #tpu.memory_space<hbm>> -> memref<1007616x32xf32, #tpu.memory_space<hbm>>
        tpu.wait_indirect_dma semaphore(%arg17 : memref<!tpu.dma_semaphore, #tpu.memory_space<semaphore_mem>>) src(%dma_wait3A_233 : memref<1007616x32xf32, #tpu.memory_space<hbm>>) dst(%arg8 : memref<64x32xf32, #tpu.memory_space<vmem>>)
        %dma_wait3A_234 = arith.constant 2 : i32
        %dma_wait3A_235 = arith.constant 0 : i32
        %dma_wait3A_236 = tpu.memref_slice %arg5[%dma_wait3A_234, %dma_wait3A_235] : memref<4x64xi32, #tpu.memory_space<vmem>> -> memref<1x64xi32, #tpu.memory_space<vmem>>
        %dma_wait3A_237 = tpu.memref_squeeze %dma_wait3A_236 : memref<1x64xi32, #tpu.memory_space<vmem>> -> memref<64xi32, #tpu.memory_space<vmem>>
        %dma_wait3A_238 = arith.constant 0 : i32
        %dma_wait3A_239 = arith.constant 0 : i32
        %dma_wait3A_240 = tpu.memref_slice %arg3[%dma_wait3A_238, %dma_wait3A_239] : memref<1007616x32xf32, #tpu.memory_space<hbm>> -> memref<1007616x32xf32, #tpu.memory_space<hbm>>
        tpu.wait_indirect_dma semaphore(%arg17 : memref<!tpu.dma_semaphore, #tpu.memory_space<semaphore_mem>>) src(%dma_wait3A_240 : memref<1007616x32xf32, #tpu.memory_space<hbm>>) dst(%arg9 : memref<64x32xf32, #tpu.memory_space<vmem>>)
        %dma_wait3A_241 = arith.constant 3 : i32
        %dma_wait3A_242 = arith.constant 0 : i32
        %dma_wait3A_243 = tpu.memref_slice %arg5[%dma_wait3A_241, %dma_wait3A_242] : memref<4x64xi32, #tpu.memory_space<vmem>> -> memref<1x64xi32, #tpu.memory_space<vmem>>
        %dma_wait3A_244 = tpu.memref_squeeze %dma_wait3A_243 : memref<1x64xi32, #tpu.memory_space<vmem>> -> memref<64xi32, #tpu.memory_space<vmem>>
        %dma_wait3A_245 = arith.constant 0 : i32
        %dma_wait3A_246 = arith.constant 0 : i32
        %dma_wait3A_247 = tpu.memref_slice %arg3[%dma_wait3A_245, %dma_wait3A_246] : memref<1007616x32xf32, #tpu.memory_space<hbm>> -> memref<1007616x32xf32, #tpu.memory_space<hbm>>
        tpu.wait_indirect_dma semaphore(%arg17 : memref<!tpu.dma_semaphore, #tpu.memory_space<semaphore_mem>>) src(%dma_wait3A_247 : memref<1007616x32xf32, #tpu.memory_space<hbm>>) dst(%arg10 : memref<64x32xf32, #tpu.memory_space<vmem>>)
        %mul3A_248 = arith.constant 64 : i32
        %mul3A_249 = arith.muli %add3A_133, %mul3A_248 : i32
        %dma_start3A_250 = arith.constant 0 : i32
        %dma_start3A_251 = arith.constant 0 : i32
        %dma_start3A_252 = tpu.memref_slice %arg4[%mul3A_249, %dma_start3A_250, %dma_start3A_251] : memref<51200x4x32xf32, #tpu.memory_space<hbm>> -> memref<64x1x32xf32, #tpu.memory_space<hbm>>
        %dma_start3A_253 = tpu.memref_squeeze %dma_start3A_252 : memref<64x1x32xf32, #tpu.memory_space<hbm>> -> memref<64x32xf32, #tpu.memory_space<hbm>>
        %dma_start3A_254 = arith.constant 0 : i32
        %dma_start3A_255 = tpu.memref_slice %arg4[%mul3A_249, %dma_start3A_250, %dma_start3A_254] : memref<51200x4x32xf32, #tpu.memory_space<hbm>> -> memref<64x1x32xf32, #tpu.memory_space<hbm>>
        %dma_start3A_256 = tpu.memref_squeeze %dma_start3A_255 : memref<64x1x32xf32, #tpu.memory_space<hbm>> -> memref<64x32xf32, #tpu.memory_space<hbm>>
        tpu.enqueue_dma source(%arg7 : memref<64x32xf32, #tpu.memory_space<vmem>>) target(%dma_start3A_256 : memref<64x32xf32, #tpu.memory_space<hbm>>) target_semaphore(%arg18 : memref<!tpu.dma_semaphore, #tpu.memory_space<semaphore_mem>>)
        %mul3A_257 = arith.constant 64 : i32
        %mul3A_258 = arith.muli %add3A_133, %mul3A_257 : i32
        %dma_start3A_259 = arith.constant 1 : i32
        %dma_start3A_260 = arith.constant 0 : i32
        %dma_start3A_261 = tpu.memref_slice %arg4[%mul3A_258, %dma_start3A_259, %dma_start3A_260] : memref<51200x4x32xf32, #tpu.memory_space<hbm>> -> memref<64x1x32xf32, #tpu.memory_space<hbm>>
        %dma_start3A_262 = tpu.memref_squeeze %dma_start3A_261 : memref<64x1x32xf32, #tpu.memory_space<hbm>> -> memref<64x32xf32, #tpu.memory_space<hbm>>
        %dma_start3A_263 = arith.constant 0 : i32
        %dma_start3A_264 = tpu.memref_slice %arg4[%mul3A_258, %dma_start3A_259, %dma_start3A_263] : memref<51200x4x32xf32, #tpu.memory_space<hbm>> -> memref<64x1x32xf32, #tpu.memory_space<hbm>>
        %dma_start3A_265 = tpu.memref_squeeze %dma_start3A_264 : memref<64x1x32xf32, #tpu.memory_space<hbm>> -> memref<64x32xf32, #tpu.memory_space<hbm>>
        tpu.enqueue_dma source(%arg8 : memref<64x32xf32, #tpu.memory_space<vmem>>) target(%dma_start3A_265 : memref<64x32xf32, #tpu.memory_space<hbm>>) target_semaphore(%arg18 : memref<!tpu.dma_semaphore, #tpu.memory_space<semaphore_mem>>)
        %mul3A_266 = arith.constant 64 : i32
        %mul3A_267 = arith.muli %add3A_133, %mul3A_266 : i32
        %dma_start3A_268 = arith.constant 2 : i32
        %dma_start3A_269 = arith.constant 0 : i32
        %dma_start3A_270 = tpu.memref_slice %arg4[%mul3A_267, %dma_start3A_268, %dma_start3A_269] : memref<51200x4x32xf32, #tpu.memory_space<hbm>> -> memref<64x1x32xf32, #tpu.memory_space<hbm>>
        %dma_start3A_271 = tpu.memref_squeeze %dma_start3A_270 : memref<64x1x32xf32, #tpu.memory_space<hbm>> -> memref<64x32xf32, #tpu.memory_space<hbm>>
        %dma_start3A_272 = arith.constant 0 : i32
        %dma_start3A_273 = tpu.memref_slice %arg4[%mul3A_267, %dma_start3A_268, %dma_start3A_272] : memref<51200x4x32xf32, #tpu.memory_space<hbm>> -> memref<64x1x32xf32, #tpu.memory_space<hbm>>
        %dma_start3A_274 = tpu.memref_squeeze %dma_start3A_273 : memref<64x1x32xf32, #tpu.memory_space<hbm>> -> memref<64x32xf32, #tpu.memory_space<hbm>>
        tpu.enqueue_dma source(%arg9 : memref<64x32xf32, #tpu.memory_space<vmem>>) target(%dma_start3A_274 : memref<64x32xf32, #tpu.memory_space<hbm>>) target_semaphore(%arg18 : memref<!tpu.dma_semaphore, #tpu.memory_space<semaphore_mem>>)
        %mul3A_275 = arith.constant 64 : i32
        %mul3A_276 = arith.muli %add3A_133, %mul3A_275 : i32
        %dma_start3A_277 = arith.constant 3 : i32
        %dma_start3A_278 = arith.constant 0 : i32
        %dma_start3A_279 = tpu.memref_slice %arg4[%mul3A_276, %dma_start3A_277, %dma_start3A_278] : memref<51200x4x32xf32, #tpu.memory_space<hbm>> -> memref<64x1x32xf32, #tpu.memory_space<hbm>>
        %dma_start3A_280 = tpu.memref_squeeze %dma_start3A_279 : memref<64x1x32xf32, #tpu.memory_space<hbm>> -> memref<64x32xf32, #tpu.memory_space<hbm>>
        %dma_start3A_281 = arith.constant 0 : i32
        %dma_start3A_282 = tpu.memref_slice %arg4[%mul3A_276, %dma_start3A_277, %dma_start3A_281] : memref<51200x4x32xf32, #tpu.memory_space<hbm>> -> memref<64x1x32xf32, #tpu.memory_space<hbm>>
        %dma_start3A_283 = tpu.memref_squeeze %dma_start3A_282 : memref<64x1x32xf32, #tpu.memory_space<hbm>> -> memref<64x32xf32, #tpu.memory_space<hbm>>
        tpu.enqueue_dma source(%arg10 : memref<64x32xf32, #tpu.memory_space<vmem>>) target(%dma_start3A_283 : memref<64x32xf32, #tpu.memory_space<hbm>>) target_semaphore(%arg18 : memref<!tpu.dma_semaphore, #tpu.memory_space<semaphore_mem>>)
      } else {
      }
      %mul3A_124 = arith.constant 2 : i32
      %mul3A_125 = arith.muli %mul3A_124, %scan3A_116 : i32
      %add3A_126 = arith.constant 1 : i32
      %add3A_127 = arith.addi %mul3A_125, %add3A_126 : i32
      %lt3A_128 = arith.constant 25 : i32
      %lt3A_129 = arith.cmpi slt, %add3A_127, %lt3A_128 : i32
      %convert_element_type3A_130 = arith.extui %lt3A_129 : i1 to i32
      %cond3A_131 = arith.constant 0 : i32
      %cond3A_132 = arith.cmpi ne, %convert_element_type3A_130, %cond3A_131 : i32
      scf.if %cond3A_132 {
        %add3A_133 = arith.addi %mul3A_2, %add3A_127 : i32
        %add3A_134 = arith.constant 1 : i32
        %add3A_135 = arith.addi %add3A_127, %add3A_134 : i32
        %lt3A_136 = arith.constant 25 : i32
        %lt3A_137 = arith.cmpi slt, %add3A_135, %lt3A_136 : i32
        %convert_element_type3A_138 = arith.extui %lt3A_137 : i1 to i32
        %cond3A_139 = arith.constant 0 : i32
        %cond3A_140 = arith.cmpi ne, %convert_element_type3A_138, %cond3A_139 : i32
        scf.if %cond3A_140 {
          %add3A_284 = arith.addi %mul3A_2, %add3A_135 : i32
          %jit3A_285 = arith.constant 16 : i32
          %div3A_286 = arith.divsi %add3A_284, %jit3A_285 : i32
          %sign3A_287 = arith.constant 0 : i32
          %sign3A_288 = arith.cmpi sgt, %add3A_284, %sign3A_287 : i32
          %sign3A_289 = arith.extui %sign3A_288 : i1 to i32
          %sign3A_290 = arith.constant 0 : i32
          %sign3A_291 = arith.cmpi slt, %add3A_284, %sign3A_290 : i32
          %sign3A_292 = arith.extui %sign3A_291 : i1 to i32
          %sign3A_293 = arith.subi %sign3A_289, %sign3A_292 : i32
          %sign3A_294 = arith.constant 0 : i32
          %sign3A_295 = arith.cmpi sgt, %jit3A_285, %sign3A_294 : i32
          %sign3A_296 = arith.extui %sign3A_295 : i1 to i32
          %sign3A_297 = arith.constant 0 : i32
          %sign3A_298 = arith.cmpi slt, %jit3A_285, %sign3A_297 : i32
          %sign3A_299 = arith.extui %sign3A_298 : i1 to i32
          %sign3A_300 = arith.subi %sign3A_296, %sign3A_299 : i32
          %ne3A_301 = arith.cmpi ne, %sign3A_293, %sign3A_300 : i32
          %rem3A_302 = arith.remsi %add3A_284, %jit3A_285 : i32
          %ne3A_303 = arith.constant 0 : i32
          %ne3A_304 = arith.cmpi ne, %rem3A_302, %ne3A_303 : i32
          %and3A_305 = arith.andi %ne3A_301, %ne3A_304 : i1
          %sub3A_306 = arith.constant 1 : i32
          %sub3A_307 = arith.subi %div3A_286, %sub3A_306 : i32
          %select_n3A_308 = arith.select %and3A_305, %sub3A_307, %div3A_286 : i32
          %jit3A_309 = arith.constant 16 : i32
          %eq3A_310 = arith.constant 0 : i32
          %eq3A_311 = arith.cmpi eq, %jit3A_309, %eq3A_310 : i32
          %jit3A_312 = arith.constant 1 : i32
          %select_n3A_313 = arith.select %eq3A_311, %jit3A_312, %jit3A_309 : i32
          %rem3A_314 = arith.remsi %add3A_284, %select_n3A_313 : i32
          %ne3A_315 = arith.constant 0 : i32
          %ne3A_316 = arith.cmpi ne, %rem3A_314, %ne3A_315 : i32
          %lt3A_317 = arith.constant 0 : i32
          %lt3A_318 = arith.cmpi slt, %rem3A_314, %lt3A_317 : i32
          %lt3A_319 = arith.constant 0 : i32
          %lt3A_320 = arith.cmpi slt, %select_n3A_313, %lt3A_319 : i32
          %ne3A_321 = arith.xori %lt3A_318, %lt3A_320 : i1
          %and3A_322 = arith.andi %ne3A_321, %ne3A_316 : i1
          %add3A_323 = arith.addi %rem3A_314, %select_n3A_313 : i32
          %select_n3A_324 = arith.select %and3A_322, %add3A_323, %rem3A_314 : i32
          %mul3A_325 = arith.constant 4 : i32
          %mul3A_326 = arith.muli %mul3A_325, %select_n3A_308 : i32
          %mul3A_327 = arith.constant 64 : i32
          %mul3A_328 = arith.muli %mul3A_327, %select_n3A_324 : i32
          %dma_start3A_329 = tpu.memref_slice %arg2[%mul3A_326, %mul3A_328] : memref<200x1024xi32, #tpu.memory_space<hbm>> -> memref<4x64xi32, #tpu.memory_space<hbm>>
          %dma_start3A_330 = tpu.memref_slice %arg2[%mul3A_326, %mul3A_328] : memref<200x1024xi32, #tpu.memory_space<hbm>> -> memref<4x64xi32, #tpu.memory_space<hbm>>
          tpu.enqueue_dma source(%dma_start3A_330 : memref<4x64xi32, #tpu.memory_space<hbm>>) target(%arg5 : memref<4x64xi32, #tpu.memory_space<vmem>>) target_semaphore(%arg15 : memref<!tpu.dma_semaphore, #tpu.memory_space<semaphore_mem>>)
        } else {
        }
        %add3A_141 = arith.addi %mul3A_2, %add3A_127 : i32
        %jit3A_142 = arith.constant 16 : i32
        %div3A_143 = arith.divsi %add3A_141, %jit3A_142 : i32
        %sign3A_144 = arith.constant 0 : i32
        %sign3A_145 = arith.cmpi sgt, %add3A_141, %sign3A_144 : i32
        %sign3A_146 = arith.extui %sign3A_145 : i1 to i32
        %sign3A_147 = arith.constant 0 : i32
        %sign3A_148 = arith.cmpi slt, %add3A_141, %sign3A_147 : i32
        %sign3A_149 = arith.extui %sign3A_148 : i1 to i32
        %sign3A_150 = arith.subi %sign3A_146, %sign3A_149 : i32
        %sign3A_151 = arith.constant 0 : i32
        %sign3A_152 = arith.cmpi sgt, %jit3A_142, %sign3A_151 : i32
        %sign3A_153 = arith.extui %sign3A_152 : i1 to i32
        %sign3A_154 = arith.constant 0 : i32
        %sign3A_155 = arith.cmpi slt, %jit3A_142, %sign3A_154 : i32
        %sign3A_156 = arith.extui %sign3A_155 : i1 to i32
        %sign3A_157 = arith.subi %sign3A_153, %sign3A_156 : i32
        %ne3A_158 = arith.cmpi ne, %sign3A_150, %sign3A_157 : i32
        %rem3A_159 = arith.remsi %add3A_141, %jit3A_142 : i32
        %ne3A_160 = arith.constant 0 : i32
        %ne3A_161 = arith.cmpi ne, %rem3A_159, %ne3A_160 : i32
        %and3A_162 = arith.andi %ne3A_158, %ne3A_161 : i1
        %sub3A_163 = arith.constant 1 : i32
        %sub3A_164 = arith.subi %div3A_143, %sub3A_163 : i32
        %select_n3A_165 = arith.select %and3A_162, %sub3A_164, %div3A_143 : i32
        %jit3A_166 = arith.constant 16 : i32
        %eq3A_167 = arith.constant 0 : i32
        %eq3A_168 = arith.cmpi eq, %jit3A_166, %eq3A_167 : i32
        %jit3A_169 = arith.constant 1 : i32
        %select_n3A_170 = arith.select %eq3A_168, %jit3A_169, %jit3A_166 : i32
        %rem3A_171 = arith.remsi %add3A_141, %select_n3A_170 : i32
        %ne3A_172 = arith.constant 0 : i32
        %ne3A_173 = arith.cmpi ne, %rem3A_171, %ne3A_172 : i32
        %lt3A_174 = arith.constant 0 : i32
        %lt3A_175 = arith.cmpi slt, %rem3A_171, %lt3A_174 : i32
        %lt3A_176 = arith.constant 0 : i32
        %lt3A_177 = arith.cmpi slt, %select_n3A_170, %lt3A_176 : i32
        %ne3A_178 = arith.xori %lt3A_175, %lt3A_177 : i1
        %and3A_179 = arith.andi %ne3A_178, %ne3A_173 : i1
        %add3A_180 = arith.addi %rem3A_171, %select_n3A_170 : i32
        %select_n3A_181 = arith.select %and3A_179, %add3A_180, %rem3A_171 : i32
        %mul3A_182 = arith.constant 4 : i32
        %mul3A_183 = arith.muli %mul3A_182, %select_n3A_165 : i32
        %mul3A_184 = arith.constant 64 : i32
        %mul3A_185 = arith.muli %mul3A_184, %select_n3A_181 : i32
        %dma_wait3A_186 = tpu.memref_slice %arg2[%mul3A_183, %mul3A_185] : memref<200x1024xi32, #tpu.memory_space<hbm>> -> memref<4x64xi32, #tpu.memory_space<hbm>>
        %dma_wait3A_187 = tpu.memref_slice %arg2[%mul3A_183, %mul3A_185] : memref<200x1024xi32, #tpu.memory_space<hbm>> -> memref<4x64xi32, #tpu.memory_space<hbm>>
        tpu.wait_dma2 semaphore(%arg16 : memref<!tpu.dma_semaphore, #tpu.memory_space<semaphore_mem>>) src(%dma_wait3A_187 : memref<4x64xi32, #tpu.memory_space<hbm>>) dst(%arg6 : memref<4x64xi32, #tpu.memory_space<vmem>>)
        %ge3A = arith.constant 2 : i32
        %ge3A_188 = arith.cmpi sge, %add3A_127, %ge3A : i32
        %convert_element_type3A_189 = arith.extui %ge3A_188 : i1 to i32
        %cond3A_190 = arith.constant 0 : i32
        %cond3A_191 = arith.cmpi ne, %convert_element_type3A_189, %cond3A_190 : i32
        scf.if %cond3A_191 {
          %mul3A_284 = arith.constant 64 : i32
          %mul3A_285 = arith.muli %add3A_133, %mul3A_284 : i32
          %dma_wait3A_286 = arith.constant 0 : i32
          %dma_wait3A_287 = arith.constant 0 : i32
          %dma_wait3A_288 = tpu.memref_slice %arg4[%mul3A_285, %dma_wait3A_286, %dma_wait3A_287] : memref<51200x4x32xf32, #tpu.memory_space<hbm>> -> memref<64x1x32xf32, #tpu.memory_space<hbm>>
          %dma_wait3A_289 = tpu.memref_squeeze %dma_wait3A_288 : memref<64x1x32xf32, #tpu.memory_space<hbm>> -> memref<64x32xf32, #tpu.memory_space<hbm>>
          %dma_wait3A_290 = arith.constant 0 : i32
          %dma_wait3A_291 = tpu.memref_slice %arg4[%mul3A_285, %dma_wait3A_286, %dma_wait3A_290] : memref<51200x4x32xf32, #tpu.memory_space<hbm>> -> memref<64x1x32xf32, #tpu.memory_space<hbm>>
          %dma_wait3A_292 = tpu.memref_squeeze %dma_wait3A_291 : memref<64x1x32xf32, #tpu.memory_space<hbm>> -> memref<64x32xf32, #tpu.memory_space<hbm>>
          tpu.wait_dma2 semaphore(%arg19 : memref<!tpu.dma_semaphore, #tpu.memory_space<semaphore_mem>>) src(%arg11 : memref<64x32xf32, #tpu.memory_space<vmem>>) dst(%dma_wait3A_292 : memref<64x32xf32, #tpu.memory_space<hbm>>)
          %mul3A_293 = arith.constant 64 : i32
          %mul3A_294 = arith.muli %add3A_133, %mul3A_293 : i32
          %dma_wait3A_295 = arith.constant 1 : i32
          %dma_wait3A_296 = arith.constant 0 : i32
          %dma_wait3A_297 = tpu.memref_slice %arg4[%mul3A_294, %dma_wait3A_295, %dma_wait3A_296] : memref<51200x4x32xf32, #tpu.memory_space<hbm>> -> memref<64x1x32xf32, #tpu.memory_space<hbm>>
          %dma_wait3A_298 = tpu.memref_squeeze %dma_wait3A_297 : memref<64x1x32xf32, #tpu.memory_space<hbm>> -> memref<64x32xf32, #tpu.memory_space<hbm>>
          %dma_wait3A_299 = arith.constant 0 : i32
          %dma_wait3A_300 = tpu.memref_slice %arg4[%mul3A_294, %dma_wait3A_295, %dma_wait3A_299] : memref<51200x4x32xf32, #tpu.memory_space<hbm>> -> memref<64x1x32xf32, #tpu.memory_space<hbm>>
          %dma_wait3A_301 = tpu.memref_squeeze %dma_wait3A_300 : memref<64x1x32xf32, #tpu.memory_space<hbm>> -> memref<64x32xf32, #tpu.memory_space<hbm>>
          tpu.wait_dma2 semaphore(%arg19 : memref<!tpu.dma_semaphore, #tpu.memory_space<semaphore_mem>>) src(%arg12 : memref<64x32xf32, #tpu.memory_space<vmem>>) dst(%dma_wait3A_301 : memref<64x32xf32, #tpu.memory_space<hbm>>)
          %mul3A_302 = arith.constant 64 : i32
          %mul3A_303 = arith.muli %add3A_133, %mul3A_302 : i32
          %dma_wait3A_304 = arith.constant 2 : i32
          %dma_wait3A_305 = arith.constant 0 : i32
          %dma_wait3A_306 = tpu.memref_slice %arg4[%mul3A_303, %dma_wait3A_304, %dma_wait3A_305] : memref<51200x4x32xf32, #tpu.memory_space<hbm>> -> memref<64x1x32xf32, #tpu.memory_space<hbm>>
          %dma_wait3A_307 = tpu.memref_squeeze %dma_wait3A_306 : memref<64x1x32xf32, #tpu.memory_space<hbm>> -> memref<64x32xf32, #tpu.memory_space<hbm>>
          %dma_wait3A_308 = arith.constant 0 : i32
          %dma_wait3A_309 = tpu.memref_slice %arg4[%mul3A_303, %dma_wait3A_304, %dma_wait3A_308] : memref<51200x4x32xf32, #tpu.memory_space<hbm>> -> memref<64x1x32xf32, #tpu.memory_space<hbm>>
          %dma_wait3A_310 = tpu.memref_squeeze %dma_wait3A_309 : memref<64x1x32xf32, #tpu.memory_space<hbm>> -> memref<64x32xf32, #tpu.memory_space<hbm>>
          tpu.wait_dma2 semaphore(%arg19 : memref<!tpu.dma_semaphore, #tpu.memory_space<semaphore_mem>>) src(%arg13 : memref<64x32xf32, #tpu.memory_space<vmem>>) dst(%dma_wait3A_310 : memref<64x32xf32, #tpu.memory_space<hbm>>)
          %mul3A_311 = arith.constant 64 : i32
          %mul3A_312 = arith.muli %add3A_133, %mul3A_311 : i32
          %dma_wait3A_313 = arith.constant 3 : i32
          %dma_wait3A_314 = arith.constant 0 : i32
          %dma_wait3A_315 = tpu.memref_slice %arg4[%mul3A_312, %dma_wait3A_313, %dma_wait3A_314] : memref<51200x4x32xf32, #tpu.memory_space<hbm>> -> memref<64x1x32xf32, #tpu.memory_space<hbm>>
          %dma_wait3A_316 = tpu.memref_squeeze %dma_wait3A_315 : memref<64x1x32xf32, #tpu.memory_space<hbm>> -> memref<64x32xf32, #tpu.memory_space<hbm>>
          %dma_wait3A_317 = arith.constant 0 : i32
          %dma_wait3A_318 = tpu.memref_slice %arg4[%mul3A_312, %dma_wait3A_313, %dma_wait3A_317] : memref<51200x4x32xf32, #tpu.memory_space<hbm>> -> memref<64x1x32xf32, #tpu.memory_space<hbm>>
          %dma_wait3A_319 = tpu.memref_squeeze %dma_wait3A_318 : memref<64x1x32xf32, #tpu.memory_space<hbm>> -> memref<64x32xf32, #tpu.memory_space<hbm>>
          tpu.wait_dma2 semaphore(%arg19 : memref<!tpu.dma_semaphore, #tpu.memory_space<semaphore_mem>>) src(%arg14 : memref<64x32xf32, #tpu.memory_space<vmem>>) dst(%dma_wait3A_319 : memref<64x32xf32, #tpu.memory_space<hbm>>)
        } else {
        }
        %dma_start3A_192 = arith.constant 0 : i32
        %dma_start3A_193 = arith.constant 0 : i32
        %dma_start3A_194 = tpu.memref_slice %arg6[%dma_start3A_192, %dma_start3A_193] : memref<4x64xi32, #tpu.memory_space<vmem>> -> memref<1x64xi32, #tpu.memory_space<vmem>>
        %dma_start3A_195 = tpu.memref_squeeze %dma_start3A_194 : memref<1x64xi32, #tpu.memory_space<vmem>> -> memref<64xi32, #tpu.memory_space<vmem>>
        %dma_start3A_196 = arith.constant 0 : i32
        %dma_start3A_197 = arith.constant 0 : i32
        %dma_start3A_198 = tpu.memref_slice %arg3[%dma_start3A_196, %dma_start3A_197] : memref<1007616x32xf32, #tpu.memory_space<hbm>> -> memref<1007616x32xf32, #tpu.memory_space<hbm>>
        tpu.enqueue_indirect_dma source(%dma_start3A_198 : memref<1007616x32xf32, #tpu.memory_space<hbm>>) target(%arg11 : memref<64x32xf32, #tpu.memory_space<vmem>>) offsets(%dma_start3A_195 : memref<64xi32, #tpu.memory_space<vmem>>) semaphore(%arg17 : memref<!tpu.dma_semaphore, #tpu.memory_space<semaphore_mem>>)
        %dma_start3A_199 = arith.constant 1 : i32
        %dma_start3A_200 = arith.constant 0 : i32
        %dma_start3A_201 = tpu.memref_slice %arg6[%dma_start3A_199, %dma_start3A_200] : memref<4x64xi32, #tpu.memory_space<vmem>> -> memref<1x64xi32, #tpu.memory_space<vmem>>
        %dma_start3A_202 = tpu.memref_squeeze %dma_start3A_201 : memref<1x64xi32, #tpu.memory_space<vmem>> -> memref<64xi32, #tpu.memory_space<vmem>>
        %dma_start3A_203 = arith.constant 0 : i32
        %dma_start3A_204 = arith.constant 0 : i32
        %dma_start3A_205 = tpu.memref_slice %arg3[%dma_start3A_203, %dma_start3A_204] : memref<1007616x32xf32, #tpu.memory_space<hbm>> -> memref<1007616x32xf32, #tpu.memory_space<hbm>>
        tpu.enqueue_indirect_dma source(%dma_start3A_205 : memref<1007616x32xf32, #tpu.memory_space<hbm>>) target(%arg12 : memref<64x32xf32, #tpu.memory_space<vmem>>) offsets(%dma_start3A_202 : memref<64xi32, #tpu.memory_space<vmem>>) semaphore(%arg17 : memref<!tpu.dma_semaphore, #tpu.memory_space<semaphore_mem>>)
        %dma_start3A_206 = arith.constant 2 : i32
        %dma_start3A_207 = arith.constant 0 : i32
        %dma_start3A_208 = tpu.memref_slice %arg6[%dma_start3A_206, %dma_start3A_207] : memref<4x64xi32, #tpu.memory_space<vmem>> -> memref<1x64xi32, #tpu.memory_space<vmem>>
        %dma_start3A_209 = tpu.memref_squeeze %dma_start3A_208 : memref<1x64xi32, #tpu.memory_space<vmem>> -> memref<64xi32, #tpu.memory_space<vmem>>
        %dma_start3A_210 = arith.constant 0 : i32
        %dma_start3A_211 = arith.constant 0 : i32
        %dma_start3A_212 = tpu.memref_slice %arg3[%dma_start3A_210, %dma_start3A_211] : memref<1007616x32xf32, #tpu.memory_space<hbm>> -> memref<1007616x32xf32, #tpu.memory_space<hbm>>
        tpu.enqueue_indirect_dma source(%dma_start3A_212 : memref<1007616x32xf32, #tpu.memory_space<hbm>>) target(%arg13 : memref<64x32xf32, #tpu.memory_space<vmem>>) offsets(%dma_start3A_209 : memref<64xi32, #tpu.memory_space<vmem>>) semaphore(%arg17 : memref<!tpu.dma_semaphore, #tpu.memory_space<semaphore_mem>>)
        %dma_start3A_213 = arith.constant 3 : i32
        %dma_start3A_214 = arith.constant 0 : i32
        %dma_start3A_215 = tpu.memref_slice %arg6[%dma_start3A_213, %dma_start3A_214] : memref<4x64xi32, #tpu.memory_space<vmem>> -> memref<1x64xi32, #tpu.memory_space<vmem>>
        %dma_start3A_216 = tpu.memref_squeeze %dma_start3A_215 : memref<1x64xi32, #tpu.memory_space<vmem>> -> memref<64xi32, #tpu.memory_space<vmem>>
        %dma_start3A_217 = arith.constant 0 : i32
        %dma_start3A_218 = arith.constant 0 : i32
        %dma_start3A_219 = tpu.memref_slice %arg3[%dma_start3A_217, %dma_start3A_218] : memref<1007616x32xf32, #tpu.memory_space<hbm>> -> memref<1007616x32xf32, #tpu.memory_space<hbm>>
        tpu.enqueue_indirect_dma source(%dma_start3A_219 : memref<1007616x32xf32, #tpu.memory_space<hbm>>) target(%arg14 : memref<64x32xf32, #tpu.memory_space<vmem>>) offsets(%dma_start3A_216 : memref<64xi32, #tpu.memory_space<vmem>>) semaphore(%arg17 : memref<!tpu.dma_semaphore, #tpu.memory_space<semaphore_mem>>)
        %dma_wait3A_220 = arith.constant 0 : i32
        %dma_wait3A_221 = arith.constant 0 : i32
        %dma_wait3A_222 = tpu.memref_slice %arg6[%dma_wait3A_220, %dma_wait3A_221] : memref<4x64xi32, #tpu.memory_space<vmem>> -> memref<1x64xi32, #tpu.memory_space<vmem>>
        %dma_wait3A_223 = tpu.memref_squeeze %dma_wait3A_222 : memref<1x64xi32, #tpu.memory_space<vmem>> -> memref<64xi32, #tpu.memory_space<vmem>>
        %dma_wait3A_224 = arith.constant 0 : i32
        %dma_wait3A_225 = arith.constant 0 : i32
        %dma_wait3A_226 = tpu.memref_slice %arg3[%dma_wait3A_224, %dma_wait3A_225] : memref<1007616x32xf32, #tpu.memory_space<hbm>> -> memref<1007616x32xf32, #tpu.memory_space<hbm>>
        tpu.wait_indirect_dma semaphore(%arg17 : memref<!tpu.dma_semaphore, #tpu.memory_space<semaphore_mem>>) src(%dma_wait3A_226 : memref<1007616x32xf32, #tpu.memory_space<hbm>>) dst(%arg11 : memref<64x32xf32, #tpu.memory_space<vmem>>)
        %dma_wait3A_227 = arith.constant 1 : i32
        %dma_wait3A_228 = arith.constant 0 : i32
        %dma_wait3A_229 = tpu.memref_slice %arg6[%dma_wait3A_227, %dma_wait3A_228] : memref<4x64xi32, #tpu.memory_space<vmem>> -> memref<1x64xi32, #tpu.memory_space<vmem>>
        %dma_wait3A_230 = tpu.memref_squeeze %dma_wait3A_229 : memref<1x64xi32, #tpu.memory_space<vmem>> -> memref<64xi32, #tpu.memory_space<vmem>>
        %dma_wait3A_231 = arith.constant 0 : i32
        %dma_wait3A_232 = arith.constant 0 : i32
        %dma_wait3A_233 = tpu.memref_slice %arg3[%dma_wait3A_231, %dma_wait3A_232] : memref<1007616x32xf32, #tpu.memory_space<hbm>> -> memref<1007616x32xf32, #tpu.memory_space<hbm>>
        tpu.wait_indirect_dma semaphore(%arg17 : memref<!tpu.dma_semaphore, #tpu.memory_space<semaphore_mem>>) src(%dma_wait3A_233 : memref<1007616x32xf32, #tpu.memory_space<hbm>>) dst(%arg12 : memref<64x32xf32, #tpu.memory_space<vmem>>)
        %dma_wait3A_234 = arith.constant 2 : i32
        %dma_wait3A_235 = arith.constant 0 : i32
        %dma_wait3A_236 = tpu.memref_slice %arg6[%dma_wait3A_234, %dma_wait3A_235] : memref<4x64xi32, #tpu.memory_space<vmem>> -> memref<1x64xi32, #tpu.memory_space<vmem>>
        %dma_wait3A_237 = tpu.memref_squeeze %dma_wait3A_236 : memref<1x64xi32, #tpu.memory_space<vmem>> -> memref<64xi32, #tpu.memory_space<vmem>>
        %dma_wait3A_238 = arith.constant 0 : i32
        %dma_wait3A_239 = arith.constant 0 : i32
        %dma_wait3A_240 = tpu.memref_slice %arg3[%dma_wait3A_238, %dma_wait3A_239] : memref<1007616x32xf32, #tpu.memory_space<hbm>> -> memref<1007616x32xf32, #tpu.memory_space<hbm>>
        tpu.wait_indirect_dma semaphore(%arg17 : memref<!tpu.dma_semaphore, #tpu.memory_space<semaphore_mem>>) src(%dma_wait3A_240 : memref<1007616x32xf32, #tpu.memory_space<hbm>>) dst(%arg13 : memref<64x32xf32, #tpu.memory_space<vmem>>)
        %dma_wait3A_241 = arith.constant 3 : i32
        %dma_wait3A_242 = arith.constant 0 : i32
        %dma_wait3A_243 = tpu.memref_slice %arg6[%dma_wait3A_241, %dma_wait3A_242] : memref<4x64xi32, #tpu.memory_space<vmem>> -> memref<1x64xi32, #tpu.memory_space<vmem>>
        %dma_wait3A_244 = tpu.memref_squeeze %dma_wait3A_243 : memref<1x64xi32, #tpu.memory_space<vmem>> -> memref<64xi32, #tpu.memory_space<vmem>>
        %dma_wait3A_245 = arith.constant 0 : i32
        %dma_wait3A_246 = arith.constant 0 : i32
        %dma_wait3A_247 = tpu.memref_slice %arg3[%dma_wait3A_245, %dma_wait3A_246] : memref<1007616x32xf32, #tpu.memory_space<hbm>> -> memref<1007616x32xf32, #tpu.memory_space<hbm>>
        tpu.wait_indirect_dma semaphore(%arg17 : memref<!tpu.dma_semaphore, #tpu.memory_space<semaphore_mem>>) src(%dma_wait3A_247 : memref<1007616x32xf32, #tpu.memory_space<hbm>>) dst(%arg14 : memref<64x32xf32, #tpu.memory_space<vmem>>)
        %mul3A_248 = arith.constant 64 : i32
        %mul3A_249 = arith.muli %add3A_133, %mul3A_248 : i32
        %dma_start3A_250 = arith.constant 0 : i32
        %dma_start3A_251 = arith.constant 0 : i32
        %dma_start3A_252 = tpu.memref_slice %arg4[%mul3A_249, %dma_start3A_250, %dma_start3A_251] : memref<51200x4x32xf32, #tpu.memory_space<hbm>> -> memref<64x1x32xf32, #tpu.memory_space<hbm>>
        %dma_start3A_253 = tpu.memref_squeeze %dma_start3A_252 : memref<64x1x32xf32, #tpu.memory_space<hbm>> -> memref<64x32xf32, #tpu.memory_space<hbm>>
        %dma_start3A_254 = arith.constant 0 : i32
        %dma_start3A_255 = tpu.memref_slice %arg4[%mul3A_249, %dma_start3A_250, %dma_start3A_254] : memref<51200x4x32xf32, #tpu.memory_space<hbm>> -> memref<64x1x32xf32, #tpu.memory_space<hbm>>
        %dma_start3A_256 = tpu.memref_squeeze %dma_start3A_255 : memref<64x1x32xf32, #tpu.memory_space<hbm>> -> memref<64x32xf32, #tpu.memory_space<hbm>>
        tpu.enqueue_dma source(%arg11 : memref<64x32xf32, #tpu.memory_space<vmem>>) target(%dma_start3A_256 : memref<64x32xf32, #tpu.memory_space<hbm>>) target_semaphore(%arg19 : memref<!tpu.dma_semaphore, #tpu.memory_space<semaphore_mem>>)
        %mul3A_257 = arith.constant 64 : i32
        %mul3A_258 = arith.muli %add3A_133, %mul3A_257 : i32
        %dma_start3A_259 = arith.constant 1 : i32
        %dma_start3A_260 = arith.constant 0 : i32
        %dma_start3A_261 = tpu.memref_slice %arg4[%mul3A_258, %dma_start3A_259, %dma_start3A_260] : memref<51200x4x32xf32, #tpu.memory_space<hbm>> -> memref<64x1x32xf32, #tpu.memory_space<hbm>>
        %dma_start3A_262 = tpu.memref_squeeze %dma_start3A_261 : memref<64x1x32xf32, #tpu.memory_space<hbm>> -> memref<64x32xf32, #tpu.memory_space<hbm>>
        %dma_start3A_263 = arith.constant 0 : i32
        %dma_start3A_264 = tpu.memref_slice %arg4[%mul3A_258, %dma_start3A_259, %dma_start3A_263] : memref<51200x4x32xf32, #tpu.memory_space<hbm>> -> memref<64x1x32xf32, #tpu.memory_space<hbm>>
        %dma_start3A_265 = tpu.memref_squeeze %dma_start3A_264 : memref<64x1x32xf32, #tpu.memory_space<hbm>> -> memref<64x32xf32, #tpu.memory_space<hbm>>
        tpu.enqueue_dma source(%arg12 : memref<64x32xf32, #tpu.memory_space<vmem>>) target(%dma_start3A_265 : memref<64x32xf32, #tpu.memory_space<hbm>>) target_semaphore(%arg19 : memref<!tpu.dma_semaphore, #tpu.memory_space<semaphore_mem>>)
        %mul3A_266 = arith.constant 64 : i32
        %mul3A_267 = arith.muli %add3A_133, %mul3A_266 : i32
        %dma_start3A_268 = arith.constant 2 : i32
        %dma_start3A_269 = arith.constant 0 : i32
        %dma_start3A_270 = tpu.memref_slice %arg4[%mul3A_267, %dma_start3A_268, %dma_start3A_269] : memref<51200x4x32xf32, #tpu.memory_space<hbm>> -> memref<64x1x32xf32, #tpu.memory_space<hbm>>
        %dma_start3A_271 = tpu.memref_squeeze %dma_start3A_270 : memref<64x1x32xf32, #tpu.memory_space<hbm>> -> memref<64x32xf32, #tpu.memory_space<hbm>>
        %dma_start3A_272 = arith.constant 0 : i32
        %dma_start3A_273 = tpu.memref_slice %arg4[%mul3A_267, %dma_start3A_268, %dma_start3A_272] : memref<51200x4x32xf32, #tpu.memory_space<hbm>> -> memref<64x1x32xf32, #tpu.memory_space<hbm>>
        %dma_start3A_274 = tpu.memref_squeeze %dma_start3A_273 : memref<64x1x32xf32, #tpu.memory_space<hbm>> -> memref<64x32xf32, #tpu.memory_space<hbm>>
        tpu.enqueue_dma source(%arg13 : memref<64x32xf32, #tpu.memory_space<vmem>>) target(%dma_start3A_274 : memref<64x32xf32, #tpu.memory_space<hbm>>) target_semaphore(%arg19 : memref<!tpu.dma_semaphore, #tpu.memory_space<semaphore_mem>>)
        %mul3A_275 = arith.constant 64 : i32
        %mul3A_276 = arith.muli %add3A_133, %mul3A_275 : i32
        %dma_start3A_277 = arith.constant 3 : i32
        %dma_start3A_278 = arith.constant 0 : i32
        %dma_start3A_279 = tpu.memref_slice %arg4[%mul3A_276, %dma_start3A_277, %dma_start3A_278] : memref<51200x4x32xf32, #tpu.memory_space<hbm>> -> memref<64x1x32xf32, #tpu.memory_space<hbm>>
        %dma_start3A_280 = tpu.memref_squeeze %dma_start3A_279 : memref<64x1x32xf32, #tpu.memory_space<hbm>> -> memref<64x32xf32, #tpu.memory_space<hbm>>
        %dma_start3A_281 = arith.constant 0 : i32
        %dma_start3A_282 = tpu.memref_slice %arg4[%mul3A_276, %dma_start3A_277, %dma_start3A_281] : memref<51200x4x32xf32, #tpu.memory_space<hbm>> -> memref<64x1x32xf32, #tpu.memory_space<hbm>>
        %dma_start3A_283 = tpu.memref_squeeze %dma_start3A_282 : memref<64x1x32xf32, #tpu.memory_space<hbm>> -> memref<64x32xf32, #tpu.memory_space<hbm>>
        tpu.enqueue_dma source(%arg14 : memref<64x32xf32, #tpu.memory_space<vmem>>) target(%dma_start3A_283 : memref<64x32xf32, #tpu.memory_space<hbm>>) target_semaphore(%arg19 : memref<!tpu.dma_semaphore, #tpu.memory_space<semaphore_mem>>)
      } else {
      }
    }
    %scan3A_44 = arith.constant 13 : i32
    %dma_wait3A = arith.constant 0 : i32
    %dma_wait3A_45 = arith.constant 0 : i32
    %dma_wait3A_46 = arith.constant 0 : i32
    %dma_wait3A_47 = tpu.memref_slice %arg4[%dma_wait3A_45, %dma_wait3A, %dma_wait3A_46] : memref<51200x4x32xf32, #tpu.memory_space<hbm>> -> memref<64x1x32xf32, #tpu.memory_space<hbm>>
    %dma_wait3A_48 = tpu.memref_squeeze %dma_wait3A_47 : memref<64x1x32xf32, #tpu.memory_space<hbm>> -> memref<64x32xf32, #tpu.memory_space<hbm>>
    %dma_wait3A_49 = arith.constant 0 : i32
    %dma_wait3A_50 = arith.constant 0 : i32
    %dma_wait3A_51 = tpu.memref_slice %arg4[%dma_wait3A_49, %dma_wait3A, %dma_wait3A_50] : memref<51200x4x32xf32, #tpu.memory_space<hbm>> -> memref<64x1x32xf32, #tpu.memory_space<hbm>>
    %dma_wait3A_52 = tpu.memref_squeeze %dma_wait3A_51 : memref<64x1x32xf32, #tpu.memory_space<hbm>> -> memref<64x32xf32, #tpu.memory_space<hbm>>
    tpu.wait_dma2 semaphore(%arg18 : memref<!tpu.dma_semaphore, #tpu.memory_space<semaphore_mem>>) src(%arg7 : memref<64x32xf32, #tpu.memory_space<vmem>>) dst(%dma_wait3A_52 : memref<64x32xf32, #tpu.memory_space<hbm>>)
    %dma_wait3A_53 = arith.constant 1 : i32
    %dma_wait3A_54 = arith.constant 0 : i32
    %dma_wait3A_55 = arith.constant 0 : i32
    %dma_wait3A_56 = tpu.memref_slice %arg4[%dma_wait3A_54, %dma_wait3A_53, %dma_wait3A_55] : memref<51200x4x32xf32, #tpu.memory_space<hbm>> -> memref<64x1x32xf32, #tpu.memory_space<hbm>>
    %dma_wait3A_57 = tpu.memref_squeeze %dma_wait3A_56 : memref<64x1x32xf32, #tpu.memory_space<hbm>> -> memref<64x32xf32, #tpu.memory_space<hbm>>
    %dma_wait3A_58 = arith.constant 0 : i32
    %dma_wait3A_59 = arith.constant 0 : i32
    %dma_wait3A_60 = tpu.memref_slice %arg4[%dma_wait3A_58, %dma_wait3A_53, %dma_wait3A_59] : memref<51200x4x32xf32, #tpu.memory_space<hbm>> -> memref<64x1x32xf32, #tpu.memory_space<hbm>>
    %dma_wait3A_61 = tpu.memref_squeeze %dma_wait3A_60 : memref<64x1x32xf32, #tpu.memory_space<hbm>> -> memref<64x32xf32, #tpu.memory_space<hbm>>
    tpu.wait_dma2 semaphore(%arg18 : memref<!tpu.dma_semaphore, #tpu.memory_space<semaphore_mem>>) src(%arg8 : memref<64x32xf32, #tpu.memory_space<vmem>>) dst(%dma_wait3A_61 : memref<64x32xf32, #tpu.memory_space<hbm>>)
    %dma_wait3A_62 = arith.constant 2 : i32
    %dma_wait3A_63 = arith.constant 0 : i32
    %dma_wait3A_64 = arith.constant 0 : i32
    %dma_wait3A_65 = tpu.memref_slice %arg4[%dma_wait3A_63, %dma_wait3A_62, %dma_wait3A_64] : memref<51200x4x32xf32, #tpu.memory_space<hbm>> -> memref<64x1x32xf32, #tpu.memory_space<hbm>>
    %dma_wait3A_66 = tpu.memref_squeeze %dma_wait3A_65 : memref<64x1x32xf32, #tpu.memory_space<hbm>> -> memref<64x32xf32, #tpu.memory_space<hbm>>
    %dma_wait3A_67 = arith.constant 0 : i32
    %dma_wait3A_68 = arith.constant 0 : i32
    %dma_wait3A_69 = tpu.memref_slice %arg4[%dma_wait3A_67, %dma_wait3A_62, %dma_wait3A_68] : memref<51200x4x32xf32, #tpu.memory_space<hbm>> -> memref<64x1x32xf32, #tpu.memory_space<hbm>>
    %dma_wait3A_70 = tpu.memref_squeeze %dma_wait3A_69 : memref<64x1x32xf32, #tpu.memory_space<hbm>> -> memref<64x32xf32, #tpu.memory_space<hbm>>
    tpu.wait_dma2 semaphore(%arg18 : memref<!tpu.dma_semaphore, #tpu.memory_space<semaphore_mem>>) src(%arg9 : memref<64x32xf32, #tpu.memory_space<vmem>>) dst(%dma_wait3A_70 : memref<64x32xf32, #tpu.memory_space<hbm>>)
    %dma_wait3A_71 = arith.constant 3 : i32
    %dma_wait3A_72 = arith.constant 0 : i32
    %dma_wait3A_73 = arith.constant 0 : i32
    %dma_wait3A_74 = tpu.memref_slice %arg4[%dma_wait3A_72, %dma_wait3A_71, %dma_wait3A_73] : memref<51200x4x32xf32, #tpu.memory_space<hbm>> -> memref<64x1x32xf32, #tpu.memory_space<hbm>>
    %dma_wait3A_75 = tpu.memref_squeeze %dma_wait3A_74 : memref<64x1x32xf32, #tpu.memory_space<hbm>> -> memref<64x32xf32, #tpu.memory_space<hbm>>
    %dma_wait3A_76 = arith.constant 0 : i32
    %dma_wait3A_77 = arith.constant 0 : i32
    %dma_wait3A_78 = tpu.memref_slice %arg4[%dma_wait3A_76, %dma_wait3A_71, %dma_wait3A_77] : memref<51200x4x32xf32, #tpu.memory_space<hbm>> -> memref<64x1x32xf32, #tpu.memory_space<hbm>>
    %dma_wait3A_79 = tpu.memref_squeeze %dma_wait3A_78 : memref<64x1x32xf32, #tpu.memory_space<hbm>> -> memref<64x32xf32, #tpu.memory_space<hbm>>
    tpu.wait_dma2 semaphore(%arg18 : memref<!tpu.dma_semaphore, #tpu.memory_space<semaphore_mem>>) src(%arg10 : memref<64x32xf32, #tpu.memory_space<vmem>>) dst(%dma_wait3A_79 : memref<64x32xf32, #tpu.memory_space<hbm>>)
    %dma_wait3A_80 = arith.constant 0 : i32
    %dma_wait3A_81 = arith.constant 0 : i32
    %dma_wait3A_82 = arith.constant 0 : i32
    %dma_wait3A_83 = tpu.memref_slice %arg4[%dma_wait3A_81, %dma_wait3A_80, %dma_wait3A_82] : memref<51200x4x32xf32, #tpu.memory_space<hbm>> -> memref<64x1x32xf32, #tpu.memory_space<hbm>>
    %dma_wait3A_84 = tpu.memref_squeeze %dma_wait3A_83 : memref<64x1x32xf32, #tpu.memory_space<hbm>> -> memref<64x32xf32, #tpu.memory_space<hbm>>
    %dma_wait3A_85 = arith.constant 0 : i32
    %dma_wait3A_86 = arith.constant 0 : i32
    %dma_wait3A_87 = tpu.memref_slice %arg4[%dma_wait3A_85, %dma_wait3A_80, %dma_wait3A_86] : memref<51200x4x32xf32, #tpu.memory_space<hbm>> -> memref<64x1x32xf32, #tpu.memory_space<hbm>>
    %dma_wait3A_88 = tpu.memref_squeeze %dma_wait3A_87 : memref<64x1x32xf32, #tpu.memory_space<hbm>> -> memref<64x32xf32, #tpu.memory_space<hbm>>
    tpu.wait_dma2 semaphore(%arg19 : memref<!tpu.dma_semaphore, #tpu.memory_space<semaphore_mem>>) src(%arg11 : memref<64x32xf32, #tpu.memory_space<vmem>>) dst(%dma_wait3A_88 : memref<64x32xf32, #tpu.memory_space<hbm>>)
    %dma_wait3A_89 = arith.constant 1 : i32
    %dma_wait3A_90 = arith.constant 0 : i32
    %dma_wait3A_91 = arith.constant 0 : i32
    %dma_wait3A_92 = tpu.memref_slice %arg4[%dma_wait3A_90, %dma_wait3A_89, %dma_wait3A_91] : memref<51200x4x32xf32, #tpu.memory_space<hbm>> -> memref<64x1x32xf32, #tpu.memory_space<hbm>>
    %dma_wait3A_93 = tpu.memref_squeeze %dma_wait3A_92 : memref<64x1x32xf32, #tpu.memory_space<hbm>> -> memref<64x32xf32, #tpu.memory_space<hbm>>
    %dma_wait3A_94 = arith.constant 0 : i32
    %dma_wait3A_95 = arith.constant 0 : i32
    %dma_wait3A_96 = tpu.memref_slice %arg4[%dma_wait3A_94, %dma_wait3A_89, %dma_wait3A_95] : memref<51200x4x32xf32, #tpu.memory_space<hbm>> -> memref<64x1x32xf32, #tpu.memory_space<hbm>>
    %dma_wait3A_97 = tpu.memref_squeeze %dma_wait3A_96 : memref<64x1x32xf32, #tpu.memory_space<hbm>> -> memref<64x32xf32, #tpu.memory_space<hbm>>
    tpu.wait_dma2 semaphore(%arg19 : memref<!tpu.dma_semaphore, #tpu.memory_space<semaphore_mem>>) src(%arg12 : memref<64x32xf32, #tpu.memory_space<vmem>>) dst(%dma_wait3A_97 : memref<64x32xf32, #tpu.memory_space<hbm>>)
    %dma_wait3A_98 = arith.constant 2 : i32
    %dma_wait3A_99 = arith.constant 0 : i32
    %dma_wait3A_100 = arith.constant 0 : i32
    %dma_wait3A_101 = tpu.memref_slice %arg4[%dma_wait3A_99, %dma_wait3A_98, %dma_wait3A_100] : memref<51200x4x32xf32, #tpu.memory_space<hbm>> -> memref<64x1x32xf32, #tpu.memory_space<hbm>>
    %dma_wait3A_102 = tpu.memref_squeeze %dma_wait3A_101 : memref<64x1x32xf32, #tpu.memory_space<hbm>> -> memref<64x32xf32, #tpu.memory_space<hbm>>
    %dma_wait3A_103 = arith.constant 0 : i32
    %dma_wait3A_104 = arith.constant 0 : i32
    %dma_wait3A_105 = tpu.memref_slice %arg4[%dma_wait3A_103, %dma_wait3A_98, %dma_wait3A_104] : memref<51200x4x32xf32, #tpu.memory_space<hbm>> -> memref<64x1x32xf32, #tpu.memory_space<hbm>>
    %dma_wait3A_106 = tpu.memref_squeeze %dma_wait3A_105 : memref<64x1x32xf32, #tpu.memory_space<hbm>> -> memref<64x32xf32, #tpu.memory_space<hbm>>
    tpu.wait_dma2 semaphore(%arg19 : memref<!tpu.dma_semaphore, #tpu.memory_space<semaphore_mem>>) src(%arg13 : memref<64x32xf32, #tpu.memory_space<vmem>>) dst(%dma_wait3A_106 : memref<64x32xf32, #tpu.memory_space<hbm>>)
    %dma_wait3A_107 = arith.constant 3 : i32
    %dma_wait3A_108 = arith.constant 0 : i32
    %dma_wait3A_109 = arith.constant 0 : i32
    %dma_wait3A_110 = tpu.memref_slice %arg4[%dma_wait3A_108, %dma_wait3A_107, %dma_wait3A_109] : memref<51200x4x32xf32, #tpu.memory_space<hbm>> -> memref<64x1x32xf32, #tpu.memory_space<hbm>>
    %dma_wait3A_111 = tpu.memref_squeeze %dma_wait3A_110 : memref<64x1x32xf32, #tpu.memory_space<hbm>> -> memref<64x32xf32, #tpu.memory_space<hbm>>
    %dma_wait3A_112 = arith.constant 0 : i32
    %dma_wait3A_113 = arith.constant 0 : i32
    %dma_wait3A_114 = tpu.memref_slice %arg4[%dma_wait3A_112, %dma_wait3A_107, %dma_wait3A_113] : memref<51200x4x32xf32, #tpu.memory_space<hbm>> -> memref<64x1x32xf32, #tpu.memory_space<hbm>>
    %dma_wait3A_115 = tpu.memref_squeeze %dma_wait3A_114 : memref<64x1x32xf32, #tpu.memory_space<hbm>> -> memref<64x32xf32, #tpu.memory_space<hbm>>
    tpu.wait_dma2 semaphore(%arg19 : memref<!tpu.dma_semaphore, #tpu.memory_space<semaphore_mem>>) src(%arg14 : memref<64x32xf32, #tpu.memory_space<vmem>>) dst(%dma_wait3A_115 : memref<64x32xf32, #tpu.memory_space<hbm>>)
    return
  }
}

module attributes {stable_mosaic.version = 14 : i64} {
  func.func @_transpose_body(%arg0: i32, %arg1: memref<64x8192xf32, #tpu.memory_space<vmem>>, %arg2: memref<2048x128xf32, #tpu.memory_space<vmem>>) attributes {dimension_semantics = [#tpu.dimension_semantics<arbitrary>], iteration_bounds = array<i64: 123>, scalar_prefetch = 0 : i64, scratch_operands = 0 : i64, tpu.core_type = #tpu.core_type<tc>, window_params = [{transform_indices = @transform_0, window_bounds = array<i64: 64, 8192>}, {transform_indices = @transform_1, window_bounds = array<i64: 2048, 128>}]} {
    %get3A = arith.constant 0 : index
    %get3A_0 = arith.constant 0 : index
    %get3A_1 = vector.load %arg1[%get3A, %get3A_0] : memref<64x8192xf32, #tpu.memory_space<vmem>>, vector<64x8192xf32>
    %slice3A = vector.extract_strided_slice %get3A_1 {offsets = [0, 0], sizes = [32, 8192], strides = [1, 1]} : vector<64x8192xf32> to vector<32x8192xf32>
    %bitcast_convert_type3A = tpu.bitcast %slice3A : vector<32x8192xf32> -> vector<32x8192xi32>
    %slice3A_2 = vector.extract_strided_slice %get3A_1 {offsets = [32, 0], sizes = [32, 8192], strides = [1, 1]} : vector<64x8192xf32> to vector<32x8192xf32>
    %bitcast_convert_type3A_3 = tpu.bitcast %slice3A_2 : vector<32x8192xf32> -> vector<32x8192xi32>
    %add3A = arith.constant 32767 : i32
    %add3A_4 = vector.broadcast %add3A : i32 to vector<32x8192xi32>
    %add3A_5 = arith.addi %bitcast_convert_type3A, %add3A_4 : vector<32x8192xi32>
    %shift_right_logical3A = arith.constant 16 : i32
    %shift_right_logical3A_6 = vector.broadcast %shift_right_logical3A : i32 to vector<32x8192xi32>
    %shift_right_logical3A_7 = arith.shrui %bitcast_convert_type3A, %shift_right_logical3A_6 : vector<32x8192xi32>
    %and3A = arith.constant 1 : i32
    %and3A_8 = vector.broadcast %and3A : i32 to vector<32x8192xi32>
    %and3A_9 = arith.andi %shift_right_logical3A_7, %and3A_8 : vector<32x8192xi32>
    %add3A_10 = arith.addi %add3A_5, %and3A_9 : vector<32x8192xi32>
    %shift_right_logical3A_11 = arith.constant 16 : i32
    %shift_right_logical3A_12 = vector.broadcast %shift_right_logical3A_11 : i32 to vector<32x8192xi32>
    %shift_right_logical3A_13 = arith.shrui %add3A_10, %shift_right_logical3A_12 : vector<32x8192xi32>
    %add3A_14 = arith.constant 32767 : i32
    %add3A_15 = vector.broadcast %add3A_14 : i32 to vector<32x8192xi32>
    %add3A_16 = arith.addi %bitcast_convert_type3A_3, %add3A_15 : vector<32x8192xi32>
    %shift_right_logical3A_17 = arith.constant 16 : i32
    %shift_right_logical3A_18 = vector.broadcast %shift_right_logical3A_17 : i32 to vector<32x8192xi32>
    %shift_right_logical3A_19 = arith.shrui %bitcast_convert_type3A_3, %shift_right_logical3A_18 : vector<32x8192xi32>
    %and3A_20 = arith.constant 1 : i32
    %and3A_21 = vector.broadcast %and3A_20 : i32 to vector<32x8192xi32>
    %and3A_22 = arith.andi %shift_right_logical3A_19, %and3A_21 : vector<32x8192xi32>
    %add3A_23 = arith.addi %add3A_16, %and3A_22 : vector<32x8192xi32>
    %and3A_24 = arith.constant -65536 : i32
    %and3A_25 = vector.broadcast %and3A_24 : i32 to vector<32x8192xi32>
    %and3A_26 = arith.andi %add3A_23, %and3A_25 : vector<32x8192xi32>
    %or3A = arith.ori %shift_right_logical3A_13, %and3A_26 : vector<32x8192xi32>
    %bitcast_convert_type3A_27 = tpu.bitcast %or3A : vector<32x8192xi32> -> vector<32x8192xf32>
    %slice3A_28 = vector.extract_strided_slice %bitcast_convert_type3A_27 {offsets = [0, 0], sizes = [32, 2048], strides = [1, 1]} : vector<32x8192xf32> to vector<32x2048xf32>
    %transpose3A = tpu.transpose %slice3A_28, [1, 0] : vector<32x2048xf32> -> vector<2048x32xf32>
    %swap3A = arith.constant 0 : index
    %swap3A_29 = arith.constant 0 : index
    %swap3A_30 = vector.load %arg2[%swap3A, %swap3A_29] : memref<2048x128xf32, #tpu.memory_space<vmem>>, vector<2048x32xf32>
    tpu.vector_store %arg2[%swap3A, %swap3A_29], %transpose3A {strides = array<i32>} : memref<2048x128xf32, #tpu.memory_space<vmem>>, vector<2048x32xf32>,
    %slice3A_31 = vector.extract_strided_slice %bitcast_convert_type3A_27 {offsets = [0, 2048], sizes = [32, 2048], strides = [1, 1]} : vector<32x8192xf32> to vector<32x2048xf32>
    %transpose3A_32 = tpu.transpose %slice3A_31, [1, 0] : vector<32x2048xf32> -> vector<2048x32xf32>
    %swap3A_33 = arith.constant 0 : index
    %swap3A_34 = arith.constant 32 : index
    %swap3A_35 = vector.load %arg2[%swap3A_33, %swap3A_34] : memref<2048x128xf32, #tpu.memory_space<vmem>>, vector<2048x32xf32>
    tpu.vector_store %arg2[%swap3A_33, %swap3A_34], %transpose3A_32 {strides = array<i32>} : memref<2048x128xf32, #tpu.memory_space<vmem>>, vector<2048x32xf32>,
    %slice3A_36 = vector.extract_strided_slice %bitcast_convert_type3A_27 {offsets = [0, 4096], sizes = [32, 2048], strides = [1, 1]} : vector<32x8192xf32> to vector<32x2048xf32>
    %transpose3A_37 = tpu.transpose %slice3A_36, [1, 0] : vector<32x2048xf32> -> vector<2048x32xf32>
    %swap3A_38 = arith.constant 0 : index
    %swap3A_39 = arith.constant 64 : index
    %swap3A_40 = vector.load %arg2[%swap3A_38, %swap3A_39] : memref<2048x128xf32, #tpu.memory_space<vmem>>, vector<2048x32xf32>
    tpu.vector_store %arg2[%swap3A_38, %swap3A_39], %transpose3A_37 {strides = array<i32>} : memref<2048x128xf32, #tpu.memory_space<vmem>>, vector<2048x32xf32>,
    %slice3A_41 = vector.extract_strided_slice %bitcast_convert_type3A_27 {offsets = [0, 6144], sizes = [32, 2048], strides = [1, 1]} : vector<32x8192xf32> to vector<32x2048xf32>
    %transpose3A_42 = tpu.transpose %slice3A_41, [1, 0] : vector<32x2048xf32> -> vector<2048x32xf32>
    %swap3A_43 = arith.constant 0 : index
    %swap3A_44 = arith.constant 96 : index
    %swap3A_45 = vector.load %arg2[%swap3A_43, %swap3A_44] : memref<2048x128xf32, #tpu.memory_space<vmem>>, vector<2048x32xf32>
    tpu.vector_store %arg2[%swap3A_43, %swap3A_44], %transpose3A_42 {strides = array<i32>} : memref<2048x128xf32, #tpu.memory_space<vmem>>, vector<2048x32xf32>,
    return
  }
  func.func @transform_0(%arg0: i32) -> (i32, i32) {
    %c0_i32 = arith.constant 0 : i32
    %c0_i32_0 = arith.constant 0 : i32
    return %c0_i32, %arg0 : i32, i32
  }
  func.func @transform_1(%arg0: i32) -> (i32, i32) {
    %c0_i32 = arith.constant 0 : i32
    %c0_i32_0 = arith.constant 0 : i32
    return %arg0, %c0_i32 : i32, i32
  }
}

module attributes {stable_mosaic.version = 14 : i64} {
  func.func @_mm_body(%arg0: i32, %arg1: memref<5x1024x128xf32, #tpu.memory_space<vmem>>, %arg2: memref<64x64xf32, #tpu.memory_space<vmem>>, %arg3: memref<5x64x4096xf32, #tpu.memory_space<vmem>>) attributes {dimension_semantics = [#tpu.dimension_semantics<arbitrary>], iteration_bounds = array<i64: 10>, scalar_prefetch = 0 : i64, scratch_operands = 0 : i64, tpu.core_type = #tpu.core_type<tc>, window_params = [{transform_indices = @transform_0, window_bounds = array<i64: 5, 1024, 128>}, {pipeline_mode = #tpu.pipeline_mode<synchronous>, transform_indices = @transform_1, window_bounds = array<i64: 64, 64>}, {transform_indices = @transform_2, window_bounds = array<i64: 5, 64, 4096>}]} {
    %get3A = arith.constant 0 : index
    %get3A_0 = arith.constant 0 : index
    %get3A_1 = vector.load %arg2[%get3A, %get3A_0] : memref<64x64xf32, #tpu.memory_space<vmem>>, vector<64x64xf32>
    %slice3A = vector.extract_strided_slice %get3A_1 {offsets = [0, 0], sizes = [64, 32], strides = [1, 1]} : vector<64x64xf32> to vector<64x32xf32>
    %slice3A_2 = vector.extract_strided_slice %get3A_1 {offsets = [0, 32], sizes = [64, 32], strides = [1, 1]} : vector<64x64xf32> to vector<64x32xf32>
    %get3A_3 = arith.constant 0 : index
    %get3A_4 = arith.constant 0 : index
    %get3A_5 = arith.constant 0 : index
    %get3A_6 = vector.load %arg1[%get3A_3, %get3A_4, %get3A_5] : memref<5x1024x128xf32, #tpu.memory_space<vmem>>, vector<1x1024x128xf32>
    %get3A_7 = vector.shape_cast %get3A_6 : vector<1x1024x128xf32> to vector<1024x128xf32>
    %bitcast_convert_type3A = tpu.bitcast %get3A_7 : vector<1024x128xf32> -> vector<1024x128xi32>
    %shift_left3A = arith.constant 16 : i32
    %shift_left3A_8 = vector.broadcast %shift_left3A : i32 to vector<1024x128xi32>
    %shift_left3A_9 = arith.shli %bitcast_convert_type3A, %shift_left3A_8 : vector<1024x128xi32>
    %bitcast_convert_type3A_10 = tpu.bitcast %shift_left3A_9 : vector<1024x128xi32> -> vector<1024x128xf32>
    %and3A = arith.constant -65536 : i32
    %and3A_11 = vector.broadcast %and3A : i32 to vector<1024x128xi32>
    %and3A_12 = arith.andi %bitcast_convert_type3A, %and3A_11 : vector<1024x128xi32>
    %bitcast_convert_type3A_13 = tpu.bitcast %and3A_12 : vector<1024x128xi32> -> vector<1024x128xf32>
    %slice3A_14 = vector.extract_strided_slice %bitcast_convert_type3A_10 {offsets = [0, 0], sizes = [1024, 32], strides = [1, 1]} : vector<1024x128xf32> to vector<1024x32xf32>
    %dot_general3A = arith.constant dense<0.000000e+00> : vector<64x1024xf32>
    %dot_general3A_15 = tpu.matmul %slice3A, %slice3A_14, %dot_general3A {dimension_numbers = #tpu.dot_dimension_numbers<[1], [1], [0], [0], [0, 0, 1, 0], [], []>, transpose_lhs_hint = false} : vector<64x32xf32>, vector<1024x32xf32>, vector<64x1024xf32> -> vector<64x1024xf32>
    %slice3A_16 = vector.extract_strided_slice %bitcast_convert_type3A_13 {offsets = [0, 0], sizes = [1024, 32], strides = [1, 1]} : vector<1024x128xf32> to vector<1024x32xf32>
    %dot_general3A_17 = arith.constant dense<0.000000e+00> : vector<64x1024xf32>
    %dot_general3A_18 = tpu.matmul %slice3A_2, %slice3A_16, %dot_general3A_17 {dimension_numbers = #tpu.dot_dimension_numbers<[1], [1], [0], [0], [0, 0, 1, 0], [], []>, transpose_lhs_hint = false} : vector<64x32xf32>, vector<1024x32xf32>, vector<64x1024xf32> -> vector<64x1024xf32>
    %add3A = arith.addf %dot_general3A_15, %dot_general3A_18 : vector<64x1024xf32>
    %swap3A = arith.constant 0 : index
    %swap3A_19 = arith.constant 0 : index
    %swap3A_20 = arith.constant 0 : index
    %swap3A_21 = vector.load %arg3[%swap3A, %swap3A_19, %swap3A_20] : memref<5x64x4096xf32, #tpu.memory_space<vmem>>, vector<1x64x1024xf32>
    %swap3A_22 = vector.shape_cast %swap3A_21 : vector<1x64x1024xf32> to vector<64x1024xf32>
    %swap3A_23 = vector.shape_cast %add3A : vector<64x1024xf32> to vector<1x64x1024xf32>
    tpu.vector_store %arg3[%swap3A, %swap3A_19, %swap3A_20], %swap3A_23 {strides = array<i32>} : memref<5x64x4096xf32, #tpu.memory_space<vmem>>, vector<1x64x1024xf32>,
    %slice3A_24 = vector.extract_strided_slice %bitcast_convert_type3A_10 {offsets = [0, 32], sizes = [1024, 32], strides = [1, 1]} : vector<1024x128xf32> to vector<1024x32xf32>
    %dot_general3A_25 = arith.constant dense<0.000000e+00> : vector<64x1024xf32>
    %dot_general3A_26 = tpu.matmul %slice3A, %slice3A_24, %dot_general3A_25 {dimension_numbers = #tpu.dot_dimension_numbers<[1], [1], [0], [0], [0, 0, 1, 0], [], []>, transpose_lhs_hint = false} : vector<64x32xf32>, vector<1024x32xf32>, vector<64x1024xf32> -> vector<64x1024xf32>
    %slice3A_27 = vector.extract_strided_slice %bitcast_convert_type3A_13 {offsets = [0, 32], sizes = [1024, 32], strides = [1, 1]} : vector<1024x128xf32> to vector<1024x32xf32>
    %dot_general3A_28 = arith.constant dense<0.000000e+00> : vector<64x1024xf32>
    %dot_general3A_29 = tpu.matmul %slice3A_2, %slice3A_27, %dot_general3A_28 {dimension_numbers = #tpu.dot_dimension_numbers<[1], [1], [0], [0], [0, 0, 1, 0], [], []>, transpose_lhs_hint = false} : vector<64x32xf32>, vector<1024x32xf32>, vector<64x1024xf32> -> vector<64x1024xf32>
    %add3A_30 = arith.addf %dot_general3A_26, %dot_general3A_29 : vector<64x1024xf32>
    %swap3A_31 = arith.constant 0 : index
    %swap3A_32 = arith.constant 0 : index
    %swap3A_33 = arith.constant 1024 : index
    %swap3A_34 = vector.load %arg3[%swap3A_31, %swap3A_32, %swap3A_33] : memref<5x64x4096xf32, #tpu.memory_space<vmem>>, vector<1x64x1024xf32>
    %swap3A_35 = vector.shape_cast %swap3A_34 : vector<1x64x1024xf32> to vector<64x1024xf32>
    %swap3A_36 = vector.shape_cast %add3A_30 : vector<64x1024xf32> to vector<1x64x1024xf32>
    tpu.vector_store %arg3[%swap3A_31, %swap3A_32, %swap3A_33], %swap3A_36 {strides = array<i32>} : memref<5x64x4096xf32, #tpu.memory_space<vmem>>, vector<1x64x1024xf32>,
    %slice3A_37 = vector.extract_strided_slice %bitcast_convert_type3A_10 {offsets = [0, 64], sizes = [1024, 32], strides = [1, 1]} : vector<1024x128xf32> to vector<1024x32xf32>
    %dot_general3A_38 = arith.constant dense<0.000000e+00> : vector<64x1024xf32>
    %dot_general3A_39 = tpu.matmul %slice3A, %slice3A_37, %dot_general3A_38 {dimension_numbers = #tpu.dot_dimension_numbers<[1], [1], [0], [0], [0, 0, 1, 0], [], []>, transpose_lhs_hint = false} : vector<64x32xf32>, vector<1024x32xf32>, vector<64x1024xf32> -> vector<64x1024xf32>
    %slice3A_40 = vector.extract_strided_slice %bitcast_convert_type3A_13 {offsets = [0, 64], sizes = [1024, 32], strides = [1, 1]} : vector<1024x128xf32> to vector<1024x32xf32>
    %dot_general3A_41 = arith.constant dense<0.000000e+00> : vector<64x1024xf32>
    %dot_general3A_42 = tpu.matmul %slice3A_2, %slice3A_40, %dot_general3A_41 {dimension_numbers = #tpu.dot_dimension_numbers<[1], [1], [0], [0], [0, 0, 1, 0], [], []>, transpose_lhs_hint = false} : vector<64x32xf32>, vector<1024x32xf32>, vector<64x1024xf32> -> vector<64x1024xf32>
    %add3A_43 = arith.addf %dot_general3A_39, %dot_general3A_42 : vector<64x1024xf32>
    %swap3A_44 = arith.constant 0 : index
    %swap3A_45 = arith.constant 0 : index
    %swap3A_46 = arith.constant 2048 : index
    %swap3A_47 = vector.load %arg3[%swap3A_44, %swap3A_45, %swap3A_46] : memref<5x64x4096xf32, #tpu.memory_space<vmem>>, vector<1x64x1024xf32>
    %swap3A_48 = vector.shape_cast %swap3A_47 : vector<1x64x1024xf32> to vector<64x1024xf32>
    %swap3A_49 = vector.shape_cast %add3A_43 : vector<64x1024xf32> to vector<1x64x1024xf32>
    tpu.vector_store %arg3[%swap3A_44, %swap3A_45, %swap3A_46], %swap3A_49 {strides = array<i32>} : memref<5x64x4096xf32, #tpu.memory_space<vmem>>, vector<1x64x1024xf32>,
    %slice3A_50 = vector.extract_strided_slice %bitcast_convert_type3A_10 {offsets = [0, 96], sizes = [1024, 32], strides = [1, 1]} : vector<1024x128xf32> to vector<1024x32xf32>
    %dot_general3A_51 = arith.constant dense<0.000000e+00> : vector<64x1024xf32>
    %dot_general3A_52 = tpu.matmul %slice3A, %slice3A_50, %dot_general3A_51 {dimension_numbers = #tpu.dot_dimension_numbers<[1], [1], [0], [0], [0, 0, 1, 0], [], []>, transpose_lhs_hint = false} : vector<64x32xf32>, vector<1024x32xf32>, vector<64x1024xf32> -> vector<64x1024xf32>
    %slice3A_53 = vector.extract_strided_slice %bitcast_convert_type3A_13 {offsets = [0, 96], sizes = [1024, 32], strides = [1, 1]} : vector<1024x128xf32> to vector<1024x32xf32>
    %dot_general3A_54 = arith.constant dense<0.000000e+00> : vector<64x1024xf32>
    %dot_general3A_55 = tpu.matmul %slice3A_2, %slice3A_53, %dot_general3A_54 {dimension_numbers = #tpu.dot_dimension_numbers<[1], [1], [0], [0], [0, 0, 1, 0], [], []>, transpose_lhs_hint = false} : vector<64x32xf32>, vector<1024x32xf32>, vector<64x1024xf32> -> vector<64x1024xf32>
    %add3A_56 = arith.addf %dot_general3A_52, %dot_general3A_55 : vector<64x1024xf32>
    %swap3A_57 = arith.constant 0 : index
    %swap3A_58 = arith.constant 0 : index
    %swap3A_59 = arith.constant 3072 : index
    %swap3A_60 = vector.load %arg3[%swap3A_57, %swap3A_58, %swap3A_59] : memref<5x64x4096xf32, #tpu.memory_space<vmem>>, vector<1x64x1024xf32>
    %swap3A_61 = vector.shape_cast %swap3A_60 : vector<1x64x1024xf32> to vector<64x1024xf32>
    %swap3A_62 = vector.shape_cast %add3A_56 : vector<64x1024xf32> to vector<1x64x1024xf32>
    tpu.vector_store %arg3[%swap3A_57, %swap3A_58, %swap3A_59], %swap3A_62 {strides = array<i32>} : memref<5x64x4096xf32, #tpu.memory_space<vmem>>, vector<1x64x1024xf32>,
    %get3A_63 = arith.constant 1 : index
    %get3A_64 = arith.constant 0 : index
    %get3A_65 = arith.constant 0 : index
    %get3A_66 = vector.load %arg1[%get3A_63, %get3A_64, %get3A_65] : memref<5x1024x128xf32, #tpu.memory_space<vmem>>, vector<1x1024x128xf32>
    %get3A_67 = vector.shape_cast %get3A_66 : vector<1x1024x128xf32> to vector<1024x128xf32>
    %bitcast_convert_type3A_68 = tpu.bitcast %get3A_67 : vector<1024x128xf32> -> vector<1024x128xi32>
    %shift_left3A_69 = arith.constant 16 : i32
    %shift_left3A_70 = vector.broadcast %shift_left3A_69 : i32 to vector<1024x128xi32>
    %shift_left3A_71 = arith.shli %bitcast_convert_type3A_68, %shift_left3A_70 : vector<1024x128xi32>
    %bitcast_convert_type3A_72 = tpu.bitcast %shift_left3A_71 : vector<1024x128xi32> -> vector<1024x128xf32>
    %and3A_73 = arith.constant -65536 : i32
    %and3A_74 = vector.broadcast %and3A_73 : i32 to vector<1024x128xi32>
    %and3A_75 = arith.andi %bitcast_convert_type3A_68, %and3A_74 : vector<1024x128xi32>
    %bitcast_convert_type3A_76 = tpu.bitcast %and3A_75 : vector<1024x128xi32> -> vector<1024x128xf32>
    %slice3A_77 = vector.extract_strided_slice %bitcast_convert_type3A_72 {offsets = [0, 0], sizes = [1024, 32], strides = [1, 1]} : vector<1024x128xf32> to vector<1024x32xf32>
    %dot_general3A_78 = arith.constant dense<0.000000e+00> : vector<64x1024xf32>
    %dot_general3A_79 = tpu.matmul %slice3A, %slice3A_77, %dot_general3A_78 {dimension_numbers = #tpu.dot_dimension_numbers<[1], [1], [0], [0], [0, 0, 1, 0], [], []>, transpose_lhs_hint = false} : vector<64x32xf32>, vector<1024x32xf32>, vector<64x1024xf32> -> vector<64x1024xf32>
    %slice3A_80 = vector.extract_strided_slice %bitcast_convert_type3A_76 {offsets = [0, 0], sizes = [1024, 32], strides = [1, 1]} : vector<1024x128xf32> to vector<1024x32xf32>
    %dot_general3A_81 = arith.constant dense<0.000000e+00> : vector<64x1024xf32>
    %dot_general3A_82 = tpu.matmul %slice3A_2, %slice3A_80, %dot_general3A_81 {dimension_numbers = #tpu.dot_dimension_numbers<[1], [1], [0], [0], [0, 0, 1, 0], [], []>, transpose_lhs_hint = false} : vector<64x32xf32>, vector<1024x32xf32>, vector<64x1024xf32> -> vector<64x1024xf32>
    %add3A_83 = arith.addf %dot_general3A_79, %dot_general3A_82 : vector<64x1024xf32>
    %swap3A_84 = arith.constant 1 : index
    %swap3A_85 = arith.constant 0 : index
    %swap3A_86 = arith.constant 0 : index
    %swap3A_87 = vector.load %arg3[%swap3A_84, %swap3A_85, %swap3A_86] : memref<5x64x4096xf32, #tpu.memory_space<vmem>>, vector<1x64x1024xf32>
    %swap3A_88 = vector.shape_cast %swap3A_87 : vector<1x64x1024xf32> to vector<64x1024xf32>
    %swap3A_89 = vector.shape_cast %add3A_83 : vector<64x1024xf32> to vector<1x64x1024xf32>
    tpu.vector_store %arg3[%swap3A_84, %swap3A_85, %swap3A_86], %swap3A_89 {strides = array<i32>} : memref<5x64x4096xf32, #tpu.memory_space<vmem>>, vector<1x64x1024xf32>,
    %slice3A_90 = vector.extract_strided_slice %bitcast_convert_type3A_72 {offsets = [0, 32], sizes = [1024, 32], strides = [1, 1]} : vector<1024x128xf32> to vector<1024x32xf32>
    %dot_general3A_91 = arith.constant dense<0.000000e+00> : vector<64x1024xf32>
    %dot_general3A_92 = tpu.matmul %slice3A, %slice3A_90, %dot_general3A_91 {dimension_numbers = #tpu.dot_dimension_numbers<[1], [1], [0], [0], [0, 0, 1, 0], [], []>, transpose_lhs_hint = false} : vector<64x32xf32>, vector<1024x32xf32>, vector<64x1024xf32> -> vector<64x1024xf32>
    %slice3A_93 = vector.extract_strided_slice %bitcast_convert_type3A_76 {offsets = [0, 32], sizes = [1024, 32], strides = [1, 1]} : vector<1024x128xf32> to vector<1024x32xf32>
    %dot_general3A_94 = arith.constant dense<0.000000e+00> : vector<64x1024xf32>
    %dot_general3A_95 = tpu.matmul %slice3A_2, %slice3A_93, %dot_general3A_94 {dimension_numbers = #tpu.dot_dimension_numbers<[1], [1], [0], [0], [0, 0, 1, 0], [], []>, transpose_lhs_hint = false} : vector<64x32xf32>, vector<1024x32xf32>, vector<64x1024xf32> -> vector<64x1024xf32>
    %add3A_96 = arith.addf %dot_general3A_92, %dot_general3A_95 : vector<64x1024xf32>
    %swap3A_97 = arith.constant 1 : index
    %swap3A_98 = arith.constant 0 : index
    %swap3A_99 = arith.constant 1024 : index
    %swap3A_100 = vector.load %arg3[%swap3A_97, %swap3A_98, %swap3A_99] : memref<5x64x4096xf32, #tpu.memory_space<vmem>>, vector<1x64x1024xf32>
    %swap3A_101 = vector.shape_cast %swap3A_100 : vector<1x64x1024xf32> to vector<64x1024xf32>
    %swap3A_102 = vector.shape_cast %add3A_96 : vector<64x1024xf32> to vector<1x64x1024xf32>
    tpu.vector_store %arg3[%swap3A_97, %swap3A_98, %swap3A_99], %swap3A_102 {strides = array<i32>} : memref<5x64x4096xf32, #tpu.memory_space<vmem>>, vector<1x64x1024xf32>,
    %slice3A_103 = vector.extract_strided_slice %bitcast_convert_type3A_72 {offsets = [0, 64], sizes = [1024, 32], strides = [1, 1]} : vector<1024x128xf32> to vector<1024x32xf32>
    %dot_general3A_104 = arith.constant dense<0.000000e+00> : vector<64x1024xf32>
    %dot_general3A_105 = tpu.matmul %slice3A, %slice3A_103, %dot_general3A_104 {dimension_numbers = #tpu.dot_dimension_numbers<[1], [1], [0], [0], [0, 0, 1, 0], [], []>, transpose_lhs_hint = false} : vector<64x32xf32>, vector<1024x32xf32>, vector<64x1024xf32> -> vector<64x1024xf32>
    %slice3A_106 = vector.extract_strided_slice %bitcast_convert_type3A_76 {offsets = [0, 64], sizes = [1024, 32], strides = [1, 1]} : vector<1024x128xf32> to vector<1024x32xf32>
    %dot_general3A_107 = arith.constant dense<0.000000e+00> : vector<64x1024xf32>
    %dot_general3A_108 = tpu.matmul %slice3A_2, %slice3A_106, %dot_general3A_107 {dimension_numbers = #tpu.dot_dimension_numbers<[1], [1], [0], [0], [0, 0, 1, 0], [], []>, transpose_lhs_hint = false} : vector<64x32xf32>, vector<1024x32xf32>, vector<64x1024xf32> -> vector<64x1024xf32>
    %add3A_109 = arith.addf %dot_general3A_105, %dot_general3A_108 : vector<64x1024xf32>
    %swap3A_110 = arith.constant 1 : index
    %swap3A_111 = arith.constant 0 : index
    %swap3A_112 = arith.constant 2048 : index
    %swap3A_113 = vector.load %arg3[%swap3A_110, %swap3A_111, %swap3A_112] : memref<5x64x4096xf32, #tpu.memory_space<vmem>>, vector<1x64x1024xf32>
    %swap3A_114 = vector.shape_cast %swap3A_113 : vector<1x64x1024xf32> to vector<64x1024xf32>
    %swap3A_115 = vector.shape_cast %add3A_109 : vector<64x1024xf32> to vector<1x64x1024xf32>
    tpu.vector_store %arg3[%swap3A_110, %swap3A_111, %swap3A_112], %swap3A_115 {strides = array<i32>} : memref<5x64x4096xf32, #tpu.memory_space<vmem>>, vector<1x64x1024xf32>,
    %slice3A_116 = vector.extract_strided_slice %bitcast_convert_type3A_72 {offsets = [0, 96], sizes = [1024, 32], strides = [1, 1]} : vector<1024x128xf32> to vector<1024x32xf32>
    %dot_general3A_117 = arith.constant dense<0.000000e+00> : vector<64x1024xf32>
    %dot_general3A_118 = tpu.matmul %slice3A, %slice3A_116, %dot_general3A_117 {dimension_numbers = #tpu.dot_dimension_numbers<[1], [1], [0], [0], [0, 0, 1, 0], [], []>, transpose_lhs_hint = false} : vector<64x32xf32>, vector<1024x32xf32>, vector<64x1024xf32> -> vector<64x1024xf32>
    %slice3A_119 = vector.extract_strided_slice %bitcast_convert_type3A_76 {offsets = [0, 96], sizes = [1024, 32], strides = [1, 1]} : vector<1024x128xf32> to vector<1024x32xf32>
    %dot_general3A_120 = arith.constant dense<0.000000e+00> : vector<64x1024xf32>
    %dot_general3A_121 = tpu.matmul %slice3A_2, %slice3A_119, %dot_general3A_120 {dimension_numbers = #tpu.dot_dimension_numbers<[1], [1], [0], [0], [0, 0, 1, 0], [], []>, transpose_lhs_hint = false} : vector<64x32xf32>, vector<1024x32xf32>, vector<64x1024xf32> -> vector<64x1024xf32>
    %add3A_122 = arith.addf %dot_general3A_118, %dot_general3A_121 : vector<64x1024xf32>
    %swap3A_123 = arith.constant 1 : index
    %swap3A_124 = arith.constant 0 : index
    %swap3A_125 = arith.constant 3072 : index
    %swap3A_126 = vector.load %arg3[%swap3A_123, %swap3A_124, %swap3A_125] : memref<5x64x4096xf32, #tpu.memory_space<vmem>>, vector<1x64x1024xf32>
    %swap3A_127 = vector.shape_cast %swap3A_126 : vector<1x64x1024xf32> to vector<64x1024xf32>
    %swap3A_128 = vector.shape_cast %add3A_122 : vector<64x1024xf32> to vector<1x64x1024xf32>
    tpu.vector_store %arg3[%swap3A_123, %swap3A_124, %swap3A_125], %swap3A_128 {strides = array<i32>} : memref<5x64x4096xf32, #tpu.memory_space<vmem>>, vector<1x64x1024xf32>,
    %get3A_129 = arith.constant 2 : index
    %get3A_130 = arith.constant 0 : index
    %get3A_131 = arith.constant 0 : index
    %get3A_132 = vector.load %arg1[%get3A_129, %get3A_130, %get3A_131] : memref<5x1024x128xf32, #tpu.memory_space<vmem>>, vector<1x1024x128xf32>
    %get3A_133 = vector.shape_cast %get3A_132 : vector<1x1024x128xf32> to vector<1024x128xf32>
    %bitcast_convert_type3A_134 = tpu.bitcast %get3A_133 : vector<1024x128xf32> -> vector<1024x128xi32>
    %shift_left3A_135 = arith.constant 16 : i32
    %shift_left3A_136 = vector.broadcast %shift_left3A_135 : i32 to vector<1024x128xi32>
    %shift_left3A_137 = arith.shli %bitcast_convert_type3A_134, %shift_left3A_136 : vector<1024x128xi32>
    %bitcast_convert_type3A_138 = tpu.bitcast %shift_left3A_137 : vector<1024x128xi32> -> vector<1024x128xf32>
    %and3A_139 = arith.constant -65536 : i32
    %and3A_140 = vector.broadcast %and3A_139 : i32 to vector<1024x128xi32>
    %and3A_141 = arith.andi %bitcast_convert_type3A_134, %and3A_140 : vector<1024x128xi32>
    %bitcast_convert_type3A_142 = tpu.bitcast %and3A_141 : vector<1024x128xi32> -> vector<1024x128xf32>
    %slice3A_143 = vector.extract_strided_slice %bitcast_convert_type3A_138 {offsets = [0, 0], sizes = [1024, 32], strides = [1, 1]} : vector<1024x128xf32> to vector<1024x32xf32>
    %dot_general3A_144 = arith.constant dense<0.000000e+00> : vector<64x1024xf32>
    %dot_general3A_145 = tpu.matmul %slice3A, %slice3A_143, %dot_general3A_144 {dimension_numbers = #tpu.dot_dimension_numbers<[1], [1], [0], [0], [0, 0, 1, 0], [], []>, transpose_lhs_hint = false} : vector<64x32xf32>, vector<1024x32xf32>, vector<64x1024xf32> -> vector<64x1024xf32>
    %slice3A_146 = vector.extract_strided_slice %bitcast_convert_type3A_142 {offsets = [0, 0], sizes = [1024, 32], strides = [1, 1]} : vector<1024x128xf32> to vector<1024x32xf32>
    %dot_general3A_147 = arith.constant dense<0.000000e+00> : vector<64x1024xf32>
    %dot_general3A_148 = tpu.matmul %slice3A_2, %slice3A_146, %dot_general3A_147 {dimension_numbers = #tpu.dot_dimension_numbers<[1], [1], [0], [0], [0, 0, 1, 0], [], []>, transpose_lhs_hint = false} : vector<64x32xf32>, vector<1024x32xf32>, vector<64x1024xf32> -> vector<64x1024xf32>
    %add3A_149 = arith.addf %dot_general3A_145, %dot_general3A_148 : vector<64x1024xf32>
    %swap3A_150 = arith.constant 2 : index
    %swap3A_151 = arith.constant 0 : index
    %swap3A_152 = arith.constant 0 : index
    %swap3A_153 = vector.load %arg3[%swap3A_150, %swap3A_151, %swap3A_152] : memref<5x64x4096xf32, #tpu.memory_space<vmem>>, vector<1x64x1024xf32>
    %swap3A_154 = vector.shape_cast %swap3A_153 : vector<1x64x1024xf32> to vector<64x1024xf32>
    %swap3A_155 = vector.shape_cast %add3A_149 : vector<64x1024xf32> to vector<1x64x1024xf32>
    tpu.vector_store %arg3[%swap3A_150, %swap3A_151, %swap3A_152], %swap3A_155 {strides = array<i32>} : memref<5x64x4096xf32, #tpu.memory_space<vmem>>, vector<1x64x1024xf32>,
    %slice3A_156 = vector.extract_strided_slice %bitcast_convert_type3A_138 {offsets = [0, 32], sizes = [1024, 32], strides = [1, 1]} : vector<1024x128xf32> to vector<1024x32xf32>
    %dot_general3A_157 = arith.constant dense<0.000000e+00> : vector<64x1024xf32>
    %dot_general3A_158 = tpu.matmul %slice3A, %slice3A_156, %dot_general3A_157 {dimension_numbers = #tpu.dot_dimension_numbers<[1], [1], [0], [0], [0, 0, 1, 0], [], []>, transpose_lhs_hint = false} : vector<64x32xf32>, vector<1024x32xf32>, vector<64x1024xf32> -> vector<64x1024xf32>
    %slice3A_159 = vector.extract_strided_slice %bitcast_convert_type3A_142 {offsets = [0, 32], sizes = [1024, 32], strides = [1, 1]} : vector<1024x128xf32> to vector<1024x32xf32>
    %dot_general3A_160 = arith.constant dense<0.000000e+00> : vector<64x1024xf32>
    %dot_general3A_161 = tpu.matmul %slice3A_2, %slice3A_159, %dot_general3A_160 {dimension_numbers = #tpu.dot_dimension_numbers<[1], [1], [0], [0], [0, 0, 1, 0], [], []>, transpose_lhs_hint = false} : vector<64x32xf32>, vector<1024x32xf32>, vector<64x1024xf32> -> vector<64x1024xf32>
    %add3A_162 = arith.addf %dot_general3A_158, %dot_general3A_161 : vector<64x1024xf32>
    %swap3A_163 = arith.constant 2 : index
    %swap3A_164 = arith.constant 0 : index
    %swap3A_165 = arith.constant 1024 : index
    %swap3A_166 = vector.load %arg3[%swap3A_163, %swap3A_164, %swap3A_165] : memref<5x64x4096xf32, #tpu.memory_space<vmem>>, vector<1x64x1024xf32>
    %swap3A_167 = vector.shape_cast %swap3A_166 : vector<1x64x1024xf32> to vector<64x1024xf32>
    %swap3A_168 = vector.shape_cast %add3A_162 : vector<64x1024xf32> to vector<1x64x1024xf32>
    tpu.vector_store %arg3[%swap3A_163, %swap3A_164, %swap3A_165], %swap3A_168 {strides = array<i32>} : memref<5x64x4096xf32, #tpu.memory_space<vmem>>, vector<1x64x1024xf32>,
    %slice3A_169 = vector.extract_strided_slice %bitcast_convert_type3A_138 {offsets = [0, 64], sizes = [1024, 32], strides = [1, 1]} : vector<1024x128xf32> to vector<1024x32xf32>
    %dot_general3A_170 = arith.constant dense<0.000000e+00> : vector<64x1024xf32>
    %dot_general3A_171 = tpu.matmul %slice3A, %slice3A_169, %dot_general3A_170 {dimension_numbers = #tpu.dot_dimension_numbers<[1], [1], [0], [0], [0, 0, 1, 0], [], []>, transpose_lhs_hint = false} : vector<64x32xf32>, vector<1024x32xf32>, vector<64x1024xf32> -> vector<64x1024xf32>
    %slice3A_172 = vector.extract_strided_slice %bitcast_convert_type3A_142 {offsets = [0, 64], sizes = [1024, 32], strides = [1, 1]} : vector<1024x128xf32> to vector<1024x32xf32>
    %dot_general3A_173 = arith.constant dense<0.000000e+00> : vector<64x1024xf32>
    %dot_general3A_174 = tpu.matmul %slice3A_2, %slice3A_172, %dot_general3A_173 {dimension_numbers = #tpu.dot_dimension_numbers<[1], [1], [0], [0], [0, 0, 1, 0], [], []>, transpose_lhs_hint = false} : vector<64x32xf32>, vector<1024x32xf32>, vector<64x1024xf32> -> vector<64x1024xf32>
    %add3A_175 = arith.addf %dot_general3A_171, %dot_general3A_174 : vector<64x1024xf32>
    %swap3A_176 = arith.constant 2 : index
    %swap3A_177 = arith.constant 0 : index
    %swap3A_178 = arith.constant 2048 : index
    %swap3A_179 = vector.load %arg3[%swap3A_176, %swap3A_177, %swap3A_178] : memref<5x64x4096xf32, #tpu.memory_space<vmem>>, vector<1x64x1024xf32>
    %swap3A_180 = vector.shape_cast %swap3A_179 : vector<1x64x1024xf32> to vector<64x1024xf32>
    %swap3A_181 = vector.shape_cast %add3A_175 : vector<64x1024xf32> to vector<1x64x1024xf32>
    tpu.vector_store %arg3[%swap3A_176, %swap3A_177, %swap3A_178], %swap3A_181 {strides = array<i32>} : memref<5x64x4096xf32, #tpu.memory_space<vmem>>, vector<1x64x1024xf32>,
    %slice3A_182 = vector.extract_strided_slice %bitcast_convert_type3A_138 {offsets = [0, 96], sizes = [1024, 32], strides = [1, 1]} : vector<1024x128xf32> to vector<1024x32xf32>
    %dot_general3A_183 = arith.constant dense<0.000000e+00> : vector<64x1024xf32>
    %dot_general3A_184 = tpu.matmul %slice3A, %slice3A_182, %dot_general3A_183 {dimension_numbers = #tpu.dot_dimension_numbers<[1], [1], [0], [0], [0, 0, 1, 0], [], []>, transpose_lhs_hint = false} : vector<64x32xf32>, vector<1024x32xf32>, vector<64x1024xf32> -> vector<64x1024xf32>
    %slice3A_185 = vector.extract_strided_slice %bitcast_convert_type3A_142 {offsets = [0, 96], sizes = [1024, 32], strides = [1, 1]} : vector<1024x128xf32> to vector<1024x32xf32>
    %dot_general3A_186 = arith.constant dense<0.000000e+00> : vector<64x1024xf32>
    %dot_general3A_187 = tpu.matmul %slice3A_2, %slice3A_185, %dot_general3A_186 {dimension_numbers = #tpu.dot_dimension_numbers<[1], [1], [0], [0], [0, 0, 1, 0], [], []>, transpose_lhs_hint = false} : vector<64x32xf32>, vector<1024x32xf32>, vector<64x1024xf32> -> vector<64x1024xf32>
    %add3A_188 = arith.addf %dot_general3A_184, %dot_general3A_187 : vector<64x1024xf32>
    %swap3A_189 = arith.constant 2 : index
    %swap3A_190 = arith.constant 0 : index
    %swap3A_191 = arith.constant 3072 : index
    %swap3A_192 = vector.load %arg3[%swap3A_189, %swap3A_190, %swap3A_191] : memref<5x64x4096xf32, #tpu.memory_space<vmem>>, vector<1x64x1024xf32>
    %swap3A_193 = vector.shape_cast %swap3A_192 : vector<1x64x1024xf32> to vector<64x1024xf32>
    %swap3A_194 = vector.shape_cast %add3A_188 : vector<64x1024xf32> to vector<1x64x1024xf32>
    tpu.vector_store %arg3[%swap3A_189, %swap3A_190, %swap3A_191], %swap3A_194 {strides = array<i32>} : memref<5x64x4096xf32, #tpu.memory_space<vmem>>, vector<1x64x1024xf32>,
    %get3A_195 = arith.constant 3 : index
    %get3A_196 = arith.constant 0 : index
    %get3A_197 = arith.constant 0 : index
    %get3A_198 = vector.load %arg1[%get3A_195, %get3A_196, %get3A_197] : memref<5x1024x128xf32, #tpu.memory_space<vmem>>, vector<1x1024x128xf32>
    %get3A_199 = vector.shape_cast %get3A_198 : vector<1x1024x128xf32> to vector<1024x128xf32>
    %bitcast_convert_type3A_200 = tpu.bitcast %get3A_199 : vector<1024x128xf32> -> vector<1024x128xi32>
    %shift_left3A_201 = arith.constant 16 : i32
    %shift_left3A_202 = vector.broadcast %shift_left3A_201 : i32 to vector<1024x128xi32>
    %shift_left3A_203 = arith.shli %bitcast_convert_type3A_200, %shift_left3A_202 : vector<1024x128xi32>
    %bitcast_convert_type3A_204 = tpu.bitcast %shift_left3A_203 : vector<1024x128xi32> -> vector<1024x128xf32>
    %and3A_205 = arith.constant -65536 : i32
    %and3A_206 = vector.broadcast %and3A_205 : i32 to vector<1024x128xi32>
    %and3A_207 = arith.andi %bitcast_convert_type3A_200, %and3A_206 : vector<1024x128xi32>
    %bitcast_convert_type3A_208 = tpu.bitcast %and3A_207 : vector<1024x128xi32> -> vector<1024x128xf32>
    %slice3A_209 = vector.extract_strided_slice %bitcast_convert_type3A_204 {offsets = [0, 0], sizes = [1024, 32], strides = [1, 1]} : vector<1024x128xf32> to vector<1024x32xf32>
    %dot_general3A_210 = arith.constant dense<0.000000e+00> : vector<64x1024xf32>
    %dot_general3A_211 = tpu.matmul %slice3A, %slice3A_209, %dot_general3A_210 {dimension_numbers = #tpu.dot_dimension_numbers<[1], [1], [0], [0], [0, 0, 1, 0], [], []>, transpose_lhs_hint = false} : vector<64x32xf32>, vector<1024x32xf32>, vector<64x1024xf32> -> vector<64x1024xf32>
    %slice3A_212 = vector.extract_strided_slice %bitcast_convert_type3A_208 {offsets = [0, 0], sizes = [1024, 32], strides = [1, 1]} : vector<1024x128xf32> to vector<1024x32xf32>
    %dot_general3A_213 = arith.constant dense<0.000000e+00> : vector<64x1024xf32>
    %dot_general3A_214 = tpu.matmul %slice3A_2, %slice3A_212, %dot_general3A_213 {dimension_numbers = #tpu.dot_dimension_numbers<[1], [1], [0], [0], [0, 0, 1, 0], [], []>, transpose_lhs_hint = false} : vector<64x32xf32>, vector<1024x32xf32>, vector<64x1024xf32> -> vector<64x1024xf32>
    %add3A_215 = arith.addf %dot_general3A_211, %dot_general3A_214 : vector<64x1024xf32>
    %swap3A_216 = arith.constant 3 : index
    %swap3A_217 = arith.constant 0 : index
    %swap3A_218 = arith.constant 0 : index
    %swap3A_219 = vector.load %arg3[%swap3A_216, %swap3A_217, %swap3A_218] : memref<5x64x4096xf32, #tpu.memory_space<vmem>>, vector<1x64x1024xf32>
    %swap3A_220 = vector.shape_cast %swap3A_219 : vector<1x64x1024xf32> to vector<64x1024xf32>
    %swap3A_221 = vector.shape_cast %add3A_215 : vector<64x1024xf32> to vector<1x64x1024xf32>
    tpu.vector_store %arg3[%swap3A_216, %swap3A_217, %swap3A_218], %swap3A_221 {strides = array<i32>} : memref<5x64x4096xf32, #tpu.memory_space<vmem>>, vector<1x64x1024xf32>,
    %slice3A_222 = vector.extract_strided_slice %bitcast_convert_type3A_204 {offsets = [0, 32], sizes = [1024, 32], strides = [1, 1]} : vector<1024x128xf32> to vector<1024x32xf32>
    %dot_general3A_223 = arith.constant dense<0.000000e+00> : vector<64x1024xf32>
    %dot_general3A_224 = tpu.matmul %slice3A, %slice3A_222, %dot_general3A_223 {dimension_numbers = #tpu.dot_dimension_numbers<[1], [1], [0], [0], [0, 0, 1, 0], [], []>, transpose_lhs_hint = false} : vector<64x32xf32>, vector<1024x32xf32>, vector<64x1024xf32> -> vector<64x1024xf32>
    %slice3A_225 = vector.extract_strided_slice %bitcast_convert_type3A_208 {offsets = [0, 32], sizes = [1024, 32], strides = [1, 1]} : vector<1024x128xf32> to vector<1024x32xf32>
    %dot_general3A_226 = arith.constant dense<0.000000e+00> : vector<64x1024xf32>
    %dot_general3A_227 = tpu.matmul %slice3A_2, %slice3A_225, %dot_general3A_226 {dimension_numbers = #tpu.dot_dimension_numbers<[1], [1], [0], [0], [0, 0, 1, 0], [], []>, transpose_lhs_hint = false} : vector<64x32xf32>, vector<1024x32xf32>, vector<64x1024xf32> -> vector<64x1024xf32>
    %add3A_228 = arith.addf %dot_general3A_224, %dot_general3A_227 : vector<64x1024xf32>
    %swap3A_229 = arith.constant 3 : index
    %swap3A_230 = arith.constant 0 : index
    %swap3A_231 = arith.constant 1024 : index
    %swap3A_232 = vector.load %arg3[%swap3A_229, %swap3A_230, %swap3A_231] : memref<5x64x4096xf32, #tpu.memory_space<vmem>>, vector<1x64x1024xf32>
    %swap3A_233 = vector.shape_cast %swap3A_232 : vector<1x64x1024xf32> to vector<64x1024xf32>
    %swap3A_234 = vector.shape_cast %add3A_228 : vector<64x1024xf32> to vector<1x64x1024xf32>
    tpu.vector_store %arg3[%swap3A_229, %swap3A_230, %swap3A_231], %swap3A_234 {strides = array<i32>} : memref<5x64x4096xf32, #tpu.memory_space<vmem>>, vector<1x64x1024xf32>,
    %slice3A_235 = vector.extract_strided_slice %bitcast_convert_type3A_204 {offsets = [0, 64], sizes = [1024, 32], strides = [1, 1]} : vector<1024x128xf32> to vector<1024x32xf32>
    %dot_general3A_236 = arith.constant dense<0.000000e+00> : vector<64x1024xf32>
    %dot_general3A_237 = tpu.matmul %slice3A, %slice3A_235, %dot_general3A_236 {dimension_numbers = #tpu.dot_dimension_numbers<[1], [1], [0], [0], [0, 0, 1, 0], [], []>, transpose_lhs_hint = false} : vector<64x32xf32>, vector<1024x32xf32>, vector<64x1024xf32> -> vector<64x1024xf32>
    %slice3A_238 = vector.extract_strided_slice %bitcast_convert_type3A_208 {offsets = [0, 64], sizes = [1024, 32], strides = [1, 1]} : vector<1024x128xf32> to vector<1024x32xf32>
    %dot_general3A_239 = arith.constant dense<0.000000e+00> : vector<64x1024xf32>
    %dot_general3A_240 = tpu.matmul %slice3A_2, %slice3A_238, %dot_general3A_239 {dimension_numbers = #tpu.dot_dimension_numbers<[1], [1], [0], [0], [0, 0, 1, 0], [], []>, transpose_lhs_hint = false} : vector<64x32xf32>, vector<1024x32xf32>, vector<64x1024xf32> -> vector<64x1024xf32>
    %add3A_241 = arith.addf %dot_general3A_237, %dot_general3A_240 : vector<64x1024xf32>
    %swap3A_242 = arith.constant 3 : index
    %swap3A_243 = arith.constant 0 : index
    %swap3A_244 = arith.constant 2048 : index
    %swap3A_245 = vector.load %arg3[%swap3A_242, %swap3A_243, %swap3A_244] : memref<5x64x4096xf32, #tpu.memory_space<vmem>>, vector<1x64x1024xf32>
    %swap3A_246 = vector.shape_cast %swap3A_245 : vector<1x64x1024xf32> to vector<64x1024xf32>
    %swap3A_247 = vector.shape_cast %add3A_241 : vector<64x1024xf32> to vector<1x64x1024xf32>
    tpu.vector_store %arg3[%swap3A_242, %swap3A_243, %swap3A_244], %swap3A_247 {strides = array<i32>} : memref<5x64x4096xf32, #tpu.memory_space<vmem>>, vector<1x64x1024xf32>,
    %slice3A_248 = vector.extract_strided_slice %bitcast_convert_type3A_204 {offsets = [0, 96], sizes = [1024, 32], strides = [1, 1]} : vector<1024x128xf32> to vector<1024x32xf32>
    %dot_general3A_249 = arith.constant dense<0.000000e+00> : vector<64x1024xf32>
    %dot_general3A_250 = tpu.matmul %slice3A, %slice3A_248, %dot_general3A_249 {dimension_numbers = #tpu.dot_dimension_numbers<[1], [1], [0], [0], [0, 0, 1, 0], [], []>, transpose_lhs_hint = false} : vector<64x32xf32>, vector<1024x32xf32>, vector<64x1024xf32> -> vector<64x1024xf32>
    %slice3A_251 = vector.extract_strided_slice %bitcast_convert_type3A_208 {offsets = [0, 96], sizes = [1024, 32], strides = [1, 1]} : vector<1024x128xf32> to vector<1024x32xf32>
    %dot_general3A_252 = arith.constant dense<0.000000e+00> : vector<64x1024xf32>
    %dot_general3A_253 = tpu.matmul %slice3A_2, %slice3A_251, %dot_general3A_252 {dimension_numbers = #tpu.dot_dimension_numbers<[1], [1], [0], [0], [0, 0, 1, 0], [], []>, transpose_lhs_hint = false} : vector<64x32xf32>, vector<1024x32xf32>, vector<64x1024xf32> -> vector<64x1024xf32>
    %add3A_254 = arith.addf %dot_general3A_250, %dot_general3A_253 : vector<64x1024xf32>
    %swap3A_255 = arith.constant 3 : index
    %swap3A_256 = arith.constant 0 : index
    %swap3A_257 = arith.constant 3072 : index
    %swap3A_258 = vector.load %arg3[%swap3A_255, %swap3A_256, %swap3A_257] : memref<5x64x4096xf32, #tpu.memory_space<vmem>>, vector<1x64x1024xf32>
    %swap3A_259 = vector.shape_cast %swap3A_258 : vector<1x64x1024xf32> to vector<64x1024xf32>
    %swap3A_260 = vector.shape_cast %add3A_254 : vector<64x1024xf32> to vector<1x64x1024xf32>
    tpu.vector_store %arg3[%swap3A_255, %swap3A_256, %swap3A_257], %swap3A_260 {strides = array<i32>} : memref<5x64x4096xf32, #tpu.memory_space<vmem>>, vector<1x64x1024xf32>,
    %get3A_261 = arith.constant 4 : index
    %get3A_262 = arith.constant 0 : index
    %get3A_263 = arith.constant 0 : index
    %get3A_264 = vector.load %arg1[%get3A_261, %get3A_262, %get3A_263] : memref<5x1024x128xf32, #tpu.memory_space<vmem>>, vector<1x1024x128xf32>
    %get3A_265 = vector.shape_cast %get3A_264 : vector<1x1024x128xf32> to vector<1024x128xf32>
    %bitcast_convert_type3A_266 = tpu.bitcast %get3A_265 : vector<1024x128xf32> -> vector<1024x128xi32>
    %shift_left3A_267 = arith.constant 16 : i32
    %shift_left3A_268 = vector.broadcast %shift_left3A_267 : i32 to vector<1024x128xi32>
    %shift_left3A_269 = arith.shli %bitcast_convert_type3A_266, %shift_left3A_268 : vector<1024x128xi32>
    %bitcast_convert_type3A_270 = tpu.bitcast %shift_left3A_269 : vector<1024x128xi32> -> vector<1024x128xf32>
    %and3A_271 = arith.constant -65536 : i32
    %and3A_272 = vector.broadcast %and3A_271 : i32 to vector<1024x128xi32>
    %and3A_273 = arith.andi %bitcast_convert_type3A_266, %and3A_272 : vector<1024x128xi32>
    %bitcast_convert_type3A_274 = tpu.bitcast %and3A_273 : vector<1024x128xi32> -> vector<1024x128xf32>
    %slice3A_275 = vector.extract_strided_slice %bitcast_convert_type3A_270 {offsets = [0, 0], sizes = [1024, 32], strides = [1, 1]} : vector<1024x128xf32> to vector<1024x32xf32>
    %dot_general3A_276 = arith.constant dense<0.000000e+00> : vector<64x1024xf32>
    %dot_general3A_277 = tpu.matmul %slice3A, %slice3A_275, %dot_general3A_276 {dimension_numbers = #tpu.dot_dimension_numbers<[1], [1], [0], [0], [0, 0, 1, 0], [], []>, transpose_lhs_hint = false} : vector<64x32xf32>, vector<1024x32xf32>, vector<64x1024xf32> -> vector<64x1024xf32>
    %slice3A_278 = vector.extract_strided_slice %bitcast_convert_type3A_274 {offsets = [0, 0], sizes = [1024, 32], strides = [1, 1]} : vector<1024x128xf32> to vector<1024x32xf32>
    %dot_general3A_279 = arith.constant dense<0.000000e+00> : vector<64x1024xf32>
    %dot_general3A_280 = tpu.matmul %slice3A_2, %slice3A_278, %dot_general3A_279 {dimension_numbers = #tpu.dot_dimension_numbers<[1], [1], [0], [0], [0, 0, 1, 0], [], []>, transpose_lhs_hint = false} : vector<64x32xf32>, vector<1024x32xf32>, vector<64x1024xf32> -> vector<64x1024xf32>
    %add3A_281 = arith.addf %dot_general3A_277, %dot_general3A_280 : vector<64x1024xf32>
    %swap3A_282 = arith.constant 4 : index
    %swap3A_283 = arith.constant 0 : index
    %swap3A_284 = arith.constant 0 : index
    %swap3A_285 = vector.load %arg3[%swap3A_282, %swap3A_283, %swap3A_284] : memref<5x64x4096xf32, #tpu.memory_space<vmem>>, vector<1x64x1024xf32>
    %swap3A_286 = vector.shape_cast %swap3A_285 : vector<1x64x1024xf32> to vector<64x1024xf32>
    %swap3A_287 = vector.shape_cast %add3A_281 : vector<64x1024xf32> to vector<1x64x1024xf32>
    tpu.vector_store %arg3[%swap3A_282, %swap3A_283, %swap3A_284], %swap3A_287 {strides = array<i32>} : memref<5x64x4096xf32, #tpu.memory_space<vmem>>, vector<1x64x1024xf32>,
    %slice3A_288 = vector.extract_strided_slice %bitcast_convert_type3A_270 {offsets = [0, 32], sizes = [1024, 32], strides = [1, 1]} : vector<1024x128xf32> to vector<1024x32xf32>
    %dot_general3A_289 = arith.constant dense<0.000000e+00> : vector<64x1024xf32>
    %dot_general3A_290 = tpu.matmul %slice3A, %slice3A_288, %dot_general3A_289 {dimension_numbers = #tpu.dot_dimension_numbers<[1], [1], [0], [0], [0, 0, 1, 0], [], []>, transpose_lhs_hint = false} : vector<64x32xf32>, vector<1024x32xf32>, vector<64x1024xf32> -> vector<64x1024xf32>
    %slice3A_291 = vector.extract_strided_slice %bitcast_convert_type3A_274 {offsets = [0, 32], sizes = [1024, 32], strides = [1, 1]} : vector<1024x128xf32> to vector<1024x32xf32>
    %dot_general3A_292 = arith.constant dense<0.000000e+00> : vector<64x1024xf32>
    %dot_general3A_293 = tpu.matmul %slice3A_2, %slice3A_291, %dot_general3A_292 {dimension_numbers = #tpu.dot_dimension_numbers<[1], [1], [0], [0], [0, 0, 1, 0], [], []>, transpose_lhs_hint = false} : vector<64x32xf32>, vector<1024x32xf32>, vector<64x1024xf32> -> vector<64x1024xf32>
    %add3A_294 = arith.addf %dot_general3A_290, %dot_general3A_293 : vector<64x1024xf32>
    %swap3A_295 = arith.constant 4 : index
    %swap3A_296 = arith.constant 0 : index
    %swap3A_297 = arith.constant 1024 : index
    %swap3A_298 = vector.load %arg3[%swap3A_295, %swap3A_296, %swap3A_297] : memref<5x64x4096xf32, #tpu.memory_space<vmem>>, vector<1x64x1024xf32>
    %swap3A_299 = vector.shape_cast %swap3A_298 : vector<1x64x1024xf32> to vector<64x1024xf32>
    %swap3A_300 = vector.shape_cast %add3A_294 : vector<64x1024xf32> to vector<1x64x1024xf32>
    tpu.vector_store %arg3[%swap3A_295, %swap3A_296, %swap3A_297], %swap3A_300 {strides = array<i32>} : memref<5x64x4096xf32, #tpu.memory_space<vmem>>, vector<1x64x1024xf32>,
    %slice3A_301 = vector.extract_strided_slice %bitcast_convert_type3A_270 {offsets = [0, 64], sizes = [1024, 32], strides = [1, 1]} : vector<1024x128xf32> to vector<1024x32xf32>
    %dot_general3A_302 = arith.constant dense<0.000000e+00> : vector<64x1024xf32>
    %dot_general3A_303 = tpu.matmul %slice3A, %slice3A_301, %dot_general3A_302 {dimension_numbers = #tpu.dot_dimension_numbers<[1], [1], [0], [0], [0, 0, 1, 0], [], []>, transpose_lhs_hint = false} : vector<64x32xf32>, vector<1024x32xf32>, vector<64x1024xf32> -> vector<64x1024xf32>
    %slice3A_304 = vector.extract_strided_slice %bitcast_convert_type3A_274 {offsets = [0, 64], sizes = [1024, 32], strides = [1, 1]} : vector<1024x128xf32> to vector<1024x32xf32>
    %dot_general3A_305 = arith.constant dense<0.000000e+00> : vector<64x1024xf32>
    %dot_general3A_306 = tpu.matmul %slice3A_2, %slice3A_304, %dot_general3A_305 {dimension_numbers = #tpu.dot_dimension_numbers<[1], [1], [0], [0], [0, 0, 1, 0], [], []>, transpose_lhs_hint = false} : vector<64x32xf32>, vector<1024x32xf32>, vector<64x1024xf32> -> vector<64x1024xf32>
    %add3A_307 = arith.addf %dot_general3A_303, %dot_general3A_306 : vector<64x1024xf32>
    %swap3A_308 = arith.constant 4 : index
    %swap3A_309 = arith.constant 0 : index
    %swap3A_310 = arith.constant 2048 : index
    %swap3A_311 = vector.load %arg3[%swap3A_308, %swap3A_309, %swap3A_310] : memref<5x64x4096xf32, #tpu.memory_space<vmem>>, vector<1x64x1024xf32>
    %swap3A_312 = vector.shape_cast %swap3A_311 : vector<1x64x1024xf32> to vector<64x1024xf32>
    %swap3A_313 = vector.shape_cast %add3A_307 : vector<64x1024xf32> to vector<1x64x1024xf32>
    tpu.vector_store %arg3[%swap3A_308, %swap3A_309, %swap3A_310], %swap3A_313 {strides = array<i32>} : memref<5x64x4096xf32, #tpu.memory_space<vmem>>, vector<1x64x1024xf32>,
    %slice3A_314 = vector.extract_strided_slice %bitcast_convert_type3A_270 {offsets = [0, 96], sizes = [1024, 32], strides = [1, 1]} : vector<1024x128xf32> to vector<1024x32xf32>
    %dot_general3A_315 = arith.constant dense<0.000000e+00> : vector<64x1024xf32>
    %dot_general3A_316 = tpu.matmul %slice3A, %slice3A_314, %dot_general3A_315 {dimension_numbers = #tpu.dot_dimension_numbers<[1], [1], [0], [0], [0, 0, 1, 0], [], []>, transpose_lhs_hint = false} : vector<64x32xf32>, vector<1024x32xf32>, vector<64x1024xf32> -> vector<64x1024xf32>
    %slice3A_317 = vector.extract_strided_slice %bitcast_convert_type3A_274 {offsets = [0, 96], sizes = [1024, 32], strides = [1, 1]} : vector<1024x128xf32> to vector<1024x32xf32>
    %dot_general3A_318 = arith.constant dense<0.000000e+00> : vector<64x1024xf32>
    %dot_general3A_319 = tpu.matmul %slice3A_2, %slice3A_317, %dot_general3A_318 {dimension_numbers = #tpu.dot_dimension_numbers<[1], [1], [0], [0], [0, 0, 1, 0], [], []>, transpose_lhs_hint = false} : vector<64x32xf32>, vector<1024x32xf32>, vector<64x1024xf32> -> vector<64x1024xf32>
    %add3A_320 = arith.addf %dot_general3A_316, %dot_general3A_319 : vector<64x1024xf32>
    %swap3A_321 = arith.constant 4 : index
    %swap3A_322 = arith.constant 0 : index
    %swap3A_323 = arith.constant 3072 : index
    %swap3A_324 = vector.load %arg3[%swap3A_321, %swap3A_322, %swap3A_323] : memref<5x64x4096xf32, #tpu.memory_space<vmem>>, vector<1x64x1024xf32>
    %swap3A_325 = vector.shape_cast %swap3A_324 : vector<1x64x1024xf32> to vector<64x1024xf32>
    %swap3A_326 = vector.shape_cast %add3A_320 : vector<64x1024xf32> to vector<1x64x1024xf32>
    tpu.vector_store %arg3[%swap3A_321, %swap3A_322, %swap3A_323], %swap3A_326 {strides = array<i32>} : memref<5x64x4096xf32, #tpu.memory_space<vmem>>, vector<1x64x1024xf32>,
    return
  }
  func.func @transform_0(%arg0: i32) -> (i32, i32, i32) {
    %c0_i32 = arith.constant 0 : i32
    %c0_i32_0 = arith.constant 0 : i32
    %c0_i32_1 = arith.constant 0 : i32
    return %arg0, %c0_i32, %c0_i32_0 : i32, i32, i32
  }
  func.func @transform_1(%arg0: i32) -> (i32, i32) {
    %c0_i32 = arith.constant 0 : i32
    %c0_i32_0 = arith.constant 0 : i32
    %c0_i32_1 = arith.constant 0 : i32
    return %c0_i32, %c0_i32_0 : i32, i32
  }
  func.func @transform_2(%arg0: i32) -> (i32, i32, i32) {
    %c0_i32 = arith.constant 0 : i32
    %c0_i32_0 = arith.constant 0 : i32
    %c0_i32_1 = arith.constant 0 : i32
    return %arg0, %c0_i32, %c0_i32_0 : i32, i32, i32
  }
}

</mosaic_0001>

<sc_bundles>
// kernel: kernel.10.cloned.1.call-start
scs
__scs_entry_jumppad:
0x0: {  	(pc) =	sbr.rel $0x88, $3  }
0x1: {  	(tag) =	ssettag $0x0;
	lr =	simm.s32 $0x1  }
0x2: {  	[smem:$0x3F9D] =	sst lr;
	_ =	strace $0xD0000000  }
0x3: {  	_ = 	snop  }
0x4: {  	_ = 	snop  }
0x5: {  	_ = 	snop  }
0x6: {  	_ = 	snop  }
0x7: {  	_ = 	snop  }
__scs_overlays_trampoline_lowered:
0x8: {  	[smem:$0x3FAC] =	sst s0  }
0x9: {  	[smem:$0x3FAD] =	sst s1  }
0xa: {  	[smem:$0x3FAE] =	sst s2  }
0xb: {  	[smem:$0x3FAF] =	sst s3  }
0xc: {  	[smem:$0x3FB0] =	sst s4  }
0xd: {  	[smem:$0x3FB1] =	sst s5  }
0xe: {  	[smem:$0x3FB2] =	sst s6  }
0xf: {  	[smem:$0x3FB3] =	sst s7  }
0x10: {  	[smem:$0x3FB4] =	sst s8  }
0x11: {  	[smem:$0x3FB5] =	sst s9;
	s0 =	simm.s32 @!p0 $0x0  }
0x12: {  	s1 =	sld [smem:$0x3F9B];
	s0 =	simm.s32 @p0 $0x1  }
0x13: {  	[smem:$0x3FB6] =	sst s0;
	s0 =	simm.s32 @!p1 $0x0  }
0x14: {  	s2 =	sld [smem:$0x3F9A];
	s0 =	simm.s32 @p1 $0x1  }
0x15: {  	[smem:$0x3FB7] =	sst s0;
	s0 =	simm.s32 @!p2 $0x0  }
0x16: {  	s3 =	sld [smem:$0x3FDB];
	s0 =	simm.s32 @p2 $0x1  }
0x17: {  	s4 =	simm.s32 $0x1BF5;
	[smem:$0x3FB9] =	sst s0  }
0x18: {  	s0 =	sld [smem:$0x3F9C];
	_ =	swait.ge [sflag:s4], $0x0  }
0x19: {  	s7 =	sld [smem:$0x3F9D]  }
0x1a: {  	s8 =	sadd.s32 $0xFFFFE003, lr  }
0x1b: {  	s9 =	sadd.s32 $0xFFFFFEF7, lr;
	s5 =	simm.s32 $0xFFFFFFFF;
	p2 =	slt.u32 s8, $0xFFFFF086  }
0x1c: {  	p1 =	slt.u32 s9, $0xF7A;
	s5 =	simm.s32 @!p2 $0x0  }
0x1d: {  	s5 =	simm.s32 @p1 $0x1;
	p0 =	seq.s32 s7, s2  }
0x1e: {  	s7 =	smul.u32 @!p0 $0xF7A, s2;
	p2 =	seq.s32 @!p0 s5, $0x0  }
0x1f: {  	s9 =	smul.u32 $0xF7A, s1;
	s8 =	simm.s32 @!p0 $0x1BF5;
	p2 =	por !p2, p0  }
0x20: {  	[sflag:s8] =	ssyncset.s32 @!p0 $0xFFFFF086;
	s6 =	sadd.s32 @!p0 s3, s7;
	s7 =	simm.s32 @!p0 $0x108  }
0x21: {  	s3 =	sadd.s32 s3, s9;
	s6 =	sadd.s32 @!p0 $0x88, s6;
	s7 =	simm.s32 @p2 $0x1082  }
0x22: {  	[simem:s7], [sflag:s8] =	dma.local @!p0 [hbm:s6], $0xF7A  }
0x23: {  	s9 =	sor.u32 $0xD0000000, s2;
	s6 =	simm.s32 $0x108;
	_ =	swait.ge @!p0 [sflag:s8], $0x0  }
0x24: {  	s3 =	sadd.s32 $0x88, s3;
	s6 =	simm.s32 @!p1 $0x1082;
	[sflag:s4] =	ssyncset.s32 $0xFFFFF086  }
0x25: {  	[simem:s6], [sflag:s4] =	dma.local [hbm:s3], $0xF7A  }
0x26: {  	[smem:$0x3F9D] =	sst s1;
	(tag) =	ssettag s2;
	_ =	strace s9  }
0x27: {  	s1 =	sld [smem:$0x3FAD]  }
0x28: {  	s2 =	sld [smem:$0x3FAE]  }
0x29: {  	s4 =	sld [smem:$0x3FB0]  }
0x2a: {  	p0 =	seq.s32 s5, $0x0;
	s5 =	sld [smem:$0x3FB1]  }
0x2b: {  	s6 =	sld [smem:$0x3FB2]  }
0x2c: {  	s7 =	sld [smem:$0x3FB3]  }
0x2d: {  	s3 =	simm.s32 $0x108;
	s8 =	sld [smem:$0x3FB4]  }
0x2e: {  	s3 =	simm.s32 @!p0 $0x1082;
	s9 =	sld [smem:$0x3FB5]  }
0x2f: {  	lr =	sadd.s32 s0, s3;
	s0 =	sld [smem:$0x3FAC]  }
0x30: {  	s3 =	sld [smem:$0x3FAF]  }
0x31: {  	[smem:$0x3FB8] =	sst s10  }
0x32: {  	s10 =	sld [smem:$0x3FB6];
	_ =	sdelay $0x3  }
0x33: {  	p0 =	seq.s32 s10, $0x1;
	s10 =	sld [smem:$0x3FB8];
	_ =	sdelay $0x3  }
0x34: {  	[smem:$0x3FB8] =	sst s10  }
0x35: {  	s10 =	sld [smem:$0x3FB7];
	_ =	sdelay $0x3  }
0x36: {  	p1 =	seq.s32 s10, $0x1;
	s10 =	sld [smem:$0x3FB8];
	_ =	sdelay $0x3  }
0x37: {  	[smem:$0x3FB8] =	sst s10  }
0x38: {  	s10 =	sld [smem:$0x3FB9]  }
0x39: {  	_ = 	snop;
	(pc) =	sbr.ind lr, $3  }
0x3a: {  	_ = 	snop  }
0x3b: {  	_ = 	snop  }
0x3c: {  	p2 =	seq.s32 s10, $0x1;
	s10 =	sld [smem:$0x3FB8]  }
0x3d: {  	_ =	shalt  }
0x3e: {  	_ =	shalt  }
0x3f: {  	_ =	shalt  }
0x40: {  	_ =	shalt  }
0x41: {  	_ =	shalt  }
0x42: {  	_ =	shalt  }
0x43: {  	_ =	shalt  }
0x44: {  	_ =	shalt  }
0x45: {  	_ =	shalt  }
0x46: {  	_ =	shalt  }
0x47: {  	_ =	shalt  }
0x48: {  	_ =	shalt  }
0x49: {  	_ =	shalt  }
0x4a: {  	_ =	shalt  }
0x4b: {  	_ =	shalt  }
0x4c: {  	_ =	shalt  }
0x4d: {  	_ =	shalt  }
0x4e: {  	_ =	shalt  }
0x4f: {  	_ =	shalt  }
0x50: {  	_ =	shalt  }
0x51: {  	_ =	shalt  }
0x52: {  	_ =	shalt  }
0x53: {  	_ =	shalt  }
0x54: {  	_ =	shalt  }
0x55: {  	_ =	shalt  }
0x56: {  	_ =	shalt  }
0x57: {  	_ =	shalt  }
0x58: {  	_ =	shalt  }
0x59: {  	_ =	shalt  }
0x5a: {  	_ =	shalt  }
0x5b: {  	_ =	shalt  }
0x5c: {  	_ =	shalt  }
0x5d: {  	_ =	shalt  }
0x5e: {  	_ =	shalt  }
0x5f: {  	_ =	shalt  }
0x60: {  	_ =	shalt  }
0x61: {  	_ =	shalt  }
0x62: {  	_ =	shalt  }
0x63: {  	_ =	shalt  }
0x64: {  	_ =	shalt  }
0x65: {  	_ =	shalt  }
0x66: {  	_ =	shalt  }
0x67: {  	_ =	shalt  }
0x68: {  	_ =	shalt  }
0x69: {  	_ =	shalt  }
0x6a: {  	_ =	shalt  }
0x6b: {  	_ =	shalt  }
0x6c: {  	_ =	shalt  }
0x6d: {  	_ =	shalt  }
0x6e: {  	_ =	shalt  }
0x6f: {  	_ =	shalt  }
0x70: {  	_ =	shalt  }
0x71: {  	_ =	shalt  }
0x72: {  	_ =	shalt  }
0x73: {  	_ =	shalt  }
0x74: {  	_ =	shalt  }
0x75: {  	_ =	shalt  }
0x76: {  	_ =	shalt  }
0x77: {  	_ =	shalt  }
0x78: {  	_ =	shalt  }
0x79: {  	_ =	shalt  }
0x7a: {  	_ =	shalt  }
0x7b: {  	_ =	shalt  }
0x7c: {  	_ =	shalt  }
0x7d: {  	_ =	shalt  }
0x7e: {  	_ =	shalt  }
0x7f: {  	_ =	shalt  }
0x80: {  	_ =	shalt  }
0x81: {  	_ =	shalt  }
0x82: {  	_ =	shalt  }
0x83: {  	_ =	shalt  }
0x84: {  	_ =	shalt  }
0x85: {  	_ =	shalt  }
0x86: {  	_ =	shalt  }
0x87: {  	_ =	shalt  }
.Lfunc_end0:
.L_simem_size_0:
called_computation.1_lowered:
.L_overlay_start_0:
0x88: {  	s2 =	sld [smem:$0x3FD9]  }
0x89: {  	s3 =	sld [smem:$0x3FFE];
	_ =	sdelay $0x1  }
0x8a: {  	s1 =	srdreg.scid  }
0x8b: {  	s0 =	sand.u32 $0x1, s1  }
0x8c: {  	s14 =	sshll.u32 s0, $0xA;
	s2 =	sadd.s32 s3, s2  }
0x8d: {  	s2 =	sadd.s32 s2, s14  }
0x8e: {  	[smem:$0x3FC4] =	sst s2  }
0x8f: {  	_ = 	snop  }
0x90: {  	s2 =	sld [smem:$0x3FD0];
	_ =	sdelay $0x2  }
0x91: {  	s15 =	simm.s32 $0xB;
	s4 =	simm.s32 $0x10  }
0x92: {  	[smem:s4], [sflag:s15] =	dma.local [hbm:s2], $0x1  }
0x93: {  	_ =	swait.eq [sflag:s15], $0x1  }
0x94: {  	[sflag:s15] =	ssyncset.done $0x0  }
0x95: {  	s16 =	sld [smem:$0x10];
	[sflag:s15] =	ssyncadd.s32 $0xFFFFFFFF  }
0x96: {  	s17 =	sld [smem:$0x11];
	(tm) =	ssettm $0x1  }
0x97: {  	s18 =	sld [smem:$0x3FFB];
	_ =	sdelay $0x3  }
0x98: {  	_ =	strace s18  }
0x99: {  	s4 =	sld [smem:$0x3FFC];
	_ =	sdelay $0x3  }
0x9a: {  	_ =	strace s4  }
0x9b: {  	s4 =	sld [smem:$0x3FFD];
	_ =	sdelay $0x3  }
0x9c: {  	_ =	strace s4  }
0x9d: {  	_ =	strace $0x8FFFFFFF  }
0x9e: {  	s19 =	sld [smem:$0x3FDB];
	_ =	sdelay $0x1  }
0x9f: {  	s5 =	simm.s32 $_scs_section_size  }
0xa0: {  	s6 =	simm.s32 $_size__tile_overlayer_lowered;
	s7 =	simm.s32 $_tile_overlayer_lowered  }
0xa1: {  	s22 =	simm.s32 $0x1BFF;
	s21 =	sshll.u32 s7, $0x1;
	s4 =	sadd.s32 s5, s19  }
0xa2: {  	s8 =	simm.s32 $0x0;
	s20 =	sshll.u32 s6, $0x1;
	s6 =	sadd.s32 s21, s4  }
0xa3: {  	[timem:s8], [sflag:s22] =	dma.local [hbm:s6], s20  }
0xa4: {  	_ =	swait.ge [sflag:s22], s20  }
0xa5: {  	s5 =	ssub.s32 $0x0, s20;
	[sflag:s22] =	ssyncset.done $0x0  }
0xa6: {  	[sflag:s22] =	ssyncadd.s32 s5;
	_ =	sdelay $0x1  }
0xa7: {  	s23 =	simm.s32 $0x1B8B  }
0xa8: {  	_ =	swait.ge [sflag:s23], $0x1  }
0xa9: {  	[sflag:s23] =	ssyncset.done $0x0  }
0xaa: {  	s25 =	simm.s32 $0x1B8E;
	s24 =	sld [smem:$0x3FFE];
	[sflag:s23] =	ssyncadd.s32 $0xFFFFFFFF  }
0xab: {  	s26 =	simm.s32 $execute0_lowered;
	[smem:$0x3FD2] =	sst s25  }
0xac: {  	s6 =	sshll.u32 s26, $0x1;
	_ =	strace $0x80000046;
	[dreg:$0x1] =	wrdreg $0xFFFFFFFF  }
0xad: {  	s28 =	simm.s32 $_size_execute0_lowered;
	s4 =	sadd.s32 s4, s6;
	[dreg:$0x0] =	wrdreg $0x0  }
0xae: {  	s6 =	sshll.u32 s28, $0x1;
	[dreg:$0x2] =	wrdreg s4  }
0xaf: {  	[dreg:$0x3] =	wrdreg s6  }
0xb0: {  	[dreg:$0x4] =	wrdreg $0xC0  }
0xb1: {  	_ =	task [dreg:s8], $0x5FFFF  }
0xb2: {  	[dreg:$0x1] =	wrdreg $0xFFFFFFFF  }
0xb3: {  	[dreg:$0x0] =	wrdreg $0x60  }
0xb4: {  	[dreg:$0x2] =	wrdreg s17  }
0xb5: {  	[dreg:$0x3] =	wrdreg s24  }
0xb6: {  	[dreg:$0x4] =	wrdreg s16  }
0xb7: {  	[dreg:$0x5] =	wrdreg $0xA  }
0xb8: {  	_ =	task.clear_ibuf [dreg:s8], $0x6FFFF;
	_ =	strace $0x90000046  }
0xb9: {  	s29 =	simm.s32 $0xA;
	_ =	strace $0x80000048  }
0xba: {  	_ =	swait.ge [sflag:s29], $0x1  }
0xbb: {  	[sflag:s29] =	ssyncadd.s32 $0xFFFFFFFF  }
0xbc: {  	_ =	strace $0x90000048  }
0xbd: {  	_ =	sfence  }
0xbe: {  	s30 =	sld [smem:$0x0];
	_ =	sdelay $0x2  }
0xbf: {  	s31 =	sshll.u32 s1, $0xD;
	s1 =	sshrl.u32 s1, $0x2  }
0xc0: {  	s3 =	sand.u32 $0x4000, s31;
	s1 =	sadd.s32 s1, s30  }
0xc1: {  	s0 =	sor.u32 s3, s0;
	s1 =	sshll.u32 s1, $0x11  }
0xc2: {  	s0 =	sor.u32 s1, s0  }
0xc3: {  	s0 =	sadd.s32 $0x8F2B, s0  }
0xc4: {  	[sflag:s0] =	ssyncadd.remote.s32 $0x1  }
0xc5: {  	_ =	sfence.sel $0xFFFF  }
0xc6: {  	[dreg:$0x0] =	wrdreg $0xFFFFFFFF;
	(pc) =	sbr.abs _section_cstart, $3  }
0xc7: {  	[dreg:$0x1] =	wrdreg $0xFFFFFFFF  }
0xc8: {  	_ =	task.clear_ibuf [dreg:s8], $0x2FFFF;
	_ =	strace $0x9FFFFFFF  }
0xc9: {  	(tm) =	ssettm $0x7FFFFFFF  }
tec
execute0_lowered:
.L_overlay_start_1:
0x0: {  	(tag) =	ssettag $0x1  }
0x1: {  	s1 =	rddreg [dreg:$0x0];
	s0 =	srdreg.scid  }
0x2: {  	s12 =	stileid.u32;
	s2 =	rddreg [dreg:$0x1]  }
0x3: {  	s5 =	rddreg [dreg:$0x2];
	s13 =	simm.s32 $0x200;
	s14 =	simm.s32 $0xA00  }
0x4: {  	s15 =	simm.s32 $0x80;
	s16 =	simm.s32 $0x1200;
	s17 =	simm.s32 $0xC0  }
0x5: {  	s18 =	simm.s32 $0x1A00;
	s19 =	simm.s32 $0x3;
	s8 =	smul.u32 $0x640, s12  }
0x6: {  	s20 =	simm.s32 $0x20;
	s21 =	simm.s32 $0x2;
	s10 =	smul.u32 $0x190, s12  }
0x7: {  	s28 =	simm.s32 $0x3200;
	s0 =	sand.u32 $0x1, s0;
	s24 =	smul.u32 $0xC800, s12  }
0x8: {  	s29 =	simm.s32 $0x1C0;
	s3 =	sshll.u32 s12, $0x1;
	s9 =	smul.u32 $0x320, s0  }
0x9: {  	s30 =	simm.s32 $0x3A00;
	s4 =	sor.u32 s0, s3;
	s23 =	smul.u32 $0xC8, s0  }
0xa: {  	s3 =	simm.s32 $0x0;
	s22 =	ssub.s32 $0x2, s0;
	s0 =	smul.u32 $0x6400, s0  }
0xb: {  	s12 =	simm.s32 $0x1;
	s6 =	smul.u32 $0x1900, s4;
	[smem:$0x7FF] =	sst s3  }
0xc: {  	s7 =	smul.u32 $0x240, s4;
	s4 =	sadd.s32 $0xC00, s2;
	s11 =	sshrl.u32 s22, $0x1  }
0xd: {  	s31 =	sadd.s32 s24, s5;
	s24 =	simm.s32 $0x140;
	s5 =	simm.s32 $0x0  }
0xe: {  	_ =	strace $0x80000047;
	s2 =	ssub.s32 s22, s11;
	s25 =	sadd.s32 s9, s8  }
0xf: {  	s26 =	sadd.s32 s23, s10;
	s9 =	sadd.s32 s0, s31;
	s10 =	simm.s32 $0x40  }
.Ltmp0:
0x10: {  	s6 =	sand.u32 $0x3F000, s6;
	s7 =	sand.u32 $0x3C0, s7;
	(pc) =	sbr.rel .LBB2_1-.Ltmp0, $4  }
0x11: {  	s11 =	simm.s32 $0x400;
	[dreg:$0x6] =	wrdreg s25;
	s6 =	sor.u32 s7, s6  }
0x12: {  	s2 =	smax.u32 s2, $0x1;
	[dreg:$0x7] =	wrdreg s26;
	s6 =	sshrl.u32 s6, $0x3  }
0x13: {  	s23 =	simm.s32 $0x2200;
	[dreg:$0x5] =	wrdreg s2;
	s6 =	sadd.s32 s1, s6  }
0x14: {  	s25 =	simm.s32 $0x2A00;
	s26 =	simm.s32 $0x180;
	[dreg:$0x4] =	wrdreg s6  }
.LBB2_5:
0x15: {  	s0 =	simm.s32 $0x4  }
0x16: {  	_ =	swait.ge [sflag:s0], $0x800  }
0x17: {  	[sflag:s0] =	ssyncset.done $0x0  }
0x18: {  	[sflag:s0] =	ssyncadd.s32 $0xFFFFF800  }
0x19: {  	_ =	swait.ge [sflag:s0], $0x800  }
0x1a: {  	[sflag:s0] =	ssyncset.done $0x0  }
0x1b: {  	[sflag:s0] =	ssyncadd.s32 $0xFFFFF800  }
0x1c: {  	_ =	swait.ge [sflag:s0], $0x800  }
0x1d: {  	[sflag:s0] =	ssyncset.done $0x0  }
0x1e: {  	[sflag:s0] =	ssyncadd.s32 $0xFFFFF800  }
0x1f: {  	_ =	swait.ge [sflag:s0], $0x800  }
0x20: {  	[sflag:s0] =	ssyncset.done $0x0  }
0x21: {  	s2 =	simm.s32 $0x5;
	[sflag:s0] =	ssyncadd.s32 $0xFFFFF800  }
0x22: {  	_ =	swait.ge [sflag:s2], $0x800  }
0x23: {  	[sflag:s2] =	ssyncset.done $0x0  }
0x24: {  	[sflag:s2] =	ssyncadd.s32 $0xFFFFF800  }
0x25: {  	_ =	swait.ge [sflag:s2], $0x800  }
0x26: {  	[sflag:s2] =	ssyncset.done $0x0  }
0x27: {  	[sflag:s2] =	ssyncadd.s32 $0xFFFFF800  }
0x28: {  	_ =	swait.ge [sflag:s2], $0x800  }
0x29: {  	[sflag:s2] =	ssyncset.done $0x0  }
0x2a: {  	[sflag:s2] =	ssyncadd.s32 $0xFFFFF800  }
0x2b: {  	_ =	swait.ge [sflag:s2], $0x800  }
0x2c: {  	s5 =	rddreg [dreg:$0x8]  }
0x2d: {  	s31 =	rddreg [dreg:$0x5];
	s5 =	sadd.s32 $0x1, s5  }
0x2e: {  	p0 =	sne.s32 s5, s31  }
.Ltmp1:
0x2f: {  	_ = 	snop;
	(pc) =	sbr.rel @!p0 .LBB2_6-.Ltmp1, $3  }
0x30: {  	_ =	sdelay $0x1  }
0x31: {  	[sflag:s2] =	ssyncset.done $0x0  }
0x32: {  	[sflag:s2] =	ssyncadd.s32 $0xFFFFF800  }
.LBB2_1:
.Ltmp2:
0x33: {  	[dreg:$0x8] =	wrdreg s5;
	(pc) =	sbr.rel .LBB2_2-.Ltmp2, $4  }
0x34: {  	s0 =	rddreg [dreg:$0x4]  }
0x35: {  	s8 =	rddreg [dreg:$0x7]  }
0x36: {  	s5 =	simm.s32 $0x1;
	s7 =	rddreg [dreg:$0x6];
	s6 =	simm.s32 $0x0  }
0x37: {  	[tilespmem:s3], [sflag:$0x1] =	stream.strided.gather [hbm4b:s0+s10], $0x100, s11, s10, $0x38;
	[tilespmem:$0x4200] =	vst v63  }
.LBB2_4:
0x38: {  	s6 =	sadd.s32 $0x800, s6  }
0x39: {  	p0 =	sne.s32 s6, $0x6800  }
.Ltmp3:
0x3a: {  	_ = 	snop;
	(pc) =	sbr.rel @!p0 .LBB2_5-.Ltmp3, $2  }
0x3b: {  	_ =	sdelay $0x2  }
0x3c: {  	s5 =	sadd.s32 $0x2, s5;
	s8 =	smov.u32 s0;
	s7 =	smov.u32 s2  }
.LBB2_2:
0x3d: {  	p1 =	sgt.u32 s5, $0x18  }
0x3e: {  	s0 =	sadd.s32 @!p1 $0x8, s8  }
0x3f: {  	s2 =	sadd.s32 @!p1 $0x20, s7;
	s0 =	sand.u32 @!p1 $0x78, s0  }
0x40: {  	s31 =	simm.s32 @!p1 $0x400;
	s2 =	sand.u32 @!p1 $0xFFFFE00, s2;
	s0 =	sadd.s32 @!p1 s1, s0  }
0x41: {  	s22 =	simm.s32 @!p1 $0x100;
	s0 =	sadd.s32 @!p1 s2, s0;
	s2 =	simm.s32 @!p1 $0x40  }
0x42: {  	[tilespmem:s22], [sflag:$0x2] =	stream.strided.gather @!p1 [hbm4b:s0+s2], $0x100, s31, s2, $0x38;
	[tilespmem:$0x4200] =	vst v63  }
0x43: {  	_ =	swait.ge [sflag:s12], $0x100  }
0x44: {  	p0 =	seq.s32 s6, $0x0;
	[sflag:s12] =	ssyncset.done $0x0  }
0x45: {  	s0 =	simm.s32 @!p0 $0x4;
	[sflag:s12] =	ssyncadd.s32 $0xFFFFFF00  }
0x46: {  	_ =	swait.ge @!p0 [sflag:s0], $0x800  }
0x47: {  	[sflag:s0] =	ssyncset.done @!p0 $0x0  }
0x48: {  	[sflag:s0] =	ssyncadd.s32 @!p0 $0xFFFFF800  }
0x49: {  	_ =	swait.ge @!p0 [sflag:s0], $0x800  }
0x4a: {  	[sflag:s0] =	ssyncset.done @!p0 $0x0  }
0x4b: {  	[sflag:s0] =	ssyncadd.s32 @!p0 $0xFFFFF800  }
0x4c: {  	_ =	swait.ge @!p0 [sflag:s0], $0x800  }
0x4d: {  	[sflag:s0] =	ssyncset.done @!p0 $0x0  }
0x4e: {  	[sflag:s0] =	ssyncadd.s32 @!p0 $0xFFFFF800  }
0x4f: {  	_ =	swait.ge @!p0 [sflag:s0], $0x800  }
0x50: {  	[sflag:s0] =	ssyncset.done @!p0 $0x0  }
0x51: {  	[sflag:s0] =	ssyncadd.s32 @!p0 $0xFFFFF800  }
0x52: {  	[tilespmem:s13], [sflag:$0x3] =	stream.indirect.gather [hbm4b:s4+s10], $0x20, s3, s10, $0xb8;
	[tilespmem:$0x4200] =	vst v63  }
0x53: {  	_ = 	snop  }
0x54: {  	[tilespmem:s14], [sflag:$0x3] =	stream.indirect.gather [hbm4b:s4+s10], $0x20, s10, s10, $0xb8;
	[tilespmem:$0x4200] =	vst v63  }
0x55: {  	_ = 	snop  }
0x56: {  	[tilespmem:s16], [sflag:$0x3] =	stream.indirect.gather [hbm4b:s4+s10], $0x20, s15, s10, $0xb8;
	[tilespmem:$0x4200] =	vst v63  }
0x57: {  	_ = 	snop  }
0x58: {  	[tilespmem:s18], [sflag:$0x3] =	stream.indirect.gather [hbm4b:s4+s10], $0x20, s17, s10, $0xb8;
	[tilespmem:$0x4200] =	vst v63  }
0x59: {  	_ =	swait.ge [sflag:s19], $0x800  }
0x5a: {  	[sflag:s19] =	ssyncset.done $0x0  }
0x5b: {  	[sflag:s19] =	ssyncadd.s32 $0xFFFFF800  }
0x5c: {  	_ =	swait.ge [sflag:s19], $0x800  }
0x5d: {  	[sflag:s19] =	ssyncset.done $0x0  }
0x5e: {  	[sflag:s19] =	ssyncadd.s32 $0xFFFFF800  }
0x5f: {  	_ =	swait.ge [sflag:s19], $0x800  }
0x60: {  	[sflag:s19] =	ssyncset.done $0x0  }
0x61: {  	[sflag:s19] =	ssyncadd.s32 $0xFFFFF800  }
0x62: {  	_ =	swait.ge [sflag:s19], $0x800  }
0x63: {  	[sflag:s19] =	ssyncset.done $0x0  }
0x64: {  	s31 =	sadd.s32 s6, s9;
	[sflag:s19] =	ssyncadd.s32 $0xFFFFF800  }
0x65: {  	[hbm4b:s31+s20] =	stream.strided.scatter [tilespmem:s13], [sflag:$0x4], $0x800, s15, s20, $0x38;
	[tilespmem:$0x4200] =	vst v63  }
0x66: {  	s22 =	sadd.s32 $0x4, s31  }
0x67: {  	[hbm4b:s22+s20] =	stream.strided.scatter [tilespmem:s14], [sflag:$0x4], $0x800, s15, s20, $0x38;
	[tilespmem:$0x4200] =	vst v63  }
.Ltmp4:
0x68: {  	_ = 	snop;
	(pc) =	sbr.rel @p1 .LBB2_4-.Ltmp4, $4  }
0x69: {  	s2 =	sadd.s32 $0x8, s31  }
0x6a: {  	[hbm4b:s2+s20] =	stream.strided.scatter [tilespmem:s16], [sflag:$0x4], $0x800, s15, s20, $0x38;
	[tilespmem:$0x4200] =	vst v63  }
0x6b: {  	s0 =	sadd.s32 $0x10, s8;
	s22 =	sadd.s32 $0xC, s31;
	s2 =	sadd.s32 $0x40, s7  }
0x6c: {  	[hbm4b:s22+s20] =	stream.strided.scatter [tilespmem:s18], [sflag:$0x4], $0x800, s15, s20, $0x38;
	[tilespmem:$0x4200] =	vst v63  }
0x6d: {  	s8 =	sadd.s32 $0x10, s8  }
0x6e: {  	s7 =	sadd.s32 $0x40, s7;
	s8 =	sand.u32 $0x78, s8  }
0x6f: {  	s7 =	sand.u32 $0xFFFFE00, s7;
	s8 =	sadd.s32 s1, s8  }
0x70: {  	s7 =	sadd.s32 s7, s8  }
0x71: {  	[tilespmem:s3], [sflag:$0x1] =	stream.strided.gather [hbm4b:s7+s10], $0x100, s11, s10, $0x38;
	[tilespmem:$0x4200] =	vst v63  }
0x72: {  	_ =	swait.ge [sflag:s21], $0x100  }
0x73: {  	[sflag:s21] =	ssyncset.done $0x0  }
0x74: {  	s7 =	simm.s32 @!p0 $0x5;
	[sflag:s21] =	ssyncadd.s32 $0xFFFFFF00  }
0x75: {  	_ =	swait.ge @!p0 [sflag:s7], $0x800  }
0x76: {  	[sflag:s7] =	ssyncset.done @!p0 $0x0  }
0x77: {  	[sflag:s7] =	ssyncadd.s32 @!p0 $0xFFFFF800  }
0x78: {  	_ =	swait.ge @!p0 [sflag:s7], $0x800  }
0x79: {  	[sflag:s7] =	ssyncset.done @!p0 $0x0  }
0x7a: {  	[sflag:s7] =	ssyncadd.s32 @!p0 $0xFFFFF800  }
0x7b: {  	_ =	swait.ge @!p0 [sflag:s7], $0x800  }
0x7c: {  	[sflag:s7] =	ssyncset.done @!p0 $0x0  }
0x7d: {  	[sflag:s7] =	ssyncadd.s32 @!p0 $0xFFFFF800  }
0x7e: {  	_ =	swait.ge @!p0 [sflag:s7], $0x800  }
0x7f: {  	[sflag:s7] =	ssyncset.done @!p0 $0x0  }
0x80: {  	s8 =	simm.s32 $0x100;
	[sflag:s7] =	ssyncadd.s32 @!p0 $0xFFFFF800  }
0x81: {  	[tilespmem:s23], [sflag:$0x3] =	stream.indirect.gather [hbm4b:s4+s10], $0x20, s8, s10, $0xb8;
	[tilespmem:$0x4200] =	vst v63  }
0x82: {  	_ = 	snop  }
0x83: {  	[tilespmem:s25], [sflag:$0x3] =	stream.indirect.gather [hbm4b:s4+s10], $0x20, s24, s10, $0xb8;
	[tilespmem:$0x4200] =	vst v63  }
0x84: {  	_ = 	snop  }
0x85: {  	[tilespmem:s28], [sflag:$0x3] =	stream.indirect.gather [hbm4b:s4+s10], $0x20, s26, s10, $0xb8;
	[tilespmem:$0x4200] =	vst v63  }
0x86: {  	_ = 	snop  }
0x87: {  	[tilespmem:s30], [sflag:$0x3] =	stream.indirect.gather [hbm4b:s4+s10], $0x20, s29, s10, $0xb8;
	[tilespmem:$0x4200] =	vst v63  }
0x88: {  	_ =	swait.ge [sflag:s19], $0x800  }
0x89: {  	[sflag:s19] =	ssyncset.done $0x0  }
0x8a: {  	[sflag:s19] =	ssyncadd.s32 $0xFFFFF800  }
0x8b: {  	_ =	swait.ge [sflag:s19], $0x800  }
0x8c: {  	[sflag:s19] =	ssyncset.done $0x0  }
0x8d: {  	[sflag:s19] =	ssyncadd.s32 $0xFFFFF800  }
0x8e: {  	_ =	swait.ge [sflag:s19], $0x800  }
0x8f: {  	[sflag:s19] =	ssyncset.done $0x0  }
0x90: {  	[sflag:s19] =	ssyncadd.s32 $0xFFFFF800  }
0x91: {  	_ =	swait.ge [sflag:s19], $0x800  }
0x92: {  	[sflag:s19] =	ssyncset.done $0x0  }
0x93: {  	s22 =	sadd.s32 $0x400, s31;
	[sflag:s19] =	ssyncadd.s32 $0xFFFFF800  }
0x94: {  	[hbm4b:s22+s20] =	stream.strided.scatter [tilespmem:s23], [sflag:$0x5], $0x800, s15, s20, $0x38;
	[tilespmem:$0x4200] =	vst v63  }
0x95: {  	s8 =	sadd.s32 $0x404, s31  }
0x96: {  	[hbm4b:s8+s20] =	stream.strided.scatter [tilespmem:s25], [sflag:$0x5], $0x800, s15, s20, $0x38;
	[tilespmem:$0x4200] =	vst v63  }
.Ltmp5:
0x97: {  	_ = 	snop;
	(pc) =	sbr.rel .LBB2_4-.Ltmp5, $4  }
0x98: {  	s22 =	sadd.s32 $0x408, s31  }
0x99: {  	[hbm4b:s22+s20] =	stream.strided.scatter [tilespmem:s28], [sflag:$0x5], $0x800, s15, s20, $0x38;
	[tilespmem:$0x4200] =	vst v63  }
0x9a: {  	s31 =	sadd.s32 $0x40C, s31  }
0x9b: {  	[hbm4b:s31+s20] =	stream.strided.scatter [tilespmem:s30], [sflag:$0x5], $0x800, s15, s20, $0x38;
	[tilespmem:$0x4200] =	vst v63  }
.LBB2_6:
0x9c: {  	_ =	sfence.sel $0x180000  }
0x9d: {  	[bflag:$0x0] =	sbarrier.arrive $0xFFFF  }
0x9e: {  	_ =	strace $0x90000047  }
0x9f: {  	s0 =	stileid.u32;
	[bflag:$0x2] =	sbarrier.arrive $0xFFFF  }
0xa0: {  	p0 =	sne.s32 s0, $0x0;
	s0 =	rddreg [dreg:$0x3]  }
0xa1: {  	s0 =	sadd.s32 @!p0 $0x100000, s0  }
0xa2: {  	[sflag:s0] =	ssyncadd.tile.s32 @!p0 $0x1;
	_ =	shalt  }
.Lfunc_end2:
_tile_overlayer_lowered:
.L_overlay_start_2:
0xa3: {  	(tag) =	ssettag $0x2  }
0xa4: {  	s0 =	rddreg [dreg:$0x0];
	s2 =	stileid.u32  }
0xa5: {  	s1 =	rddreg [dreg:$0x1];
	p0 =	sne.s32 s2, $0x0  }
0xa6: {  	s3 =	rddreg [dreg:$0x2];
	[bflag:$0x3] =	sbarrier.arrive $0xFFFF;
	s2 =	simm.s32 @!p0 $0x1C06  }
0xa7: {  	[timem:s3], [sflag:s2] =	dma.local @!p0 [hbm:s0], s1  }
0xa8: {  	s0 =	simm.s32 @!p0 $0x6  }
0xa9: {  	_ =	swait.ge @!p0 [sflag:s0], s1  }
0xaa: {  	s1 =	ssub.s32 @!p0 $0x0, s1;
	[sflag:s0] =	ssyncset.done @!p0 $0x0  }
0xab: {  	[sflag:s0] =	ssyncadd.s32 @!p0 s1  }
0xac: {  	[bflag:$0x3] =	sbarrier.arrive $0xFFFF  }
0xad: {  	_ =	shalt  }

// kernel: kernel.7.cloned.1.call-start
scs
__scs_entry_jumppad:
0x0: {  	(pc) =	sbr.rel $0x88, $3  }
0x1: {  	(tag) =	ssettag $0x0;
	lr =	simm.s32 $0x1  }
0x2: {  	[smem:$0x3F9D] =	sst lr;
	_ =	strace $0xD0000000  }
0x3: {  	_ = 	snop  }
0x4: {  	_ = 	snop  }
0x5: {  	_ = 	snop  }
0x6: {  	_ = 	snop  }
0x7: {  	_ = 	snop  }
__scs_overlays_trampoline_lowered:
0x8: {  	[smem:$0x3FAC] =	sst s0  }
0x9: {  	[smem:$0x3FAD] =	sst s1  }
0xa: {  	[smem:$0x3FAE] =	sst s2  }
0xb: {  	[smem:$0x3FAF] =	sst s3  }
0xc: {  	[smem:$0x3FB0] =	sst s4  }
0xd: {  	[smem:$0x3FB1] =	sst s5  }
0xe: {  	[smem:$0x3FB2] =	sst s6  }
0xf: {  	[smem:$0x3FB3] =	sst s7  }
0x10: {  	[smem:$0x3FB4] =	sst s8  }
0x11: {  	[smem:$0x3FB5] =	sst s9;
	s0 =	simm.s32 @!p0 $0x0  }
0x12: {  	s1 =	sld [smem:$0x3F9B];
	s0 =	simm.s32 @p0 $0x1  }
0x13: {  	[smem:$0x3FB6] =	sst s0;
	s0 =	simm.s32 @!p1 $0x0  }
0x14: {  	s2 =	sld [smem:$0x3F9A];
	s0 =	simm.s32 @p1 $0x1  }
0x15: {  	[smem:$0x3FB7] =	sst s0;
	s0 =	simm.s32 @!p2 $0x0  }
0x16: {  	s3 =	sld [smem:$0x3FDB];
	s0 =	simm.s32 @p2 $0x1  }
0x17: {  	s4 =	simm.s32 $0x1BF5;
	[smem:$0x3FB9] =	sst s0  }
0x18: {  	s0 =	sld [smem:$0x3F9C];
	_ =	swait.ge [sflag:s4], $0x0  }
0x19: {  	s7 =	sld [smem:$0x3F9D]  }
0x1a: {  	s8 =	sadd.s32 $0xFFFFE003, lr  }
0x1b: {  	s9 =	sadd.s32 $0xFFFFFEF7, lr;
	s5 =	simm.s32 $0xFFFFFFFF;
	p2 =	slt.u32 s8, $0xFFFFF086  }
0x1c: {  	p1 =	slt.u32 s9, $0xF7A;
	s5 =	simm.s32 @!p2 $0x0  }
0x1d: {  	s5 =	simm.s32 @p1 $0x1;
	p0 =	seq.s32 s7, s2  }
0x1e: {  	s7 =	smul.u32 @!p0 $0xF7A, s2;
	p2 =	seq.s32 @!p0 s5, $0x0  }
0x1f: {  	s9 =	smul.u32 $0xF7A, s1;
	s8 =	simm.s32 @!p0 $0x1BF5;
	p2 =	por !p2, p0  }
0x20: {  	[sflag:s8] =	ssyncset.s32 @!p0 $0xFFFFF086;
	s6 =	sadd.s32 @!p0 s3, s7;
	s7 =	simm.s32 @!p0 $0x108  }
0x21: {  	s3 =	sadd.s32 s3, s9;
	s6 =	sadd.s32 @!p0 $0x88, s6;
	s7 =	simm.s32 @p2 $0x1082  }
0x22: {  	[simem:s7], [sflag:s8] =	dma.local @!p0 [hbm:s6], $0xF7A  }
0x23: {  	s9 =	sor.u32 $0xD0000000, s2;
	s6 =	simm.s32 $0x108;
	_ =	swait.ge @!p0 [sflag:s8], $0x0  }
0x24: {  	s3 =	sadd.s32 $0x88, s3;
	s6 =	simm.s32 @!p1 $0x1082;
	[sflag:s4] =	ssyncset.s32 $0xFFFFF086  }
0x25: {  	[simem:s6], [sflag:s4] =	dma.local [hbm:s3], $0xF7A  }
0x26: {  	[smem:$0x3F9D] =	sst s1;
	(tag) =	ssettag s2;
	_ =	strace s9  }
0x27: {  	s1 =	sld [smem:$0x3FAD]  }
0x28: {  	s2 =	sld [smem:$0x3FAE]  }
0x29: {  	s4 =	sld [smem:$0x3FB0]  }
0x2a: {  	p0 =	seq.s32 s5, $0x0;
	s5 =	sld [smem:$0x3FB1]  }
0x2b: {  	s6 =	sld [smem:$0x3FB2]  }
0x2c: {  	s7 =	sld [smem:$0x3FB3]  }
0x2d: {  	s3 =	simm.s32 $0x108;
	s8 =	sld [smem:$0x3FB4]  }
0x2e: {  	s3 =	simm.s32 @!p0 $0x1082;
	s9 =	sld [smem:$0x3FB5]  }
0x2f: {  	lr =	sadd.s32 s0, s3;
	s0 =	sld [smem:$0x3FAC]  }
0x30: {  	s3 =	sld [smem:$0x3FAF]  }
0x31: {  	[smem:$0x3FB8] =	sst s10  }
0x32: {  	s10 =	sld [smem:$0x3FB6];
	_ =	sdelay $0x3  }
0x33: {  	p0 =	seq.s32 s10, $0x1;
	s10 =	sld [smem:$0x3FB8];
	_ =	sdelay $0x3  }
0x34: {  	[smem:$0x3FB8] =	sst s10  }
0x35: {  	s10 =	sld [smem:$0x3FB7];
	_ =	sdelay $0x3  }
0x36: {  	p1 =	seq.s32 s10, $0x1;
	s10 =	sld [smem:$0x3FB8];
	_ =	sdelay $0x3  }
0x37: {  	[smem:$0x3FB8] =	sst s10  }
0x38: {  	s10 =	sld [smem:$0x3FB9]  }
0x39: {  	_ = 	snop;
	(pc) =	sbr.ind lr, $3  }
0x3a: {  	_ = 	snop  }
0x3b: {  	_ = 	snop  }
0x3c: {  	p2 =	seq.s32 s10, $0x1;
	s10 =	sld [smem:$0x3FB8]  }
0x3d: {  	_ =	shalt  }
0x3e: {  	_ =	shalt  }
0x3f: {  	_ =	shalt  }
0x40: {  	_ =	shalt  }
0x41: {  	_ =	shalt  }
0x42: {  	_ =	shalt  }
0x43: {  	_ =	shalt  }
0x44: {  	_ =	shalt  }
0x45: {  	_ =	shalt  }
0x46: {  	_ =	shalt  }
0x47: {  	_ =	shalt  }
0x48: {  	_ =	shalt  }
0x49: {  	_ =	shalt  }
0x4a: {  	_ =	shalt  }
0x4b: {  	_ =	shalt  }
0x4c: {  	_ =	shalt  }
0x4d: {  	_ =	shalt  }
0x4e: {  	_ =	shalt  }
0x4f: {  	_ =	shalt  }
0x50: {  	_ =	shalt  }
0x51: {  	_ =	shalt  }
0x52: {  	_ =	shalt  }
0x53: {  	_ =	shalt  }
0x54: {  	_ =	shalt  }
0x55: {  	_ =	shalt  }
0x56: {  	_ =	shalt  }
0x57: {  	_ =	shalt  }
0x58: {  	_ =	shalt  }
0x59: {  	_ =	shalt  }
0x5a: {  	_ =	shalt  }
0x5b: {  	_ =	shalt  }
0x5c: {  	_ =	shalt  }
0x5d: {  	_ =	shalt  }
0x5e: {  	_ =	shalt  }
0x5f: {  	_ =	shalt  }
0x60: {  	_ =	shalt  }
0x61: {  	_ =	shalt  }
0x62: {  	_ =	shalt  }
0x63: {  	_ =	shalt  }
0x64: {  	_ =	shalt  }
0x65: {  	_ =	shalt  }
0x66: {  	_ =	shalt  }
0x67: {  	_ =	shalt  }
0x68: {  	_ =	shalt  }
0x69: {  	_ =	shalt  }
0x6a: {  	_ =	shalt  }
0x6b: {  	_ =	shalt  }
0x6c: {  	_ =	shalt  }
0x6d: {  	_ =	shalt  }
0x6e: {  	_ =	shalt  }
0x6f: {  	_ =	shalt  }
0x70: {  	_ =	shalt  }
0x71: {  	_ =	shalt  }
0x72: {  	_ =	shalt  }
0x73: {  	_ =	shalt  }
0x74: {  	_ =	shalt  }
0x75: {  	_ =	shalt  }
0x76: {  	_ =	shalt  }
0x77: {  	_ =	shalt  }
0x78: {  	_ =	shalt  }
0x79: {  	_ =	shalt  }
0x7a: {  	_ =	shalt  }
0x7b: {  	_ =	shalt  }
0x7c: {  	_ =	shalt  }
0x7d: {  	_ =	shalt  }
0x7e: {  	_ =	shalt  }
0x7f: {  	_ =	shalt  }
0x80: {  	_ =	shalt  }
0x81: {  	_ =	shalt  }
0x82: {  	_ =	shalt  }
0x83: {  	_ =	shalt  }
0x84: {  	_ =	shalt  }
0x85: {  	_ =	shalt  }
0x86: {  	_ =	shalt  }
0x87: {  	_ =	shalt  }
.Lfunc_end0:
.L_simem_size_0:
called_computation_lowered:
.L_overlay_start_0:
0x88: {  	s2 =	sld [smem:$0x3FD9]  }
0x89: {  	s3 =	sld [smem:$0x3FFE];
	_ =	sdelay $0x1  }
0x8a: {  	s1 =	srdreg.scid  }
0x8b: {  	s0 =	sand.u32 $0x1, s1  }
0x8c: {  	s17 =	sshll.u32 s0, $0xA;
	s2 =	sadd.s32 s3, s2  }
0x8d: {  	s2 =	sadd.s32 s2, s17  }
0x8e: {  	[smem:$0x3FC4] =	sst s2  }
0x8f: {  	_ = 	snop  }
0x90: {  	(tm) =	ssettm $0x1  }
0x91: {  	s18 =	sld [smem:$0x3FFB];
	_ =	sdelay $0x3  }
0x92: {  	_ =	strace s18  }
0x93: {  	s2 =	sld [smem:$0x3FFC];
	_ =	sdelay $0x3  }
0x94: {  	_ =	strace s2  }
0x95: {  	s2 =	sld [smem:$0x3FFD];
	_ =	sdelay $0x3  }
0x96: {  	_ =	strace s2  }
0x97: {  	_ =	strace $0x8FFFFFFF  }
0x98: {  	s19 =	sld [smem:$0x3FDB];
	_ =	sdelay $0x1  }
0x99: {  	s20 =	simm.s32 $_scs_section_size  }
0x9a: {  	s4 =	simm.s32 $_size__tile_overlayer_lowered;
	s5 =	simm.s32 $_tile_overlayer_lowered  }
0x9b: {  	s6 =	simm.s32 $0x1BFF;
	s21 =	sshll.u32 s5, $0x1;
	s3 =	sadd.s32 s20, s19  }
0x9c: {  	s22 =	simm.s32 $0x0;
	s4 =	sshll.u32 s4, $0x1;
	s5 =	sadd.s32 s21, s3  }
0x9d: {  	[timem:s22], [sflag:s6] =	dma.local [hbm:s5], s4  }
0x9e: {  	_ =	swait.ge [sflag:s6], s4  }
0x9f: {  	s4 =	ssub.s32 $0x0, s4;
	[sflag:s6] =	ssyncset.done $0x0  }
0xa0: {  	[sflag:s6] =	ssyncadd.s32 s4;
	_ =	sdelay $0x1  }
0xa1: {  	s23 =	simm.s32 $0x1B8B  }
0xa2: {  	_ =	swait.ge [sflag:s23], $0x1  }
0xa3: {  	[sflag:s23] =	ssyncset.done $0x0  }
0xa4: {  	[sflag:s23] =	ssyncadd.s32 $0xFFFFFFFF  }
0xa5: {  	s4 =	sld [smem:$0x0]  }
0xa6: {  	s5 =	sand.u32 $0xFFFFFFFE, s1  }
0xa7: {  	p0 =	sne.s32 s1, s5  }
0xa8: {  	s5 =	sshll.u32 @p0 s5, $0xE  }
0xa9: {  	s5 =	sadd.s32 @p0 $0x11B8D, s5;
	s6 =	sshll.u32 @p0 s4, $0x11  }
0xaa: {  	s5 =	sor.u32 @p0 s6, s5  }
0xab: {  	[sflag:s5] =	ssyncadd.remote.s32 @p0 $0x1;
	_ =	sdelay $0x1  }
0xac: {  	s5 =	simm.s32 @p0 $0x1B8D  }
0xad: {  	_ =	swait.eq @p0 [sflag:s5], $0x1  }
0xae: {  	[sflag:s5] =	ssyncadd.s32 @p0 $0xFFFFFFFF  }
0xaf: {  	s6 =	sshll.u32 @!p0 s1, $0xE  }
0xb0: {  	s6 =	sor.u32 @!p0 $0x4000, s6;
	s5 =	simm.s32 @!p0 $0x1B8D  }
0xb1: {  	s4 =	sshll.u32 @!p0 s4, $0x11;
	s6 =	sadd.s32 @!p0 $0x11B8D, s6;
	_ =	swait.eq @!p0 [sflag:s5], $0x1  }
0xb2: {  	s4 =	sor.u32 @!p0 s4, s6;
	[sflag:s5] =	ssyncadd.s32 @!p0 $0xFFFFFFFF  }
0xb3: {  	s25 =	simm.s32 $0x1B8E;
	s24 =	sld [smem:$0x3FFE];
	[sflag:s4] =	ssyncadd.remote.s32 @!p0 $0x1  }
0xb4: {  	s26 =	simm.s32 $execute0_lowered;
	[smem:$0x3FD2] =	sst s25  }
0xb5: {  	s5 =	sshll.u32 s26, $0x1;
	_ =	strace $0x80000049;
	[dreg:$0x1] =	wrdreg $0xFFFFFFFF  }
0xb6: {  	s28 =	simm.s32 $_size_execute0_lowered;
	s3 =	sadd.s32 s3, s5;
	[dreg:$0x0] =	wrdreg $0x0  }
0xb7: {  	s5 =	sshll.u32 s28, $0x1;
	[dreg:$0x2] =	wrdreg s3  }
0xb8: {  	[dreg:$0x3] =	wrdreg s5  }
0xb9: {  	[dreg:$0x4] =	wrdreg $0xC0  }
0xba: {  	_ =	task [dreg:s22], $0x5FFFF  }
0xbb: {  	[dreg:$0x1] =	wrdreg $0xFFFFFFFF  }
0xbc: {  	[dreg:$0x0] =	wrdreg $0x60  }
0xbd: {  	[dreg:$0x2] =	wrdreg s24  }
0xbe: {  	[dreg:$0x3] =	wrdreg $0x9  }
0xbf: {  	_ =	task.clear_ibuf [dreg:s22], $0x4FFFF;
	_ =	strace $0x90000049  }
0xc0: {  	s29 =	simm.s32 $0x9;
	_ =	strace $0x8000004B  }
0xc1: {  	_ =	swait.ge [sflag:s29], $0x1  }
0xc2: {  	[sflag:s29] =	ssyncadd.s32 $0xFFFFFFFF  }
0xc3: {  	_ =	strace $0x9000004B  }
0xc4: {  	_ =	sfence  }
0xc5: {  	s30 =	sld [smem:$0x0];
	_ =	sdelay $0x2  }
0xc6: {  	s31 =	sshll.u32 s1, $0xD;
	s1 =	sshrl.u32 s1, $0x2  }
0xc7: {  	s4 =	sand.u32 $0x4000, s31;
	s1 =	sadd.s32 s1, s30  }
0xc8: {  	s0 =	sor.u32 s4, s0;
	s1 =	sshll.u32 s1, $0x11  }
0xc9: {  	s0 =	sor.u32 s1, s0  }
0xca: {  	s0 =	sadd.s32 $0x8F2B, s0  }
0xcb: {  	[sflag:s0] =	ssyncadd.remote.s32 $0x1  }
0xcc: {  	_ =	sfence.sel $0xFFFF  }
0xcd: {  	[dreg:$0x0] =	wrdreg $0xFFFFFFFF;
	(pc) =	sbr.abs _section_cstart, $3  }
0xce: {  	[dreg:$0x1] =	wrdreg $0xFFFFFFFF  }
0xcf: {  	_ =	task.clear_ibuf [dreg:s22], $0x2FFFF;
	_ =	strace $0x9FFFFFFF  }
0xd0: {  	(tm) =	ssettm $0x7FFFFFFF  }
0xd1: {  	_ =	shalt  }
tec
execute0_lowered:
.L_overlay_start_1:
0x0: {  	(tag) =	ssettag $0x1  }
0x1: {  	s0 =	rddreg [dreg:$0x0]  }
0x2: {  	s11 =	stileid.u32;
	s1 =	srdreg.scid;
	s2 =	simm.s32 $0x0  }
0x3: {  	s13 =	simm.s32 $0x200;
	s14 =	simm.s32 $0xA00;
	s15 =	simm.s32 $0x80  }
0x4: {  	s16 =	simm.s32 $0x1200;
	s17 =	simm.s32 $0xC0;
	s5 =	smul.u32 $0xC800, s11  }
0x5: {  	s18 =	simm.s32 $0x1A00;
	s19 =	simm.s32 $0x3;
	s8 =	smul.u32 $0x640, s11  }
0x6: {  	s1 =	sand.u32 $0x1, s1;
	s3 =	sshll.u32 s11, $0x1;
	s11 =	smul.u32 $0x190, s11  }
0x7: {  	s20 =	simm.s32 $0x20;
	s21 =	simm.s32 $0x2;
	s10 =	smul.u32 $0x320, s1  }
0x8: {  	s28 =	simm.s32 $0x3200;
	s29 =	simm.s32 $0x1C0;
	s23 =	smul.u32 $0xC8, s1  }
0x9: {  	s3 =	sor.u32 s1, s3;
	s9 =	ssub.s32 $0x2, s1;
	s1 =	smul.u32 $0x6400, s1  }
0xa: {  	s30 =	simm.s32 $0x3A00;
	[smem:$0x7FF] =	sst s2;
	s6 =	smul.u32 $0x1900, s3  }
0xb: {  	s4 =	sadd.s32 $0xC00, s0;
	_ =	strace $0x8000004A;
	s7 =	smul.u32 $0x240, s3  }
0xc: {  	s3 =	sadd.s32 $0x3D8C00, s0;
	s12 =	sshrl.u32 s9, $0x1;
	s0 =	sadd.s32 s5, s0  }
0xd: {  	s5 =	simm.s32 $0x0;
	s9 =	ssub.s32 s9, s12;
	s26 =	sadd.s32 s10, s8  }
0xe: {  	s31 =	sadd.s32 s23, s11;
	s0 =	sadd.s32 s1, s0;
	s10 =	simm.s32 $0x40  }
0xf: {  	s11 =	simm.s32 $0x400;
	s12 =	simm.s32 $0x1;
	s23 =	simm.s32 $0x2200  }
.Ltmp0:
0x10: {  	s6 =	sand.u32 $0x3F000, s6;
	s7 =	sand.u32 $0x3C0, s7;
	(pc) =	sbr.rel .LBB2_1-.Ltmp0, $4  }
0x11: {  	s25 =	smax.u32 s9, $0x1;
	[dreg:$0x4] =	wrdreg s26;
	s6 =	sor.u32 s7, s6  }
0x12: {  	[dreg:$0x5] =	wrdreg s31;
	s9 =	sadd.s32 $0x3DF000, s0;
	s6 =	sshrl.u32 s6, $0x3  }
0x13: {  	s26 =	simm.s32 $0x180;
	[dreg:$0x3] =	wrdreg s25;
	s24 =	sadd.s32 s3, s6  }
0x14: {  	s25 =	simm.s32 $0x2A00;
	[dreg:$0x2] =	wrdreg s24;
	s24 =	simm.s32 $0x140  }
.LBB2_5:
0x15: {  	s0 =	simm.s32 $0x4  }
0x16: {  	_ =	swait.ge [sflag:s0], $0x800  }
0x17: {  	[sflag:s0] =	ssyncset.done $0x0  }
0x18: {  	[sflag:s0] =	ssyncadd.s32 $0xFFFFF800  }
0x19: {  	_ =	swait.ge [sflag:s0], $0x800  }
0x1a: {  	[sflag:s0] =	ssyncset.done $0x0  }
0x1b: {  	[sflag:s0] =	ssyncadd.s32 $0xFFFFF800  }
0x1c: {  	_ =	swait.ge [sflag:s0], $0x800  }
0x1d: {  	[sflag:s0] =	ssyncset.done $0x0  }
0x1e: {  	[sflag:s0] =	ssyncadd.s32 $0xFFFFF800  }
0x1f: {  	_ =	swait.ge [sflag:s0], $0x800  }
0x20: {  	[sflag:s0] =	ssyncset.done $0x0  }
0x21: {  	s1 =	simm.s32 $0x5;
	[sflag:s0] =	ssyncadd.s32 $0xFFFFF800  }
0x22: {  	_ =	swait.ge [sflag:s1], $0x800  }
0x23: {  	[sflag:s1] =	ssyncset.done $0x0  }
0x24: {  	[sflag:s1] =	ssyncadd.s32 $0xFFFFF800  }
0x25: {  	_ =	swait.ge [sflag:s1], $0x800  }
0x26: {  	[sflag:s1] =	ssyncset.done $0x0  }
0x27: {  	[sflag:s1] =	ssyncadd.s32 $0xFFFFF800  }
0x28: {  	_ =	swait.ge [sflag:s1], $0x800  }
0x29: {  	[sflag:s1] =	ssyncset.done $0x0  }
0x2a: {  	[sflag:s1] =	ssyncadd.s32 $0xFFFFF800  }
0x2b: {  	_ =	swait.ge [sflag:s1], $0x800  }
0x2c: {  	s5 =	rddreg [dreg:$0x6]  }
0x2d: {  	s31 =	rddreg [dreg:$0x3];
	s5 =	sadd.s32 $0x1, s5  }
0x2e: {  	p0 =	sne.s32 s5, s31  }
.Ltmp1:
0x2f: {  	_ = 	snop;
	(pc) =	sbr.rel @!p0 .LBB2_6-.Ltmp1, $3  }
0x30: {  	_ =	sdelay $0x1  }
0x31: {  	[sflag:s1] =	ssyncset.done $0x0  }
0x32: {  	[sflag:s1] =	ssyncadd.s32 $0xFFFFF800  }
.LBB2_1:
.Ltmp2:
0x33: {  	[dreg:$0x6] =	wrdreg s5;
	(pc) =	sbr.rel .LBB2_2-.Ltmp2, $4  }
0x34: {  	s0 =	rddreg [dreg:$0x2]  }
0x35: {  	s8 =	rddreg [dreg:$0x5]  }
0x36: {  	s5 =	simm.s32 $0x1;
	s7 =	rddreg [dreg:$0x4];
	s6 =	simm.s32 $0x0  }
0x37: {  	[tilespmem:s2], [sflag:$0x1] =	stream.strided.gather [hbm4b:s0+s10], $0x100, s11, s10, $0x38;
	[tilespmem:$0x4200] =	vst v63  }
.LBB2_4:
0x38: {  	s6 =	sadd.s32 $0x800, s6  }
0x39: {  	p0 =	sne.s32 s6, $0x6800  }
.Ltmp3:
0x3a: {  	_ = 	snop;
	(pc) =	sbr.rel @!p0 .LBB2_5-.Ltmp3, $2  }
0x3b: {  	_ =	sdelay $0x2  }
0x3c: {  	s5 =	sadd.s32 $0x2, s5;
	s8 =	smov.u32 s1;
	s7 =	smov.u32 s0  }
.LBB2_2:
0x3d: {  	p1 =	sgt.u32 s5, $0x18  }
0x3e: {  	s0 =	sadd.s32 @!p1 $0x8, s8  }
0x3f: {  	s1 =	sadd.s32 @!p1 $0x20, s7;
	s0 =	sand.u32 @!p1 $0x78, s0  }
0x40: {  	s31 =	simm.s32 @!p1 $0x400;
	s1 =	sand.u32 @!p1 $0xFFFFE00, s1;
	s0 =	sadd.s32 @!p1 s3, s0  }
0x41: {  	s22 =	simm.s32 @!p1 $0x100;
	s0 =	sadd.s32 @!p1 s1, s0;
	s1 =	simm.s32 @!p1 $0x40  }
0x42: {  	[tilespmem:s22], [sflag:$0x2] =	stream.strided.gather @!p1 [hbm4b:s0+s1], $0x100, s31, s1, $0x38;
	[tilespmem:$0x4200] =	vst v63  }
0x43: {  	_ =	swait.ge [sflag:s12], $0x100  }
0x44: {  	p0 =	seq.s32 s6, $0x0;
	[sflag:s12] =	ssyncset.done $0x0  }
0x45: {  	s0 =	simm.s32 @!p0 $0x4;
	[sflag:s12] =	ssyncadd.s32 $0xFFFFFF00  }
0x46: {  	_ =	swait.ge @!p0 [sflag:s0], $0x800  }
0x47: {  	[sflag:s0] =	ssyncset.done @!p0 $0x0  }
0x48: {  	[sflag:s0] =	ssyncadd.s32 @!p0 $0xFFFFF800  }
0x49: {  	_ =	swait.ge @!p0 [sflag:s0], $0x800  }
0x4a: {  	[sflag:s0] =	ssyncset.done @!p0 $0x0  }
0x4b: {  	[sflag:s0] =	ssyncadd.s32 @!p0 $0xFFFFF800  }
0x4c: {  	_ =	swait.ge @!p0 [sflag:s0], $0x800  }
0x4d: {  	[sflag:s0] =	ssyncset.done @!p0 $0x0  }
0x4e: {  	[sflag:s0] =	ssyncadd.s32 @!p0 $0xFFFFF800  }
0x4f: {  	_ =	swait.ge @!p0 [sflag:s0], $0x800  }
0x50: {  	[sflag:s0] =	ssyncset.done @!p0 $0x0  }
0x51: {  	[sflag:s0] =	ssyncadd.s32 @!p0 $0xFFFFF800  }
0x52: {  	[tilespmem:s13], [sflag:$0x3] =	stream.indirect.gather [hbm4b:s4+s10], $0x20, s2, s10, $0xb8;
	[tilespmem:$0x4200] =	vst v63  }
0x53: {  	_ = 	snop  }
0x54: {  	[tilespmem:s14], [sflag:$0x3] =	stream.indirect.gather [hbm4b:s4+s10], $0x20, s10, s10, $0xb8;
	[tilespmem:$0x4200] =	vst v63  }
0x55: {  	_ = 	snop  }
0x56: {  	[tilespmem:s16], [sflag:$0x3] =	stream.indirect.gather [hbm4b:s4+s10], $0x20, s15, s10, $0xb8;
	[tilespmem:$0x4200] =	vst v63  }
0x57: {  	_ = 	snop  }
0x58: {  	[tilespmem:s18], [sflag:$0x3] =	stream.indirect.gather [hbm4b:s4+s10], $0x20, s17, s10, $0xb8;
	[tilespmem:$0x4200] =	vst v63  }
0x59: {  	_ =	swait.ge [sflag:s19], $0x800  }
0x5a: {  	[sflag:s19] =	ssyncset.done $0x0  }
0x5b: {  	[sflag:s19] =	ssyncadd.s32 $0xFFFFF800  }
0x5c: {  	_ =	swait.ge [sflag:s19], $0x800  }
0x5d: {  	[sflag:s19] =	ssyncset.done $0x0  }
0x5e: {  	[sflag:s19] =	ssyncadd.s32 $0xFFFFF800  }
0x5f: {  	_ =	swait.ge [sflag:s19], $0x800  }
0x60: {  	[sflag:s19] =	ssyncset.done $0x0  }
0x61: {  	[sflag:s19] =	ssyncadd.s32 $0xFFFFF800  }
0x62: {  	_ =	swait.ge [sflag:s19], $0x800  }
0x63: {  	[sflag:s19] =	ssyncset.done $0x0  }
0x64: {  	s31 =	sadd.s32 s6, s9;
	[sflag:s19] =	ssyncadd.s32 $0xFFFFF800  }
0x65: {  	[hbm4b:s31+s20] =	stream.strided.scatter [tilespmem:s13], [sflag:$0x4], $0x800, s15, s20, $0x38;
	[tilespmem:$0x4200] =	vst v63  }
0x66: {  	s22 =	sadd.s32 $0x4, s31  }
0x67: {  	[hbm4b:s22+s20] =	stream.strided.scatter [tilespmem:s14], [sflag:$0x4], $0x800, s15, s20, $0x38;
	[tilespmem:$0x4200] =	vst v63  }
.Ltmp4:
0x68: {  	_ = 	snop;
	(pc) =	sbr.rel @p1 .LBB2_4-.Ltmp4, $4  }
0x69: {  	s1 =	sadd.s32 $0x8, s31  }
0x6a: {  	[hbm4b:s1+s20] =	stream.strided.scatter [tilespmem:s16], [sflag:$0x4], $0x800, s15, s20, $0x38;
	[tilespmem:$0x4200] =	vst v63  }
0x6b: {  	s0 =	sadd.s32 $0x40, s7;
	s22 =	sadd.s32 $0xC, s31;
	s1 =	sadd.s32 $0x10, s8  }
0x6c: {  	[hbm4b:s22+s20] =	stream.strided.scatter [tilespmem:s18], [sflag:$0x4], $0x800, s15, s20, $0x38;
	[tilespmem:$0x4200] =	vst v63  }
0x6d: {  	s8 =	sadd.s32 $0x10, s8  }
0x6e: {  	s7 =	sadd.s32 $0x40, s7;
	s8 =	sand.u32 $0x78, s8  }
0x6f: {  	s7 =	sand.u32 $0xFFFFE00, s7;
	s8 =	sadd.s32 s3, s8  }
0x70: {  	s7 =	sadd.s32 s7, s8  }
0x71: {  	[tilespmem:s2], [sflag:$0x1] =	stream.strided.gather [hbm4b:s7+s10], $0x100, s11, s10, $0x38;
	[tilespmem:$0x4200] =	vst v63  }
0x72: {  	_ =	swait.ge [sflag:s21], $0x100  }
0x73: {  	[sflag:s21] =	ssyncset.done $0x0  }
0x74: {  	s7 =	simm.s32 @!p0 $0x5;
	[sflag:s21] =	ssyncadd.s32 $0xFFFFFF00  }
0x75: {  	_ =	swait.ge @!p0 [sflag:s7], $0x800  }
0x76: {  	[sflag:s7] =	ssyncset.done @!p0 $0x0  }
0x77: {  	[sflag:s7] =	ssyncadd.s32 @!p0 $0xFFFFF800  }
0x78: {  	_ =	swait.ge @!p0 [sflag:s7], $0x800  }
0x79: {  	[sflag:s7] =	ssyncset.done @!p0 $0x0  }
0x7a: {  	[sflag:s7] =	ssyncadd.s32 @!p0 $0xFFFFF800  }
0x7b: {  	_ =	swait.ge @!p0 [sflag:s7], $0x800  }
0x7c: {  	[sflag:s7] =	ssyncset.done @!p0 $0x0  }
0x7d: {  	[sflag:s7] =	ssyncadd.s32 @!p0 $0xFFFFF800  }
0x7e: {  	_ =	swait.ge @!p0 [sflag:s7], $0x800  }
0x7f: {  	[sflag:s7] =	ssyncset.done @!p0 $0x0  }
0x80: {  	s8 =	simm.s32 $0x100;
	[sflag:s7] =	ssyncadd.s32 @!p0 $0xFFFFF800  }
0x81: {  	[tilespmem:s23], [sflag:$0x3] =	stream.indirect.gather [hbm4b:s4+s10], $0x20, s8, s10, $0xb8;
	[tilespmem:$0x4200] =	vst v63  }
0x82: {  	_ = 	snop  }
0x83: {  	[tilespmem:s25], [sflag:$0x3] =	stream.indirect.gather [hbm4b:s4+s10], $0x20, s24, s10, $0xb8;
	[tilespmem:$0x4200] =	vst v63  }
0x84: {  	_ = 	snop  }
0x85: {  	[tilespmem:s28], [sflag:$0x3] =	stream.indirect.gather [hbm4b:s4+s10], $0x20, s26, s10, $0xb8;
	[tilespmem:$0x4200] =	vst v63  }
0x86: {  	_ = 	snop  }
0x87: {  	[tilespmem:s30], [sflag:$0x3] =	stream.indirect.gather [hbm4b:s4+s10], $0x20, s29, s10, $0xb8;
	[tilespmem:$0x4200] =	vst v63  }
0x88: {  	_ =	swait.ge [sflag:s19], $0x800  }
0x89: {  	[sflag:s19] =	ssyncset.done $0x0  }
0x8a: {  	[sflag:s19] =	ssyncadd.s32 $0xFFFFF800  }
0x8b: {  	_ =	swait.ge [sflag:s19], $0x800  }
0x8c: {  	[sflag:s19] =	ssyncset.done $0x0  }
0x8d: {  	[sflag:s19] =	ssyncadd.s32 $0xFFFFF800  }
0x8e: {  	_ =	swait.ge [sflag:s19], $0x800  }
0x8f: {  	[sflag:s19] =	ssyncset.done $0x0  }
0x90: {  	[sflag:s19] =	ssyncadd.s32 $0xFFFFF800  }
0x91: {  	_ =	swait.ge [sflag:s19], $0x800  }
0x92: {  	[sflag:s19] =	ssyncset.done $0x0  }
0x93: {  	s22 =	sadd.s32 $0x400, s31;
	[sflag:s19] =	ssyncadd.s32 $0xFFFFF800  }
0x94: {  	[hbm4b:s22+s20] =	stream.strided.scatter [tilespmem:s23], [sflag:$0x5], $0x800, s15, s20, $0x38;
	[tilespmem:$0x4200] =	vst v63  }
0x95: {  	s8 =	sadd.s32 $0x404, s31  }
0x96: {  	[hbm4b:s8+s20] =	stream.strided.scatter [tilespmem:s25], [sflag:$0x5], $0x800, s15, s20, $0x38;
	[tilespmem:$0x4200] =	vst v63  }
.Ltmp5:
0x97: {  	_ = 	snop;
	(pc) =	sbr.rel .LBB2_4-.Ltmp5, $4  }
0x98: {  	s22 =	sadd.s32 $0x408, s31  }
0x99: {  	[hbm4b:s22+s20] =	stream.strided.scatter [tilespmem:s28], [sflag:$0x5], $0x800, s15, s20, $0x38;
	[tilespmem:$0x4200] =	vst v63  }
0x9a: {  	s31 =	sadd.s32 $0x40C, s31  }
0x9b: {  	[hbm4b:s31+s20] =	stream.strided.scatter [tilespmem:s30], [sflag:$0x5], $0x800, s15, s20, $0x38;
	[tilespmem:$0x4200] =	vst v63  }
.LBB2_6:
0x9c: {  	_ =	sfence.sel $0x180000  }
0x9d: {  	[bflag:$0x0] =	sbarrier.arrive $0xFFFF  }
0x9e: {  	_ =	strace $0x9000004A  }
0x9f: {  	s0 =	stileid.u32;
	[bflag:$0x2] =	sbarrier.arrive $0xFFFF  }
0xa0: {  	p0 =	sne.s32 s0, $0x0;
	s0 =	rddreg [dreg:$0x1]  }
0xa1: {  	s0 =	sadd.s32 @!p0 $0x100000, s0  }
0xa2: {  	[sflag:s0] =	ssyncadd.tile.s32 @!p0 $0x1;
	_ =	shalt  }
.Lfunc_end2:
_tile_overlayer_lowered:
.L_overlay_start_2:
0xa3: {  	(tag) =	ssettag $0x2  }
0xa4: {  	s0 =	rddreg [dreg:$0x0];
	s2 =	stileid.u32  }
0xa5: {  	s1 =	rddreg [dreg:$0x1];
	p0 =	sne.s32 s2, $0x0  }
0xa6: {  	s3 =	rddreg [dreg:$0x2];
	[bflag:$0x3] =	sbarrier.arrive $0xFFFF;
	s2 =	simm.s32 @!p0 $0x1C06  }
0xa7: {  	[timem:s3], [sflag:s2] =	dma.local @!p0 [hbm:s0], s1  }
0xa8: {  	s0 =	simm.s32 @!p0 $0x6  }
0xa9: {  	_ =	swait.ge @!p0 [sflag:s0], s1  }
0xaa: {  	s1 =	ssub.s32 @!p0 $0x0, s1;
	[sflag:s0] =	ssyncset.done @!p0 $0x0  }
0xab: {  	[sflag:s0] =	ssyncadd.s32 @!p0 s1  }
0xac: {  	[bflag:$0x3] =	sbarrier.arrive $0xFFFF  }
0xad: {  	_ =	shalt  }

</sc_bundles>
